<compile_context>
chip_gen: v7x
topology: tpu7x:2x2x1
jax: 0.10.2.dev20260603
libtpu: 0.0.44.dev20260713+nightly
codegen_flags: <defaults>
</compile_context>

<pallas_src>
import functools

import jax
import jax.numpy as jnp
from jax import lax
from jax.experimental import pallas as pl
from jax.experimental.pallas import tpu as pltpu
from jax.experimental.pallas import tpu_sc as plsc

NW = 32
NS = 16
C = 120
IB = 4
K = 2


@functools.lru_cache(maxsize=None)
def _seg_sum_kernel(n_blocks, acc_r, F):
    rpt = acc_r // NS

    mesh = plsc.VectorSubcoreMesh(core_axis_name="c", subcore_axis_name="s")

    @functools.partial(
        pl.kernel,
        mesh=mesh,
        out_type=jax.ShapeDtypeStruct((2, acc_r, F), jnp.float32),
        scratch_types=[
            pltpu.VMEM((2, IB, C), jnp.int32),
            pltpu.VMEM((2, IB, C), jnp.int32),
            pltpu.VMEM((K, C, F), jnp.float32),
            pltpu.VMEM_SHARED((acc_r, F), jnp.float32),
            pltpu.SemaphoreType.DMA,
            pltpu.SemaphoreType.DMA,
            pltpu.SemaphoreType.DMA,
        ],
    )
    def seg_sum(x_hbm, srcm_hbm, dstm_hbm, z_hbm, out_hbm,
                src_v, dst_v, rows_v, acc_sh, gsem, ssem, isem):
        core = lax.axis_index("c")
        sub = lax.axis_index("s")
        wid = sub * 2 + core

        def wait_g(sl, j, b):
            pltpu.make_async_copy(x_hbm.at[src_v.at[sl, j]], rows_v.at[b],
                                  gsem).wait()

        def wait_s(sl, j, b):
            pltpu.make_async_copy(rows_v.at[b], acc_sh.at[dst_v.at[sl, j]],
                                  ssem).wait()

        def wait_i(blk, sl):
            pltpu.make_async_copy(srcm_hbm.at[wid, blk], src_v.at[sl],
                                  isem).wait()
            pltpu.make_async_copy(dstm_hbm.at[wid, blk], dst_v.at[sl],
                                  isem).wait()

        def fetch_i(blk, sl):
            pltpu.async_copy(srcm_hbm.at[wid, blk], src_v.at[sl], isem)
            pltpu.async_copy(dstm_hbm.at[wid, blk], dst_v.at[sl], isem)

        zcp = pltpu.make_async_copy(z_hbm, acc_sh.at[pl.ds(sub * rpt, rpt)],
                                    ssem)
        zcp.start()

        pltpu.sync_copy(srcm_hbm.at[wid, 0], src_v.at[0])
        pltpu.sync_copy(dstm_hbm.at[wid, 0], dst_v.at[0])
        if n_blocks > 1:
            fetch_i(1, 1)
        for b in range(K):
            pltpu.async_copy(x_hbm.at[src_v.at[0, b]], rows_v.at[b], gsem)
        zcp.wait()
        plsc.subcore_barrier()

        n_pairs = n_blocks * IB // K
        ppb = IB // K

        def pair(t, carry):
            blk = t // ppb
            sl = lax.rem(blk, 2)
            jb = lax.rem(t, ppb) * K
            for b in range(K):
                wait_g(sl, jb + b, b)
                pltpu.async_copy(rows_v.at[b],
                                 acc_sh.at[dst_v.at[sl, jb + b]],
                                 ssem, add=True)

            @pl.when(jnp.logical_and(jb + K < IB, t + 1 < n_pairs))
            def _():
                for b in range(K):
                    wait_s(sl, jb + b, b)
                    pltpu.async_copy(x_hbm.at[src_v.at[sl, jb + K + b]],
                                     rows_v.at[b], gsem)

            @pl.when(jnp.logical_and(jb + K >= IB, t + 1 < n_pairs))
            def _():
                for b in range(K):
                    wait_s(sl, jb + b, b)

                @pl.when(blk + 2 < n_blocks)
                def _():
                    fetch_i(blk + 2, sl)

                wait_i(blk + 1, 1 - sl)
                for b in range(K):
                    pltpu.async_copy(x_hbm.at[src_v.at[1 - sl, b]],
                                     rows_v.at[b], gsem)

            @pl.when(t + 1 >= n_pairs)
            def _():
                for b in range(K):
                    wait_s(sl, jb + b, b)
            return carry

        lax.fori_loop(0, n_pairs, pair, 0)
        plsc.subcore_barrier()

        pltpu.sync_copy(acc_sh.at[pl.ds(sub * rpt, rpt)],
                        out_hbm.at[core, pl.ds(sub * rpt, rpt)])

    return seg_sum


def _mlp_body(eps_ref, x_ref, p0_ref, p1_ref, w1_ref, b1_ref, w2_ref, b2_ref,
              o_ref):
    h = (1.0 + eps_ref[0, 0]) * x_ref[...] + p0_ref[0] + p1_ref[0]
    r = jnp.maximum(
        jnp.dot(h, w1_ref[...], preferred_element_type=jnp.float32)
        + b1_ref[...], 0.0)
    o_ref[...] = (jnp.dot(r, w2_ref[...], preferred_element_type=jnp.float32)
                  + b2_ref[...])


@functools.lru_cache(maxsize=None)
def _mlp_kernel(N, F, R, acc_r):
    grid = N // R
    return pl.pallas_call(
        _mlp_body,
        grid=(grid,),
        in_specs=[
            pl.BlockSpec((1, 1), lambda i: (0, 0)),
            pl.BlockSpec((R, F), lambda i: (i, 0)),
            pl.BlockSpec((1, R, F), lambda i: (0, i, 0)),
            pl.BlockSpec((1, R, F), lambda i: (1, i, 0)),
            pl.BlockSpec((F, F), lambda i: (0, 0)),
            pl.BlockSpec((1, F), lambda i: (0, 0)),
            pl.BlockSpec((F, F), lambda i: (0, 0)),
            pl.BlockSpec((1, F), lambda i: (0, 0)),
        ],
        out_specs=pl.BlockSpec((R, F), lambda i: (i, 0)),
        out_shape=jax.ShapeDtypeStruct((N, F), jnp.float32),
    )


@functools.lru_cache(maxsize=None)
def _l3_kernel(N, F, R, acc_r, G, HF, T):
    grid = N // R

    def body(eps_ref, x_ref, p0_ref, p1_ref, b_ref, w1_ref, b1_ref, w2_ref,
             b2_ref, wf1_ref, bf1_ref, wf2_ref, bf2_ref, o_ref, pp_ref,
             cnt_ref):
        i = pl.program_id(0)

        @pl.when(i == 0)
        def _():
            pp_ref[...] = jnp.zeros_like(pp_ref)
            cnt_ref[...] = jnp.zeros_like(cnt_ref)

        h = (1.0 + eps_ref[0, 0]) * x_ref[...] + p0_ref[0] + p1_ref[0]
        r = jnp.maximum(
            jnp.dot(h, w1_ref[...], preferred_element_type=jnp.float32)
            + b1_ref[...], 0.0)
        gi = lax.broadcasted_iota(jnp.int32, (G, R), 0)
        oh = (gi == b_ref[0, 0, :][None, :]).astype(jnp.float32)
        pp_ref[...] += jnp.dot(oh, r, preferred_element_type=jnp.float32)
        cnt_ref[...] += jnp.broadcast_to(
            jnp.sum(oh, axis=1, keepdims=True), (G, F))

        @pl.when(i == grid - 1)
        def _():
            pooled = (jnp.dot(pp_ref[...], w2_ref[...],
                              preferred_element_type=jnp.float32)
                      + cnt_ref[...] * b2_ref[...])
            f = jnp.maximum(
                jnp.dot(pooled, wf1_ref[...],
                        preferred_element_type=jnp.float32) + bf1_ref[...],
                0.0)
            o_ref[...] = (jnp.dot(f, wf2_ref[...],
                                  preferred_element_type=jnp.float32)
                          + bf2_ref[...])

    return pl.pallas_call(
        body,
        grid=(grid,),
        in_specs=[
            pl.BlockSpec((1, 1), lambda i: (0, 0)),
            pl.BlockSpec((R, F), lambda i: (i, 0)),
            pl.BlockSpec((1, R, F), lambda i: (0, i, 0)),
            pl.BlockSpec((1, R, F), lambda i: (1, i, 0)),
            pl.BlockSpec((1, 1, R), lambda i: (i, 0, 0)),
            pl.BlockSpec((F, F), lambda i: (0, 0)),
            pl.BlockSpec((1, F), lambda i: (0, 0)),
            pl.BlockSpec((F, F), lambda i: (0, 0)),
            pl.BlockSpec((1, F), lambda i: (0, 0)),
            pl.BlockSpec((F, HF), lambda i: (0, 0)),
            pl.BlockSpec((1, HF), lambda i: (0, 0)),
            pl.BlockSpec((HF, T), lambda i: (0, 0)),
            pl.BlockSpec((1, T), lambda i: (0, 0)),
        ],
        out_specs=pl.BlockSpec((G, T), lambda i: (0, 0)),
        out_shape=jax.ShapeDtypeStruct((G, T), jnp.float32),
        scratch_shapes=[
            pltpu.VMEM((G, F), jnp.float32),
            pltpu.VMEM((G, F), jnp.float32),
        ],
    )


def kernel(x, edge_index, batch,
           W1_0, b1_0, W2_0, b2_0, eps_0,
           W1_1, b1_1, W2_1, b2_1, eps_1,
           W1_2, b1_2, W2_2, b2_2, eps_2,
           Wf1, bf1, Wf2, bf2):
    N, F = x.shape
    E = edge_index.shape[1]
    G = 32
    HF = Wf1.shape[1]
    T = Wf2.shape[1]

    n_blocks = -(-E // (NW * IB * C))
    e_pad = NW * n_blocks * IB * C
    acc_r = -(-(N + 1) // (NS * 8)) * (NS * 8)

    src = edge_index[0]
    dst = edge_index[1]
    pad = e_pad - E
    pad_src = jnp.arange(pad, dtype=jnp.int32) % N
    pad_dst = N + jnp.arange(pad, dtype=jnp.int32) % (acc_r - N)
    srcm = jnp.concatenate([src, pad_src]).reshape(NW, n_blocks, IB, C)
    dstm = jnp.concatenate([dst, pad_dst]).reshape(NW, n_blocks, IB, C)
    z = jnp.zeros((acc_r // NS, F), jnp.float32)

    seg = _seg_sum_kernel(n_blocks, acc_r, F)
    R = N
    mlp = _mlp_kernel(N, F, R, acc_r)
    l3 = _l3_kernel(N, F, R, acc_r, G, HF, T)
    batch_r = batch.reshape(N // R, 1, R)

    h = x
    for (W1, b1, W2, b2, eps) in (
            (W1_0, b1_0, W2_0, b2_0, eps_0),
            (W1_1, b1_1, W2_1, b2_1, eps_1)):
        parts = seg(h, srcm, dstm, z)
        h = mlp(eps.reshape(1, 1), h, parts, parts,
                W1, b1.reshape(1, F), W2, b2.reshape(1, F))

    parts = seg(h, srcm, dstm, z)
    out = l3(eps_2.reshape(1, 1), h, parts, parts, batch_r,
             W1_2, b1_2.reshape(1, F), W2_2, b2_2.reshape(1, F),
             Wf1, bf1.reshape(1, HF), Wf2, bf2.reshape(1, T))
    return out

# --- scband reference (transcript-rebuilt; emitter-appended) ---
"""Pipeline reference for scband-gin-47459388621631 (READ-ONLY COPY).

The authoritative reference and input builder live on the scoring server;
editing this copy changes nothing except your own understanding.
"""

import jax, jax.numpy as jnp
import numpy as np

N = 10000
E = 320000
F_IN = 128
H = 128
T = 10
G = 32


def setup_inputs(seed: int = 0) -> dict:
    key = jax.random.key(seed)
    ks = jax.random.split(key, 32)
    inp = {}
    inp["x"] = jax.random.normal(ks[0], (N, F_IN), dtype=jnp.float32)
    inp["edge_index"] = jax.random.randint(ks[1], (2, E), 0, N, dtype=jnp.int32)
    inp["batch"] = jnp.sort(jax.random.randint(ks[2], (N,), 0, G, dtype=jnp.int32))
    dims = [(F_IN, H), (H, H), (H, H)]
    k = 3
    for i, (din, _) in enumerate(dims):
        inp[f"W1_{i}"] = jax.random.normal(ks[k], (din, H), dtype=jnp.float32) * (1.0 / np.sqrt(din)); k += 1
        inp[f"b1_{i}"] = jnp.zeros((H,), dtype=jnp.float32)
        inp[f"W2_{i}"] = jax.random.normal(ks[k], (H, H), dtype=jnp.float32) * (1.0 / np.sqrt(H)); k += 1
        inp[f"b2_{i}"] = jnp.zeros((H,), dtype=jnp.float32)
        inp[f"eps_{i}"] = jnp.zeros((), dtype=jnp.float32)
    inp["Wf1"] = jax.random.normal(ks[k], (H, 64), dtype=jnp.float32) * (1.0 / np.sqrt(H)); k += 1
    inp["bf1"] = jnp.zeros((64,), dtype=jnp.float32)
    inp["Wf2"] = jax.random.normal(ks[k], (64, T), dtype=jnp.float32) * (1.0 / np.sqrt(64.0)); k += 1
    inp["bf2"] = jnp.zeros((T,), dtype=jnp.float32)
    return inp


def _gin_conv(x, edge_index, eps, W1, b1, W2, b2):
    # PyG GINConv: out = MLP((1 + eps) * x + sum_{j in N(i)} x_j)
    src = edge_index[0]
    dst = edge_index[1]
    agg = jax.ops.segment_sum(x[src], dst, num_segments=x.shape[0])
    h = (1.0 + eps) * x + agg
    h = jnp.maximum(h @ W1 + b1, 0.0)  # Linear + ReLU
    h = h @ W2 + b2                     # final Linear (hidden_layers=2)
    return h


def reference(x, edge_index, batch,
              W1_0, b1_0, W2_0, b2_0, eps_0,
              W1_1, b1_1, W2_1, b2_1, eps_1,
              W1_2, b1_2, W2_2, b2_2, eps_2,
              Wf1, bf1, Wf2, bf2):
    # dropout p=0.0 -> identity
    h = x
    h = _gin_conv(h, edge_index, eps_0, W1_0, b1_0, W2_0, b2_0)
    h = _gin_conv(h, edge_index, eps_1, W1_1, b1_1, W2_1, b2_1)
    h = _gin_conv(h, edge_index, eps_2, W1_2, b1_2, W2_2, b2_2)
    pooled = jax.ops.segment_sum(h, batch, num_segments=G)  # global_add_pool
    out = jnp.maximum(pooled @ Wf1 + bf1, 0.0) @ Wf2 + bf2  # final MLP
    return out

if __name__ == "__main__":
    import jax
    _d = setup_inputs()
    print(jax.jit(kernel)(*tuple(_d.values())))

</pallas_src>

<mosaic_0001>
#map = affine_map<(d0, d1) -> (0, 0)>
#map1 = affine_map<(d0, d1) -> (0, 0, 0, 0)>
#map2 = affine_map<(d0, d1) -> (0, 0, 0)>
module attributes {stable_mosaic.version = 14 : i64} {
  func.func @seg_sum(%arg0: i32, %arg1: i32, %arg2: memref<10000x128xf32, #tpu.memory_space<hbm>>, %arg3: memref<32x21x4x120xi32, #tpu.memory_space<hbm>>, %arg4: memref<32x21x4x120xi32, #tpu.memory_space<hbm>>, %arg5: memref<632x128xf32, #tpu.memory_space<hbm>>, %arg6: memref<2x10112x128xf32, #tpu.memory_space<hbm>>, %arg7: memref<2x4x120xi32, #tpu.memory_space<vmem>>, %arg8: memref<2x4x120xi32, #tpu.memory_space<vmem>>, %arg9: memref<2x120x128xf32, #tpu.memory_space<vmem>>, %arg10: memref<10112x128xf32, #tpu.memory_space<vmem_shared>>, %arg11: memref<!tpu.dma_semaphore, #tpu.memory_space<semaphore_mem>>, %arg12: memref<!tpu.dma_semaphore, #tpu.memory_space<semaphore_mem>>, %arg13: memref<!tpu.dma_semaphore, #tpu.memory_space<semaphore_mem>>) attributes {dimension_semantics = [#tpu.dimension_semantics<core_parallel>, #tpu.dimension_semantics<subcore_parallel>], iteration_bounds = array<i64: 2, 16>, scalar_prefetch = 0 : i64, scratch_operands = 7 : i64, tpu.core_type = #tpu.core_type<sc_vector_subcore>, window_params = [{transform_indices = #map}, {transform_indices = #map1}, {transform_indices = #map1}, {transform_indices = #map}, {transform_indices = #map2}]} {
    %mul3A = arith.constant 2 : i32
    %mul3A_0 = arith.muli %arg1, %mul3A : i32
    %add3A = arith.addi %mul3A_0, %arg0 : i32
    %mul3A_1 = arith.constant 632 : i32
    %mul3A_2 = arith.muli %arg1, %mul3A_1 : i32
    %dma_start3A = arith.constant 0 : i32
    %dma_start3A_3 = tpu.memref_slice %arg10[%mul3A_2, %dma_start3A] : memref<10112x128xf32, #tpu.memory_space<vmem_shared>> -> memref<632x128xf32, #tpu.memory_space<vmem_shared>>
    tpu.enqueue_dma source(%arg5 : memref<632x128xf32, #tpu.memory_space<hbm>>) target(%dma_start3A_3 : memref<632x128xf32, #tpu.memory_space<vmem_shared>>) target_semaphore(%arg12 : memref<!tpu.dma_semaphore, #tpu.memory_space<semaphore_mem>>)
    %run_scoped3A = arith.constant 0 : i32
    %run_scoped3A_4 = arith.constant 0 : i32
    "tpu.region"() ({
      %run_scoped3A_80 = tpu.sem_alloc : memref<!tpu.dma_semaphore, #tpu.memory_space<semaphore_mem>>
      %dma_start3A_81 = arith.constant 0 : i32
      %dma_start3A_82 = arith.constant 0 : i32
      %dma_start3A_83 = tpu.memref_slice %arg7[%run_scoped3A_4, %dma_start3A_81, %dma_start3A_82] : memref<2x4x120xi32, #tpu.memory_space<vmem>> -> memref<1x4x120xi32, #tpu.memory_space<vmem>>
      %dma_start3A_84 = tpu.memref_squeeze %dma_start3A_83 : memref<1x4x120xi32, #tpu.memory_space<vmem>> -> memref<4x120xi32, #tpu.memory_space<vmem>>
      %dma_start3A_85 = arith.constant 0 : i32
      %dma_start3A_86 = arith.constant 0 : i32
      %dma_start3A_87 = tpu.memref_slice %arg3[%add3A, %run_scoped3A, %dma_start3A_85, %dma_start3A_86] : memref<32x21x4x120xi32, #tpu.memory_space<hbm>> -> memref<1x1x4x120xi32, #tpu.memory_space<hbm>>
      %dma_start3A_88 = tpu.memref_squeeze %dma_start3A_87 : memref<1x1x4x120xi32, #tpu.memory_space<hbm>> -> memref<4x120xi32, #tpu.memory_space<hbm>>
      %dma_start3A_89 = arith.constant 0 : i32
      %dma_start3A_90 = arith.constant 0 : i32
      %dma_start3A_91 = tpu.memref_slice %arg7[%run_scoped3A_4, %dma_start3A_89, %dma_start3A_90] : memref<2x4x120xi32, #tpu.memory_space<vmem>> -> memref<1x4x120xi32, #tpu.memory_space<vmem>>
      %dma_start3A_92 = tpu.memref_squeeze %dma_start3A_91 : memref<1x4x120xi32, #tpu.memory_space<vmem>> -> memref<4x120xi32, #tpu.memory_space<vmem>>
      %dma_start3A_93 = arith.constant 0 : i32
      %dma_start3A_94 = arith.constant 0 : i32
      %dma_start3A_95 = tpu.memref_slice %arg3[%add3A, %run_scoped3A, %dma_start3A_93, %dma_start3A_94] : memref<32x21x4x120xi32, #tpu.memory_space<hbm>> -> memref<1x1x4x120xi32, #tpu.memory_space<hbm>>
      %dma_start3A_96 = tpu.memref_squeeze %dma_start3A_95 : memref<1x1x4x120xi32, #tpu.memory_space<hbm>> -> memref<4x120xi32, #tpu.memory_space<hbm>>
      tpu.enqueue_dma source(%dma_start3A_96 : memref<4x120xi32, #tpu.memory_space<hbm>>) target(%dma_start3A_92 : memref<4x120xi32, #tpu.memory_space<vmem>>) target_semaphore(%run_scoped3A_80 : memref<!tpu.dma_semaphore, #tpu.memory_space<semaphore_mem>>)
      %dma_wait3A_97 = arith.constant 0 : i32
      %dma_wait3A_98 = arith.constant 0 : i32
      %dma_wait3A_99 = tpu.memref_slice %arg7[%run_scoped3A_4, %dma_wait3A_97, %dma_wait3A_98] : memref<2x4x120xi32, #tpu.memory_space<vmem>> -> memref<1x4x120xi32, #tpu.memory_space<vmem>>
      %dma_wait3A_100 = tpu.memref_squeeze %dma_wait3A_99 : memref<1x4x120xi32, #tpu.memory_space<vmem>> -> memref<4x120xi32, #tpu.memory_space<vmem>>
      %dma_wait3A_101 = arith.constant 0 : i32
      %dma_wait3A_102 = arith.constant 0 : i32
      %dma_wait3A_103 = tpu.memref_slice %arg3[%add3A, %run_scoped3A, %dma_wait3A_101, %dma_wait3A_102] : memref<32x21x4x120xi32, #tpu.memory_space<hbm>> -> memref<1x1x4x120xi32, #tpu.memory_space<hbm>>
      %dma_wait3A_104 = tpu.memref_squeeze %dma_wait3A_103 : memref<1x1x4x120xi32, #tpu.memory_space<hbm>> -> memref<4x120xi32, #tpu.memory_space<hbm>>
      %dma_wait3A_105 = arith.constant 0 : i32
      %dma_wait3A_106 = arith.constant 0 : i32
      %dma_wait3A_107 = tpu.memref_slice %arg7[%run_scoped3A_4, %dma_wait3A_105, %dma_wait3A_106] : memref<2x4x120xi32, #tpu.memory_space<vmem>> -> memref<1x4x120xi32, #tpu.memory_space<vmem>>
      %dma_wait3A_108 = tpu.memref_squeeze %dma_wait3A_107 : memref<1x4x120xi32, #tpu.memory_space<vmem>> -> memref<4x120xi32, #tpu.memory_space<vmem>>
      %dma_wait3A_109 = arith.constant 0 : i32
      %dma_wait3A_110 = arith.constant 0 : i32
      %dma_wait3A_111 = tpu.memref_slice %arg3[%add3A, %run_scoped3A, %dma_wait3A_109, %dma_wait3A_110] : memref<32x21x4x120xi32, #tpu.memory_space<hbm>> -> memref<1x1x4x120xi32, #tpu.memory_space<hbm>>
      %dma_wait3A_112 = tpu.memref_squeeze %dma_wait3A_111 : memref<1x1x4x120xi32, #tpu.memory_space<hbm>> -> memref<4x120xi32, #tpu.memory_space<hbm>>
      tpu.wait_dma2 semaphore(%run_scoped3A_80 : memref<!tpu.dma_semaphore, #tpu.memory_space<semaphore_mem>>) src(%dma_wait3A_112 : memref<4x120xi32, #tpu.memory_space<hbm>>) dst(%dma_wait3A_108 : memref<4x120xi32, #tpu.memory_space<vmem>>)
      tpu.yield
    }) : () -> ()
    %run_scoped3A_5 = arith.constant 0 : i32
    %run_scoped3A_6 = arith.constant 0 : i32
    "tpu.region"() ({
      %run_scoped3A_80 = tpu.sem_alloc : memref<!tpu.dma_semaphore, #tpu.memory_space<semaphore_mem>>
      %dma_start3A_81 = arith.constant 0 : i32
      %dma_start3A_82 = arith.constant 0 : i32
      %dma_start3A_83 = tpu.memref_slice %arg8[%run_scoped3A_6, %dma_start3A_81, %dma_start3A_82] : memref<2x4x120xi32, #tpu.memory_space<vmem>> -> memref<1x4x120xi32, #tpu.memory_space<vmem>>
      %dma_start3A_84 = tpu.memref_squeeze %dma_start3A_83 : memref<1x4x120xi32, #tpu.memory_space<vmem>> -> memref<4x120xi32, #tpu.memory_space<vmem>>
      %dma_start3A_85 = arith.constant 0 : i32
      %dma_start3A_86 = arith.constant 0 : i32
      %dma_start3A_87 = tpu.memref_slice %arg4[%add3A, %run_scoped3A_5, %dma_start3A_85, %dma_start3A_86] : memref<32x21x4x120xi32, #tpu.memory_space<hbm>> -> memref<1x1x4x120xi32, #tpu.memory_space<hbm>>
      %dma_start3A_88 = tpu.memref_squeeze %dma_start3A_87 : memref<1x1x4x120xi32, #tpu.memory_space<hbm>> -> memref<4x120xi32, #tpu.memory_space<hbm>>
      %dma_start3A_89 = arith.constant 0 : i32
      %dma_start3A_90 = arith.constant 0 : i32
      %dma_start3A_91 = tpu.memref_slice %arg8[%run_scoped3A_6, %dma_start3A_89, %dma_start3A_90] : memref<2x4x120xi32, #tpu.memory_space<vmem>> -> memref<1x4x120xi32, #tpu.memory_space<vmem>>
      %dma_start3A_92 = tpu.memref_squeeze %dma_start3A_91 : memref<1x4x120xi32, #tpu.memory_space<vmem>> -> memref<4x120xi32, #tpu.memory_space<vmem>>
      %dma_start3A_93 = arith.constant 0 : i32
      %dma_start3A_94 = arith.constant 0 : i32
      %dma_start3A_95 = tpu.memref_slice %arg4[%add3A, %run_scoped3A_5, %dma_start3A_93, %dma_start3A_94] : memref<32x21x4x120xi32, #tpu.memory_space<hbm>> -> memref<1x1x4x120xi32, #tpu.memory_space<hbm>>
      %dma_start3A_96 = tpu.memref_squeeze %dma_start3A_95 : memref<1x1x4x120xi32, #tpu.memory_space<hbm>> -> memref<4x120xi32, #tpu.memory_space<hbm>>
      tpu.enqueue_dma source(%dma_start3A_96 : memref<4x120xi32, #tpu.memory_space<hbm>>) target(%dma_start3A_92 : memref<4x120xi32, #tpu.memory_space<vmem>>) target_semaphore(%run_scoped3A_80 : memref<!tpu.dma_semaphore, #tpu.memory_space<semaphore_mem>>)
      %dma_wait3A_97 = arith.constant 0 : i32
      %dma_wait3A_98 = arith.constant 0 : i32
      %dma_wait3A_99 = tpu.memref_slice %arg8[%run_scoped3A_6, %dma_wait3A_97, %dma_wait3A_98] : memref<2x4x120xi32, #tpu.memory_space<vmem>> -> memref<1x4x120xi32, #tpu.memory_space<vmem>>
      %dma_wait3A_100 = tpu.memref_squeeze %dma_wait3A_99 : memref<1x4x120xi32, #tpu.memory_space<vmem>> -> memref<4x120xi32, #tpu.memory_space<vmem>>
      %dma_wait3A_101 = arith.constant 0 : i32
      %dma_wait3A_102 = arith.constant 0 : i32
      %dma_wait3A_103 = tpu.memref_slice %arg4[%add3A, %run_scoped3A_5, %dma_wait3A_101, %dma_wait3A_102] : memref<32x21x4x120xi32, #tpu.memory_space<hbm>> -> memref<1x1x4x120xi32, #tpu.memory_space<hbm>>
      %dma_wait3A_104 = tpu.memref_squeeze %dma_wait3A_103 : memref<1x1x4x120xi32, #tpu.memory_space<hbm>> -> memref<4x120xi32, #tpu.memory_space<hbm>>
      %dma_wait3A_105 = arith.constant 0 : i32
      %dma_wait3A_106 = arith.constant 0 : i32
      %dma_wait3A_107 = tpu.memref_slice %arg8[%run_scoped3A_6, %dma_wait3A_105, %dma_wait3A_106] : memref<2x4x120xi32, #tpu.memory_space<vmem>> -> memref<1x4x120xi32, #tpu.memory_space<vmem>>
      %dma_wait3A_108 = tpu.memref_squeeze %dma_wait3A_107 : memref<1x4x120xi32, #tpu.memory_space<vmem>> -> memref<4x120xi32, #tpu.memory_space<vmem>>
      %dma_wait3A_109 = arith.constant 0 : i32
      %dma_wait3A_110 = arith.constant 0 : i32
      %dma_wait3A_111 = tpu.memref_slice %arg4[%add3A, %run_scoped3A_5, %dma_wait3A_109, %dma_wait3A_110] : memref<32x21x4x120xi32, #tpu.memory_space<hbm>> -> memref<1x1x4x120xi32, #tpu.memory_space<hbm>>
      %dma_wait3A_112 = tpu.memref_squeeze %dma_wait3A_111 : memref<1x1x4x120xi32, #tpu.memory_space<hbm>> -> memref<4x120xi32, #tpu.memory_space<hbm>>
      tpu.wait_dma2 semaphore(%run_scoped3A_80 : memref<!tpu.dma_semaphore, #tpu.memory_space<semaphore_mem>>) src(%dma_wait3A_112 : memref<4x120xi32, #tpu.memory_space<hbm>>) dst(%dma_wait3A_108 : memref<4x120xi32, #tpu.memory_space<vmem>>)
      tpu.yield
    }) : () -> ()
    %dma_start3A_7 = arith.constant 1 : i32
    %dma_start3A_8 = arith.constant 1 : i32
    %dma_start3A_9 = arith.constant 0 : i32
    %dma_start3A_10 = arith.constant 0 : i32
    %dma_start3A_11 = tpu.memref_slice %arg7[%dma_start3A_8, %dma_start3A_9, %dma_start3A_10] : memref<2x4x120xi32, #tpu.memory_space<vmem>> -> memref<1x4x120xi32, #tpu.memory_space<vmem>>
    %dma_start3A_12 = tpu.memref_squeeze %dma_start3A_11 : memref<1x4x120xi32, #tpu.memory_space<vmem>> -> memref<4x120xi32, #tpu.memory_space<vmem>>
    %dma_start3A_13 = arith.constant 0 : i32
    %dma_start3A_14 = arith.constant 0 : i32
    %dma_start3A_15 = tpu.memref_slice %arg3[%add3A, %dma_start3A_7, %dma_start3A_13, %dma_start3A_14] : memref<32x21x4x120xi32, #tpu.memory_space<hbm>> -> memref<1x1x4x120xi32, #tpu.memory_space<hbm>>
    %dma_start3A_16 = tpu.memref_squeeze %dma_start3A_15 : memref<1x1x4x120xi32, #tpu.memory_space<hbm>> -> memref<4x120xi32, #tpu.memory_space<hbm>>
    %dma_start3A_17 = arith.constant 0 : i32
    %dma_start3A_18 = arith.constant 0 : i32
    %dma_start3A_19 = tpu.memref_slice %arg7[%dma_start3A_8, %dma_start3A_17, %dma_start3A_18] : memref<2x4x120xi32, #tpu.memory_space<vmem>> -> memref<1x4x120xi32, #tpu.memory_space<vmem>>
    %dma_start3A_20 = tpu.memref_squeeze %dma_start3A_19 : memref<1x4x120xi32, #tpu.memory_space<vmem>> -> memref<4x120xi32, #tpu.memory_space<vmem>>
    %dma_start3A_21 = arith.constant 0 : i32
    %dma_start3A_22 = arith.constant 0 : i32
    %dma_start3A_23 = tpu.memref_slice %arg3[%add3A, %dma_start3A_7, %dma_start3A_21, %dma_start3A_22] : memref<32x21x4x120xi32, #tpu.memory_space<hbm>> -> memref<1x1x4x120xi32, #tpu.memory_space<hbm>>
    %dma_start3A_24 = tpu.memref_squeeze %dma_start3A_23 : memref<1x1x4x120xi32, #tpu.memory_space<hbm>> -> memref<4x120xi32, #tpu.memory_space<hbm>>
    tpu.enqueue_dma source(%dma_start3A_24 : memref<4x120xi32, #tpu.memory_space<hbm>>) target(%dma_start3A_20 : memref<4x120xi32, #tpu.memory_space<vmem>>) target_semaphore(%arg13 : memref<!tpu.dma_semaphore, #tpu.memory_space<semaphore_mem>>)
    %dma_start3A_25 = arith.constant 1 : i32
    %dma_start3A_26 = arith.constant 1 : i32
    %dma_start3A_27 = arith.constant 0 : i32
    %dma_start3A_28 = arith.constant 0 : i32
    %dma_start3A_29 = tpu.memref_slice %arg8[%dma_start3A_26, %dma_start3A_27, %dma_start3A_28] : memref<2x4x120xi32, #tpu.memory_space<vmem>> -> memref<1x4x120xi32, #tpu.memory_space<vmem>>
    %dma_start3A_30 = tpu.memref_squeeze %dma_start3A_29 : memref<1x4x120xi32, #tpu.memory_space<vmem>> -> memref<4x120xi32, #tpu.memory_space<vmem>>
    %dma_start3A_31 = arith.constant 0 : i32
    %dma_start3A_32 = arith.constant 0 : i32
    %dma_start3A_33 = tpu.memref_slice %arg4[%add3A, %dma_start3A_25, %dma_start3A_31, %dma_start3A_32] : memref<32x21x4x120xi32, #tpu.memory_space<hbm>> -> memref<1x1x4x120xi32, #tpu.memory_space<hbm>>
    %dma_start3A_34 = tpu.memref_squeeze %dma_start3A_33 : memref<1x1x4x120xi32, #tpu.memory_space<hbm>> -> memref<4x120xi32, #tpu.memory_space<hbm>>
    %dma_start3A_35 = arith.constant 0 : i32
    %dma_start3A_36 = arith.constant 0 : i32
    %dma_start3A_37 = tpu.memref_slice %arg8[%dma_start3A_26, %dma_start3A_35, %dma_start3A_36] : memref<2x4x120xi32, #tpu.memory_space<vmem>> -> memref<1x4x120xi32, #tpu.memory_space<vmem>>
    %dma_start3A_38 = tpu.memref_squeeze %dma_start3A_37 : memref<1x4x120xi32, #tpu.memory_space<vmem>> -> memref<4x120xi32, #tpu.memory_space<vmem>>
    %dma_start3A_39 = arith.constant 0 : i32
    %dma_start3A_40 = arith.constant 0 : i32
    %dma_start3A_41 = tpu.memref_slice %arg4[%add3A, %dma_start3A_25, %dma_start3A_39, %dma_start3A_40] : memref<32x21x4x120xi32, #tpu.memory_space<hbm>> -> memref<1x1x4x120xi32, #tpu.memory_space<hbm>>
    %dma_start3A_42 = tpu.memref_squeeze %dma_start3A_41 : memref<1x1x4x120xi32, #tpu.memory_space<hbm>> -> memref<4x120xi32, #tpu.memory_space<hbm>>
    tpu.enqueue_dma source(%dma_start3A_42 : memref<4x120xi32, #tpu.memory_space<hbm>>) target(%dma_start3A_38 : memref<4x120xi32, #tpu.memory_space<vmem>>) target_semaphore(%arg13 : memref<!tpu.dma_semaphore, #tpu.memory_space<semaphore_mem>>)
    %dma_start3A_43 = arith.constant 0 : i32
    %dma_start3A_44 = arith.constant 0 : i32
    %dma_start3A_45 = arith.constant 0 : i32
    %dma_start3A_46 = arith.constant 0 : i32
    %dma_start3A_47 = arith.constant 0 : i32
    %dma_start3A_48 = tpu.memref_slice %arg9[%dma_start3A_45, %dma_start3A_46, %dma_start3A_47] : memref<2x120x128xf32, #tpu.memory_space<vmem>> -> memref<1x120x128xf32, #tpu.memory_space<vmem>>
    %dma_start3A_49 = tpu.memref_squeeze %dma_start3A_48 : memref<1x120x128xf32, #tpu.memory_space<vmem>> -> memref<120x128xf32, #tpu.memory_space<vmem>>
    %dma_start3A_50 = arith.constant 0 : i32
    %dma_start3A_51 = tpu.memref_slice %arg7[%dma_start3A_43, %dma_start3A_44, %dma_start3A_50] : memref<2x4x120xi32, #tpu.memory_space<vmem>> -> memref<1x1x120xi32, #tpu.memory_space<vmem>>
    %dma_start3A_52 = tpu.memref_squeeze %dma_start3A_51 : memref<1x1x120xi32, #tpu.memory_space<vmem>> -> memref<120xi32, #tpu.memory_space<vmem>>
    %dma_start3A_53 = arith.constant 0 : i32
    %dma_start3A_54 = arith.constant 0 : i32
    %dma_start3A_55 = tpu.memref_slice %arg2[%dma_start3A_53, %dma_start3A_54] : memref<10000x128xf32, #tpu.memory_space<hbm>> -> memref<10000x128xf32, #tpu.memory_space<hbm>>
    tpu.enqueue_indirect_dma source(%dma_start3A_55 : memref<10000x128xf32, #tpu.memory_space<hbm>>) target(%dma_start3A_49 : memref<120x128xf32, #tpu.memory_space<vmem>>) offsets(%dma_start3A_52 : memref<120xi32, #tpu.memory_space<vmem>>) semaphore(%arg11 : memref<!tpu.dma_semaphore, #tpu.memory_space<semaphore_mem>>)
    %dma_start3A_56 = arith.constant 0 : i32
    %dma_start3A_57 = arith.constant 1 : i32
    %dma_start3A_58 = arith.constant 1 : i32
    %dma_start3A_59 = arith.constant 0 : i32
    %dma_start3A_60 = arith.constant 0 : i32
    %dma_start3A_61 = tpu.memref_slice %arg9[%dma_start3A_58, %dma_start3A_59, %dma_start3A_60] : memref<2x120x128xf32, #tpu.memory_space<vmem>> -> memref<1x120x128xf32, #tpu.memory_space<vmem>>
    %dma_start3A_62 = tpu.memref_squeeze %dma_start3A_61 : memref<1x120x128xf32, #tpu.memory_space<vmem>> -> memref<120x128xf32, #tpu.memory_space<vmem>>
    %dma_start3A_63 = arith.constant 0 : i32
    %dma_start3A_64 = tpu.memref_slice %arg7[%dma_start3A_56, %dma_start3A_57, %dma_start3A_63] : memref<2x4x120xi32, #tpu.memory_space<vmem>> -> memref<1x1x120xi32, #tpu.memory_space<vmem>>
    %dma_start3A_65 = tpu.memref_squeeze %dma_start3A_64 : memref<1x1x120xi32, #tpu.memory_space<vmem>> -> memref<120xi32, #tpu.memory_space<vmem>>
    %dma_start3A_66 = arith.constant 0 : i32
    %dma_start3A_67 = arith.constant 0 : i32
    %dma_start3A_68 = tpu.memref_slice %arg2[%dma_start3A_66, %dma_start3A_67] : memref<10000x128xf32, #tpu.memory_space<hbm>> -> memref<10000x128xf32, #tpu.memory_space<hbm>>
    tpu.enqueue_indirect_dma source(%dma_start3A_68 : memref<10000x128xf32, #tpu.memory_space<hbm>>) target(%dma_start3A_62 : memref<120x128xf32, #tpu.memory_space<vmem>>) offsets(%dma_start3A_65 : memref<120xi32, #tpu.memory_space<vmem>>) semaphore(%arg11 : memref<!tpu.dma_semaphore, #tpu.memory_space<semaphore_mem>>)
    %dma_wait3A = arith.constant 0 : i32
    %dma_wait3A_69 = tpu.memref_slice %arg10[%mul3A_2, %dma_wait3A] : memref<10112x128xf32, #tpu.memory_space<vmem_shared>> -> memref<632x128xf32, #tpu.memory_space<vmem_shared>>
    tpu.wait_dma2 semaphore(%arg12 : memref<!tpu.dma_semaphore, #tpu.memory_space<semaphore_mem>>) src(%arg5 : memref<632x128xf32, #tpu.memory_space<hbm>>) dst(%dma_wait3A_69 : memref<632x128xf32, #tpu.memory_space<vmem_shared>>)
    %barrier3A = arith.constant 0 : index
    tpu.barrier barrier_id(%barrier3A)
    %scan3A = arith.constant 0 : i32
    %scan3A_70 = arith.constant 0 : i32
    %scan3A_71 = arith.constant 42 : i32
    %scan3A_72 = arith.addi %scan3A_70, %scan3A_71 : i32
    %scan3A_73 = arith.constant 1 : i32
    scf.for %scan3A_80 = %scan3A_70 to %scan3A_72 step %scan3A_73  : i32 {
      %jit3A = arith.constant 2 : i32
      %div3A = arith.divsi %scan3A_80, %jit3A : i32
      %sign3A = arith.constant 0 : i32
      %sign3A_81 = arith.cmpi sgt, %scan3A_80, %sign3A : i32
      %sign3A_82 = arith.extui %sign3A_81 : i1 to i32
      %sign3A_83 = arith.constant 0 : i32
      %sign3A_84 = arith.cmpi slt, %scan3A_80, %sign3A_83 : i32
      %sign3A_85 = arith.extui %sign3A_84 : i1 to i32
      %sign3A_86 = arith.subi %sign3A_82, %sign3A_85 : i32
      %sign3A_87 = arith.constant 0 : i32
      %sign3A_88 = arith.cmpi sgt, %jit3A, %sign3A_87 : i32
      %sign3A_89 = arith.extui %sign3A_88 : i1 to i32
      %sign3A_90 = arith.constant 0 : i32
      %sign3A_91 = arith.cmpi slt, %jit3A, %sign3A_90 : i32
      %sign3A_92 = arith.extui %sign3A_91 : i1 to i32
      %sign3A_93 = arith.subi %sign3A_89, %sign3A_92 : i32
      %ne3A = arith.cmpi ne, %sign3A_86, %sign3A_93 : i32
      %rem3A = arith.remsi %scan3A_80, %jit3A : i32
      %ne3A_94 = arith.constant 0 : i32
      %ne3A_95 = arith.cmpi ne, %rem3A, %ne3A_94 : i32
      %and3A = arith.andi %ne3A, %ne3A_95 : i1
      %sub3A = arith.constant 1 : i32
      %sub3A_96 = arith.subi %div3A, %sub3A : i32
      %select_n3A = arith.select %and3A, %sub3A_96, %div3A : i32
      %rem3A_97 = arith.constant 2 : i32
      %rem3A_98 = arith.remsi %select_n3A, %rem3A_97 : i32
      %rem3A_99 = arith.constant 2 : i32
      %rem3A_100 = arith.remsi %scan3A_80, %rem3A_99 : i32
      %mul3A_101 = arith.constant 2 : i32
      %mul3A_102 = arith.muli %rem3A_100, %mul3A_101 : i32
      %add3A_103 = arith.constant 0 : i32
      %add3A_104 = arith.addi %mul3A_102, %add3A_103 : i32
      %dma_wait3A_105 = arith.constant 0 : i32
      %dma_wait3A_106 = arith.constant 0 : i32
      %dma_wait3A_107 = arith.constant 0 : i32
      %dma_wait3A_108 = tpu.memref_slice %arg9[%dma_wait3A_105, %dma_wait3A_106, %dma_wait3A_107] : memref<2x120x128xf32, #tpu.memory_space<vmem>> -> memref<1x120x128xf32, #tpu.memory_space<vmem>>
      %dma_wait3A_109 = tpu.memref_squeeze %dma_wait3A_108 : memref<1x120x128xf32, #tpu.memory_space<vmem>> -> memref<120x128xf32, #tpu.memory_space<vmem>>
      %dma_wait3A_110 = arith.constant 0 : i32
      %dma_wait3A_111 = tpu.memref_slice %arg7[%rem3A_98, %add3A_104, %dma_wait3A_110] : memref<2x4x120xi32, #tpu.memory_space<vmem>> -> memref<1x1x120xi32, #tpu.memory_space<vmem>>
      %dma_wait3A_112 = tpu.memref_squeeze %dma_wait3A_111 : memref<1x1x120xi32, #tpu.memory_space<vmem>> -> memref<120xi32, #tpu.memory_space<vmem>>
      %dma_wait3A_113 = arith.constant 0 : i32
      %dma_wait3A_114 = arith.constant 0 : i32
      %dma_wait3A_115 = tpu.memref_slice %arg2[%dma_wait3A_113, %dma_wait3A_114] : memref<10000x128xf32, #tpu.memory_space<hbm>> -> memref<10000x128xf32, #tpu.memory_space<hbm>>
      tpu.wait_indirect_dma semaphore(%arg11 : memref<!tpu.dma_semaphore, #tpu.memory_space<semaphore_mem>>) src(%dma_wait3A_115 : memref<10000x128xf32, #tpu.memory_space<hbm>>) dst(%dma_wait3A_109 : memref<120x128xf32, #tpu.memory_space<vmem>>)
      %add3A_116 = arith.constant 0 : i32
      %add3A_117 = arith.addi %mul3A_102, %add3A_116 : i32
      %dma_start3A_118 = arith.constant 0 : i32
      %dma_start3A_119 = arith.constant 0 : i32
      %dma_start3A_120 = arith.constant 0 : i32
      %dma_start3A_121 = tpu.memref_slice %arg9[%dma_start3A_118, %dma_start3A_119, %dma_start3A_120] : memref<2x120x128xf32, #tpu.memory_space<vmem>> -> memref<1x120x128xf32, #tpu.memory_space<vmem>>
      %dma_start3A_122 = tpu.memref_squeeze %dma_start3A_121 : memref<1x120x128xf32, #tpu.memory_space<vmem>> -> memref<120x128xf32, #tpu.memory_space<vmem>>
      %dma_start3A_123 = arith.constant 0 : i32
      %dma_start3A_124 = tpu.memref_slice %arg8[%rem3A_98, %add3A_117, %dma_start3A_123] : memref<2x4x120xi32, #tpu.memory_space<vmem>> -> memref<1x1x120xi32, #tpu.memory_space<vmem>>
      %dma_start3A_125 = tpu.memref_squeeze %dma_start3A_124 : memref<1x1x120xi32, #tpu.memory_space<vmem>> -> memref<120xi32, #tpu.memory_space<vmem>>
      %dma_start3A_126 = arith.constant 0 : i32
      %dma_start3A_127 = arith.constant 0 : i32
      %dma_start3A_128 = tpu.memref_slice %arg10[%dma_start3A_126, %dma_start3A_127] : memref<10112x128xf32, #tpu.memory_space<vmem_shared>> -> memref<10112x128xf32, #tpu.memory_space<vmem_shared>>
      tpu.enqueue_indirect_dma source(%dma_start3A_122 : memref<120x128xf32, #tpu.memory_space<vmem>>) target(%dma_start3A_128 : memref<10112x128xf32, #tpu.memory_space<vmem_shared>>) offsets(%dma_start3A_125 : memref<120xi32, #tpu.memory_space<vmem>>) semaphore(%arg12 : memref<!tpu.dma_semaphore, #tpu.memory_space<semaphore_mem>>) {add = true}
      %add3A_129 = arith.constant 1 : i32
      %add3A_130 = arith.addi %mul3A_102, %add3A_129 : i32
      %dma_wait3A_131 = arith.constant 1 : i32
      %dma_wait3A_132 = arith.constant 0 : i32
      %dma_wait3A_133 = arith.constant 0 : i32
      %dma_wait3A_134 = tpu.memref_slice %arg9[%dma_wait3A_131, %dma_wait3A_132, %dma_wait3A_133] : memref<2x120x128xf32, #tpu.memory_space<vmem>> -> memref<1x120x128xf32, #tpu.memory_space<vmem>>
      %dma_wait3A_135 = tpu.memref_squeeze %dma_wait3A_134 : memref<1x120x128xf32, #tpu.memory_space<vmem>> -> memref<120x128xf32, #tpu.memory_space<vmem>>
      %dma_wait3A_136 = arith.constant 0 : i32
      %dma_wait3A_137 = tpu.memref_slice %arg7[%rem3A_98, %add3A_130, %dma_wait3A_136] : memref<2x4x120xi32, #tpu.memory_space<vmem>> -> memref<1x1x120xi32, #tpu.memory_space<vmem>>
      %dma_wait3A_138 = tpu.memref_squeeze %dma_wait3A_137 : memref<1x1x120xi32, #tpu.memory_space<vmem>> -> memref<120xi32, #tpu.memory_space<vmem>>
      %dma_wait3A_139 = arith.constant 0 : i32
      %dma_wait3A_140 = arith.constant 0 : i32
      %dma_wait3A_141 = tpu.memref_slice %arg2[%dma_wait3A_139, %dma_wait3A_140] : memref<10000x128xf32, #tpu.memory_space<hbm>> -> memref<10000x128xf32, #tpu.memory_space<hbm>>
      tpu.wait_indirect_dma semaphore(%arg11 : memref<!tpu.dma_semaphore, #tpu.memory_space<semaphore_mem>>) src(%dma_wait3A_141 : memref<10000x128xf32, #tpu.memory_space<hbm>>) dst(%dma_wait3A_135 : memref<120x128xf32, #tpu.memory_space<vmem>>)
      %add3A_142 = arith.constant 1 : i32
      %add3A_143 = arith.addi %mul3A_102, %add3A_142 : i32
      %dma_start3A_144 = arith.constant 1 : i32
      %dma_start3A_145 = arith.constant 0 : i32
      %dma_start3A_146 = arith.constant 0 : i32
      %dma_start3A_147 = tpu.memref_slice %arg9[%dma_start3A_144, %dma_start3A_145, %dma_start3A_146] : memref<2x120x128xf32, #tpu.memory_space<vmem>> -> memref<1x120x128xf32, #tpu.memory_space<vmem>>
      %dma_start3A_148 = tpu.memref_squeeze %dma_start3A_147 : memref<1x120x128xf32, #tpu.memory_space<vmem>> -> memref<120x128xf32, #tpu.memory_space<vmem>>
      %dma_start3A_149 = arith.constant 0 : i32
      %dma_start3A_150 = tpu.memref_slice %arg8[%rem3A_98, %add3A_143, %dma_start3A_149] : memref<2x4x120xi32, #tpu.memory_space<vmem>> -> memref<1x1x120xi32, #tpu.memory_space<vmem>>
      %dma_start3A_151 = tpu.memref_squeeze %dma_start3A_150 : memref<1x1x120xi32, #tpu.memory_space<vmem>> -> memref<120xi32, #tpu.memory_space<vmem>>
      %dma_start3A_152 = arith.constant 0 : i32
      %dma_start3A_153 = arith.constant 0 : i32
      %dma_start3A_154 = tpu.memref_slice %arg10[%dma_start3A_152, %dma_start3A_153] : memref<10112x128xf32, #tpu.memory_space<vmem_shared>> -> memref<10112x128xf32, #tpu.memory_space<vmem_shared>>
      tpu.enqueue_indirect_dma source(%dma_start3A_148 : memref<120x128xf32, #tpu.memory_space<vmem>>) target(%dma_start3A_154 : memref<10112x128xf32, #tpu.memory_space<vmem_shared>>) offsets(%dma_start3A_151 : memref<120xi32, #tpu.memory_space<vmem>>) semaphore(%arg12 : memref<!tpu.dma_semaphore, #tpu.memory_space<semaphore_mem>>) {add = true}
      %add3A_155 = arith.constant 2 : i32
      %add3A_156 = arith.addi %mul3A_102, %add3A_155 : i32
      %lt3A = arith.constant 4 : i32
      %lt3A_157 = arith.cmpi slt, %add3A_156, %lt3A : i32
      %add3A_158 = arith.constant 1 : i32
      %add3A_159 = arith.addi %scan3A_80, %add3A_158 : i32
      %lt3A_160 = arith.constant 42 : i32
      %lt3A_161 = arith.cmpi slt, %add3A_159, %lt3A_160 : i32
      %and3A_162 = arith.andi %lt3A_157, %lt3A_161 : i1
      %convert_element_type3A = arith.extui %and3A_162 : i1 to i32
      %cond3A = arith.constant 0 : i32
      %cond3A_163 = arith.cmpi ne, %convert_element_type3A, %cond3A : i32
      scf.if %cond3A_163 {
        %add3A_182 = arith.constant 0 : i32
        %add3A_183 = arith.addi %mul3A_102, %add3A_182 : i32
        %dma_wait3A_184 = arith.constant 0 : i32
        %dma_wait3A_185 = arith.constant 0 : i32
        %dma_wait3A_186 = arith.constant 0 : i32
        %dma_wait3A_187 = tpu.memref_slice %arg9[%dma_wait3A_184, %dma_wait3A_185, %dma_wait3A_186] : memref<2x120x128xf32, #tpu.memory_space<vmem>> -> memref<1x120x128xf32, #tpu.memory_space<vmem>>
        %dma_wait3A_188 = tpu.memref_squeeze %dma_wait3A_187 : memref<1x120x128xf32, #tpu.memory_space<vmem>> -> memref<120x128xf32, #tpu.memory_space<vmem>>
        %dma_wait3A_189 = arith.constant 0 : i32
        %dma_wait3A_190 = tpu.memref_slice %arg8[%rem3A_98, %add3A_183, %dma_wait3A_189] : memref<2x4x120xi32, #tpu.memory_space<vmem>> -> memref<1x1x120xi32, #tpu.memory_space<vmem>>
        %dma_wait3A_191 = tpu.memref_squeeze %dma_wait3A_190 : memref<1x1x120xi32, #tpu.memory_space<vmem>> -> memref<120xi32, #tpu.memory_space<vmem>>
        %dma_wait3A_192 = arith.constant 0 : i32
        %dma_wait3A_193 = arith.constant 0 : i32
        %dma_wait3A_194 = tpu.memref_slice %arg10[%dma_wait3A_192, %dma_wait3A_193] : memref<10112x128xf32, #tpu.memory_space<vmem_shared>> -> memref<10112x128xf32, #tpu.memory_space<vmem_shared>>
        tpu.wait_indirect_dma semaphore(%arg12 : memref<!tpu.dma_semaphore, #tpu.memory_space<semaphore_mem>>) src(%dma_wait3A_188 : memref<120x128xf32, #tpu.memory_space<vmem>>) dst(%dma_wait3A_194 : memref<10112x128xf32, #tpu.memory_space<vmem_shared>>)
        %add3A_195 = arith.constant 2 : i32
        %add3A_196 = arith.addi %mul3A_102, %add3A_195 : i32
        %add3A_197 = arith.constant 0 : i32
        %add3A_198 = arith.addi %add3A_196, %add3A_197 : i32
        %dma_start3A_199 = arith.constant 0 : i32
        %dma_start3A_200 = arith.constant 0 : i32
        %dma_start3A_201 = arith.constant 0 : i32
        %dma_start3A_202 = tpu.memref_slice %arg9[%dma_start3A_199, %dma_start3A_200, %dma_start3A_201] : memref<2x120x128xf32, #tpu.memory_space<vmem>> -> memref<1x120x128xf32, #tpu.memory_space<vmem>>
        %dma_start3A_203 = tpu.memref_squeeze %dma_start3A_202 : memref<1x120x128xf32, #tpu.memory_space<vmem>> -> memref<120x128xf32, #tpu.memory_space<vmem>>
        %dma_start3A_204 = arith.constant 0 : i32
        %dma_start3A_205 = tpu.memref_slice %arg7[%rem3A_98, %add3A_198, %dma_start3A_204] : memref<2x4x120xi32, #tpu.memory_space<vmem>> -> memref<1x1x120xi32, #tpu.memory_space<vmem>>
        %dma_start3A_206 = tpu.memref_squeeze %dma_start3A_205 : memref<1x1x120xi32, #tpu.memory_space<vmem>> -> memref<120xi32, #tpu.memory_space<vmem>>
        %dma_start3A_207 = arith.constant 0 : i32
        %dma_start3A_208 = arith.constant 0 : i32
        %dma_start3A_209 = tpu.memref_slice %arg2[%dma_start3A_207, %dma_start3A_208] : memref<10000x128xf32, #tpu.memory_space<hbm>> -> memref<10000x128xf32, #tpu.memory_space<hbm>>
        tpu.enqueue_indirect_dma source(%dma_start3A_209 : memref<10000x128xf32, #tpu.memory_space<hbm>>) target(%dma_start3A_203 : memref<120x128xf32, #tpu.memory_space<vmem>>) offsets(%dma_start3A_206 : memref<120xi32, #tpu.memory_space<vmem>>) semaphore(%arg11 : memref<!tpu.dma_semaphore, #tpu.memory_space<semaphore_mem>>)
        %add3A_210 = arith.constant 1 : i32
        %add3A_211 = arith.addi %mul3A_102, %add3A_210 : i32
        %dma_wait3A_212 = arith.constant 1 : i32
        %dma_wait3A_213 = arith.constant 0 : i32
        %dma_wait3A_214 = arith.constant 0 : i32
        %dma_wait3A_215 = tpu.memref_slice %arg9[%dma_wait3A_212, %dma_wait3A_213, %dma_wait3A_214] : memref<2x120x128xf32, #tpu.memory_space<vmem>> -> memref<1x120x128xf32, #tpu.memory_space<vmem>>
        %dma_wait3A_216 = tpu.memref_squeeze %dma_wait3A_215 : memref<1x120x128xf32, #tpu.memory_space<vmem>> -> memref<120x128xf32, #tpu.memory_space<vmem>>
        %dma_wait3A_217 = arith.constant 0 : i32
        %dma_wait3A_218 = tpu.memref_slice %arg8[%rem3A_98, %add3A_211, %dma_wait3A_217] : memref<2x4x120xi32, #tpu.memory_space<vmem>> -> memref<1x1x120xi32, #tpu.memory_space<vmem>>
        %dma_wait3A_219 = tpu.memref_squeeze %dma_wait3A_218 : memref<1x1x120xi32, #tpu.memory_space<vmem>> -> memref<120xi32, #tpu.memory_space<vmem>>
        %dma_wait3A_220 = arith.constant 0 : i32
        %dma_wait3A_221 = arith.constant 0 : i32
        %dma_wait3A_222 = tpu.memref_slice %arg10[%dma_wait3A_220, %dma_wait3A_221] : memref<10112x128xf32, #tpu.memory_space<vmem_shared>> -> memref<10112x128xf32, #tpu.memory_space<vmem_shared>>
        tpu.wait_indirect_dma semaphore(%arg12 : memref<!tpu.dma_semaphore, #tpu.memory_space<semaphore_mem>>) src(%dma_wait3A_216 : memref<120x128xf32, #tpu.memory_space<vmem>>) dst(%dma_wait3A_222 : memref<10112x128xf32, #tpu.memory_space<vmem_shared>>)
        %add3A_223 = arith.constant 2 : i32
        %add3A_224 = arith.addi %mul3A_102, %add3A_223 : i32
        %add3A_225 = arith.constant 1 : i32
        %add3A_226 = arith.addi %add3A_224, %add3A_225 : i32
        %dma_start3A_227 = arith.constant 1 : i32
        %dma_start3A_228 = arith.constant 0 : i32
        %dma_start3A_229 = arith.constant 0 : i32
        %dma_start3A_230 = tpu.memref_slice %arg9[%dma_start3A_227, %dma_start3A_228, %dma_start3A_229] : memref<2x120x128xf32, #tpu.memory_space<vmem>> -> memref<1x120x128xf32, #tpu.memory_space<vmem>>
        %dma_start3A_231 = tpu.memref_squeeze %dma_start3A_230 : memref<1x120x128xf32, #tpu.memory_space<vmem>> -> memref<120x128xf32, #tpu.memory_space<vmem>>
        %dma_start3A_232 = arith.constant 0 : i32
        %dma_start3A_233 = tpu.memref_slice %arg7[%rem3A_98, %add3A_226, %dma_start3A_232] : memref<2x4x120xi32, #tpu.memory_space<vmem>> -> memref<1x1x120xi32, #tpu.memory_space<vmem>>
        %dma_start3A_234 = tpu.memref_squeeze %dma_start3A_233 : memref<1x1x120xi32, #tpu.memory_space<vmem>> -> memref<120xi32, #tpu.memory_space<vmem>>
        %dma_start3A_235 = arith.constant 0 : i32
        %dma_start3A_236 = arith.constant 0 : i32
        %dma_start3A_237 = tpu.memref_slice %arg2[%dma_start3A_235, %dma_start3A_236] : memref<10000x128xf32, #tpu.memory_space<hbm>> -> memref<10000x128xf32, #tpu.memory_space<hbm>>
        tpu.enqueue_indirect_dma source(%dma_start3A_237 : memref<10000x128xf32, #tpu.memory_space<hbm>>) target(%dma_start3A_231 : memref<120x128xf32, #tpu.memory_space<vmem>>) offsets(%dma_start3A_234 : memref<120xi32, #tpu.memory_space<vmem>>) semaphore(%arg11 : memref<!tpu.dma_semaphore, #tpu.memory_space<semaphore_mem>>)
      } else {
      }
      %add3A_164 = arith.constant 2 : i32
      %add3A_165 = arith.addi %mul3A_102, %add3A_164 : i32
      %ge3A = arith.constant 4 : i32
      %ge3A_166 = arith.cmpi sge, %add3A_165, %ge3A : i32
      %add3A_167 = arith.constant 1 : i32
      %add3A_168 = arith.addi %scan3A_80, %add3A_167 : i32
      %lt3A_169 = arith.constant 42 : i32
      %lt3A_170 = arith.cmpi slt, %add3A_168, %lt3A_169 : i32
      %and3A_171 = arith.andi %ge3A_166, %lt3A_170 : i1
      %convert_element_type3A_172 = arith.extui %and3A_171 : i1 to i32
      %cond3A_173 = arith.constant 0 : i32
      %cond3A_174 = arith.cmpi ne, %convert_element_type3A_172, %cond3A_173 : i32
      scf.if %cond3A_174 {
        %add3A_182 = arith.constant 0 : i32
        %add3A_183 = arith.addi %mul3A_102, %add3A_182 : i32
        %dma_wait3A_184 = arith.constant 0 : i32
        %dma_wait3A_185 = arith.constant 0 : i32
        %dma_wait3A_186 = arith.constant 0 : i32
        %dma_wait3A_187 = tpu.memref_slice %arg9[%dma_wait3A_184, %dma_wait3A_185, %dma_wait3A_186] : memref<2x120x128xf32, #tpu.memory_space<vmem>> -> memref<1x120x128xf32, #tpu.memory_space<vmem>>
        %dma_wait3A_188 = tpu.memref_squeeze %dma_wait3A_187 : memref<1x120x128xf32, #tpu.memory_space<vmem>> -> memref<120x128xf32, #tpu.memory_space<vmem>>
        %dma_wait3A_189 = arith.constant 0 : i32
        %dma_wait3A_190 = tpu.memref_slice %arg8[%rem3A_98, %add3A_183, %dma_wait3A_189] : memref<2x4x120xi32, #tpu.memory_space<vmem>> -> memref<1x1x120xi32, #tpu.memory_space<vmem>>
        %dma_wait3A_191 = tpu.memref_squeeze %dma_wait3A_190 : memref<1x1x120xi32, #tpu.memory_space<vmem>> -> memref<120xi32, #tpu.memory_space<vmem>>
        %dma_wait3A_192 = arith.constant 0 : i32
        %dma_wait3A_193 = arith.constant 0 : i32
        %dma_wait3A_194 = tpu.memref_slice %arg10[%dma_wait3A_192, %dma_wait3A_193] : memref<10112x128xf32, #tpu.memory_space<vmem_shared>> -> memref<10112x128xf32, #tpu.memory_space<vmem_shared>>
        tpu.wait_indirect_dma semaphore(%arg12 : memref<!tpu.dma_semaphore, #tpu.memory_space<semaphore_mem>>) src(%dma_wait3A_188 : memref<120x128xf32, #tpu.memory_space<vmem>>) dst(%dma_wait3A_194 : memref<10112x128xf32, #tpu.memory_space<vmem_shared>>)
        %add3A_195 = arith.constant 1 : i32
        %add3A_196 = arith.addi %mul3A_102, %add3A_195 : i32
        %dma_wait3A_197 = arith.constant 1 : i32
        %dma_wait3A_198 = arith.constant 0 : i32
        %dma_wait3A_199 = arith.constant 0 : i32
        %dma_wait3A_200 = tpu.memref_slice %arg9[%dma_wait3A_197, %dma_wait3A_198, %dma_wait3A_199] : memref<2x120x128xf32, #tpu.memory_space<vmem>> -> memref<1x120x128xf32, #tpu.memory_space<vmem>>
        %dma_wait3A_201 = tpu.memref_squeeze %dma_wait3A_200 : memref<1x120x128xf32, #tpu.memory_space<vmem>> -> memref<120x128xf32, #tpu.memory_space<vmem>>
        %dma_wait3A_202 = arith.constant 0 : i32
        %dma_wait3A_203 = tpu.memref_slice %arg8[%rem3A_98, %add3A_196, %dma_wait3A_202] : memref<2x4x120xi32, #tpu.memory_space<vmem>> -> memref<1x1x120xi32, #tpu.memory_space<vmem>>
        %dma_wait3A_204 = tpu.memref_squeeze %dma_wait3A_203 : memref<1x1x120xi32, #tpu.memory_space<vmem>> -> memref<120xi32, #tpu.memory_space<vmem>>
        %dma_wait3A_205 = arith.constant 0 : i32
        %dma_wait3A_206 = arith.constant 0 : i32
        %dma_wait3A_207 = tpu.memref_slice %arg10[%dma_wait3A_205, %dma_wait3A_206] : memref<10112x128xf32, #tpu.memory_space<vmem_shared>> -> memref<10112x128xf32, #tpu.memory_space<vmem_shared>>
        tpu.wait_indirect_dma semaphore(%arg12 : memref<!tpu.dma_semaphore, #tpu.memory_space<semaphore_mem>>) src(%dma_wait3A_201 : memref<120x128xf32, #tpu.memory_space<vmem>>) dst(%dma_wait3A_207 : memref<10112x128xf32, #tpu.memory_space<vmem_shared>>)
        %add3A_208 = arith.constant 2 : i32
        %add3A_209 = arith.addi %select_n3A, %add3A_208 : i32
        %lt3A_210 = arith.constant 21 : i32
        %lt3A_211 = arith.cmpi slt, %add3A_209, %lt3A_210 : i32
        %convert_element_type3A_212 = arith.extui %lt3A_211 : i1 to i32
        %cond3A_213 = arith.constant 0 : i32
        %cond3A_214 = arith.cmpi ne, %convert_element_type3A_212, %cond3A_213 : i32
        scf.if %cond3A_214 {
          %add3A_279 = arith.constant 2 : i32
          %add3A_280 = arith.addi %select_n3A, %add3A_279 : i32
          %dma_start3A_281 = arith.constant 0 : i32
          %dma_start3A_282 = arith.constant 0 : i32
          %dma_start3A_283 = tpu.memref_slice %arg7[%rem3A_98, %dma_start3A_281, %dma_start3A_282] : memref<2x4x120xi32, #tpu.memory_space<vmem>> -> memref<1x4x120xi32, #tpu.memory_space<vmem>>
          %dma_start3A_284 = tpu.memref_squeeze %dma_start3A_283 : memref<1x4x120xi32, #tpu.memory_space<vmem>> -> memref<4x120xi32, #tpu.memory_space<vmem>>
          %dma_start3A_285 = arith.constant 0 : i32
          %dma_start3A_286 = arith.constant 0 : i32
          %dma_start3A_287 = tpu.memref_slice %arg3[%add3A, %add3A_280, %dma_start3A_285, %dma_start3A_286] : memref<32x21x4x120xi32, #tpu.memory_space<hbm>> -> memref<1x1x4x120xi32, #tpu.memory_space<hbm>>
          %dma_start3A_288 = tpu.memref_squeeze %dma_start3A_287 : memref<1x1x4x120xi32, #tpu.memory_space<hbm>> -> memref<4x120xi32, #tpu.memory_space<hbm>>
          %dma_start3A_289 = arith.constant 0 : i32
          %dma_start3A_290 = arith.constant 0 : i32
          %dma_start3A_291 = tpu.memref_slice %arg7[%rem3A_98, %dma_start3A_289, %dma_start3A_290] : memref<2x4x120xi32, #tpu.memory_space<vmem>> -> memref<1x4x120xi32, #tpu.memory_space<vmem>>
          %dma_start3A_292 = tpu.memref_squeeze %dma_start3A_291 : memref<1x4x120xi32, #tpu.memory_space<vmem>> -> memref<4x120xi32, #tpu.memory_space<vmem>>
          %dma_start3A_293 = arith.constant 0 : i32
          %dma_start3A_294 = arith.constant 0 : i32
          %dma_start3A_295 = tpu.memref_slice %arg3[%add3A, %add3A_280, %dma_start3A_293, %dma_start3A_294] : memref<32x21x4x120xi32, #tpu.memory_space<hbm>> -> memref<1x1x4x120xi32, #tpu.memory_space<hbm>>
          %dma_start3A_296 = tpu.memref_squeeze %dma_start3A_295 : memref<1x1x4x120xi32, #tpu.memory_space<hbm>> -> memref<4x120xi32, #tpu.memory_space<hbm>>
          tpu.enqueue_dma source(%dma_start3A_296 : memref<4x120xi32, #tpu.memory_space<hbm>>) target(%dma_start3A_292 : memref<4x120xi32, #tpu.memory_space<vmem>>) target_semaphore(%arg13 : memref<!tpu.dma_semaphore, #tpu.memory_space<semaphore_mem>>)
          %dma_start3A_297 = arith.constant 0 : i32
          %dma_start3A_298 = arith.constant 0 : i32
          %dma_start3A_299 = tpu.memref_slice %arg8[%rem3A_98, %dma_start3A_297, %dma_start3A_298] : memref<2x4x120xi32, #tpu.memory_space<vmem>> -> memref<1x4x120xi32, #tpu.memory_space<vmem>>
          %dma_start3A_300 = tpu.memref_squeeze %dma_start3A_299 : memref<1x4x120xi32, #tpu.memory_space<vmem>> -> memref<4x120xi32, #tpu.memory_space<vmem>>
          %dma_start3A_301 = arith.constant 0 : i32
          %dma_start3A_302 = arith.constant 0 : i32
          %dma_start3A_303 = tpu.memref_slice %arg4[%add3A, %add3A_280, %dma_start3A_301, %dma_start3A_302] : memref<32x21x4x120xi32, #tpu.memory_space<hbm>> -> memref<1x1x4x120xi32, #tpu.memory_space<hbm>>
          %dma_start3A_304 = tpu.memref_squeeze %dma_start3A_303 : memref<1x1x4x120xi32, #tpu.memory_space<hbm>> -> memref<4x120xi32, #tpu.memory_space<hbm>>
          %dma_start3A_305 = arith.constant 0 : i32
          %dma_start3A_306 = arith.constant 0 : i32
          %dma_start3A_307 = tpu.memref_slice %arg8[%rem3A_98, %dma_start3A_305, %dma_start3A_306] : memref<2x4x120xi32, #tpu.memory_space<vmem>> -> memref<1x4x120xi32, #tpu.memory_space<vmem>>
          %dma_start3A_308 = tpu.memref_squeeze %dma_start3A_307 : memref<1x4x120xi32, #tpu.memory_space<vmem>> -> memref<4x120xi32, #tpu.memory_space<vmem>>
          %dma_start3A_309 = arith.constant 0 : i32
          %dma_start3A_310 = arith.constant 0 : i32
          %dma_start3A_311 = tpu.memref_slice %arg4[%add3A, %add3A_280, %dma_start3A_309, %dma_start3A_310] : memref<32x21x4x120xi32, #tpu.memory_space<hbm>> -> memref<1x1x4x120xi32, #tpu.memory_space<hbm>>
          %dma_start3A_312 = tpu.memref_squeeze %dma_start3A_311 : memref<1x1x4x120xi32, #tpu.memory_space<hbm>> -> memref<4x120xi32, #tpu.memory_space<hbm>>
          tpu.enqueue_dma source(%dma_start3A_312 : memref<4x120xi32, #tpu.memory_space<hbm>>) target(%dma_start3A_308 : memref<4x120xi32, #tpu.memory_space<vmem>>) target_semaphore(%arg13 : memref<!tpu.dma_semaphore, #tpu.memory_space<semaphore_mem>>)
        } else {
        }
        %add3A_215 = arith.constant 1 : i32
        %add3A_216 = arith.addi %select_n3A, %add3A_215 : i32
        %sub3A_217 = arith.constant 1 : i32
        %sub3A_218 = arith.subi %sub3A_217, %rem3A_98 : i32
        %dma_wait3A_219 = arith.constant 0 : i32
        %dma_wait3A_220 = arith.constant 0 : i32
        %dma_wait3A_221 = tpu.memref_slice %arg7[%sub3A_218, %dma_wait3A_219, %dma_wait3A_220] : memref<2x4x120xi32, #tpu.memory_space<vmem>> -> memref<1x4x120xi32, #tpu.memory_space<vmem>>
        %dma_wait3A_222 = tpu.memref_squeeze %dma_wait3A_221 : memref<1x4x120xi32, #tpu.memory_space<vmem>> -> memref<4x120xi32, #tpu.memory_space<vmem>>
        %dma_wait3A_223 = arith.constant 0 : i32
        %dma_wait3A_224 = arith.constant 0 : i32
        %dma_wait3A_225 = tpu.memref_slice %arg3[%add3A, %add3A_216, %dma_wait3A_223, %dma_wait3A_224] : memref<32x21x4x120xi32, #tpu.memory_space<hbm>> -> memref<1x1x4x120xi32, #tpu.memory_space<hbm>>
        %dma_wait3A_226 = tpu.memref_squeeze %dma_wait3A_225 : memref<1x1x4x120xi32, #tpu.memory_space<hbm>> -> memref<4x120xi32, #tpu.memory_space<hbm>>
        %dma_wait3A_227 = arith.constant 0 : i32
        %dma_wait3A_228 = arith.constant 0 : i32
        %dma_wait3A_229 = tpu.memref_slice %arg7[%sub3A_218, %dma_wait3A_227, %dma_wait3A_228] : memref<2x4x120xi32, #tpu.memory_space<vmem>> -> memref<1x4x120xi32, #tpu.memory_space<vmem>>
        %dma_wait3A_230 = tpu.memref_squeeze %dma_wait3A_229 : memref<1x4x120xi32, #tpu.memory_space<vmem>> -> memref<4x120xi32, #tpu.memory_space<vmem>>
        %dma_wait3A_231 = arith.constant 0 : i32
        %dma_wait3A_232 = arith.constant 0 : i32
        %dma_wait3A_233 = tpu.memref_slice %arg3[%add3A, %add3A_216, %dma_wait3A_231, %dma_wait3A_232] : memref<32x21x4x120xi32, #tpu.memory_space<hbm>> -> memref<1x1x4x120xi32, #tpu.memory_space<hbm>>
        %dma_wait3A_234 = tpu.memref_squeeze %dma_wait3A_233 : memref<1x1x4x120xi32, #tpu.memory_space<hbm>> -> memref<4x120xi32, #tpu.memory_space<hbm>>
        tpu.wait_dma2 semaphore(%arg13 : memref<!tpu.dma_semaphore, #tpu.memory_space<semaphore_mem>>) src(%dma_wait3A_234 : memref<4x120xi32, #tpu.memory_space<hbm>>) dst(%dma_wait3A_230 : memref<4x120xi32, #tpu.memory_space<vmem>>)
        %dma_wait3A_235 = arith.constant 0 : i32
        %dma_wait3A_236 = arith.constant 0 : i32
        %dma_wait3A_237 = tpu.memref_slice %arg8[%sub3A_218, %dma_wait3A_235, %dma_wait3A_236] : memref<2x4x120xi32, #tpu.memory_space<vmem>> -> memref<1x4x120xi32, #tpu.memory_space<vmem>>
        %dma_wait3A_238 = tpu.memref_squeeze %dma_wait3A_237 : memref<1x4x120xi32, #tpu.memory_space<vmem>> -> memref<4x120xi32, #tpu.memory_space<vmem>>
        %dma_wait3A_239 = arith.constant 0 : i32
        %dma_wait3A_240 = arith.constant 0 : i32
        %dma_wait3A_241 = tpu.memref_slice %arg4[%add3A, %add3A_216, %dma_wait3A_239, %dma_wait3A_240] : memref<32x21x4x120xi32, #tpu.memory_space<hbm>> -> memref<1x1x4x120xi32, #tpu.memory_space<hbm>>
        %dma_wait3A_242 = tpu.memref_squeeze %dma_wait3A_241 : memref<1x1x4x120xi32, #tpu.memory_space<hbm>> -> memref<4x120xi32, #tpu.memory_space<hbm>>
        %dma_wait3A_243 = arith.constant 0 : i32
        %dma_wait3A_244 = arith.constant 0 : i32
        %dma_wait3A_245 = tpu.memref_slice %arg8[%sub3A_218, %dma_wait3A_243, %dma_wait3A_244] : memref<2x4x120xi32, #tpu.memory_space<vmem>> -> memref<1x4x120xi32, #tpu.memory_space<vmem>>
        %dma_wait3A_246 = tpu.memref_squeeze %dma_wait3A_245 : memref<1x4x120xi32, #tpu.memory_space<vmem>> -> memref<4x120xi32, #tpu.memory_space<vmem>>
        %dma_wait3A_247 = arith.constant 0 : i32
        %dma_wait3A_248 = arith.constant 0 : i32
        %dma_wait3A_249 = tpu.memref_slice %arg4[%add3A, %add3A_216, %dma_wait3A_247, %dma_wait3A_248] : memref<32x21x4x120xi32, #tpu.memory_space<hbm>> -> memref<1x1x4x120xi32, #tpu.memory_space<hbm>>
        %dma_wait3A_250 = tpu.memref_squeeze %dma_wait3A_249 : memref<1x1x4x120xi32, #tpu.memory_space<hbm>> -> memref<4x120xi32, #tpu.memory_space<hbm>>
        tpu.wait_dma2 semaphore(%arg13 : memref<!tpu.dma_semaphore, #tpu.memory_space<semaphore_mem>>) src(%dma_wait3A_250 : memref<4x120xi32, #tpu.memory_space<hbm>>) dst(%dma_wait3A_246 : memref<4x120xi32, #tpu.memory_space<vmem>>)
        %sub3A_251 = arith.constant 1 : i32
        %sub3A_252 = arith.subi %sub3A_251, %rem3A_98 : i32
        %dma_start3A_253 = arith.constant 0 : i32
        %dma_start3A_254 = arith.constant 0 : i32
        %dma_start3A_255 = arith.constant 0 : i32
        %dma_start3A_256 = arith.constant 0 : i32
        %dma_start3A_257 = tpu.memref_slice %arg9[%dma_start3A_254, %dma_start3A_255, %dma_start3A_256] : memref<2x120x128xf32, #tpu.memory_space<vmem>> -> memref<1x120x128xf32, #tpu.memory_space<vmem>>
        %dma_start3A_258 = tpu.memref_squeeze %dma_start3A_257 : memref<1x120x128xf32, #tpu.memory_space<vmem>> -> memref<120x128xf32, #tpu.memory_space<vmem>>
        %dma_start3A_259 = arith.constant 0 : i32
        %dma_start3A_260 = tpu.memref_slice %arg7[%sub3A_252, %dma_start3A_253, %dma_start3A_259] : memref<2x4x120xi32, #tpu.memory_space<vmem>> -> memref<1x1x120xi32, #tpu.memory_space<vmem>>
        %dma_start3A_261 = tpu.memref_squeeze %dma_start3A_260 : memref<1x1x120xi32, #tpu.memory_space<vmem>> -> memref<120xi32, #tpu.memory_space<vmem>>
        %dma_start3A_262 = arith.constant 0 : i32
        %dma_start3A_263 = arith.constant 0 : i32
        %dma_start3A_264 = tpu.memref_slice %arg2[%dma_start3A_262, %dma_start3A_263] : memref<10000x128xf32, #tpu.memory_space<hbm>> -> memref<10000x128xf32, #tpu.memory_space<hbm>>
        tpu.enqueue_indirect_dma source(%dma_start3A_264 : memref<10000x128xf32, #tpu.memory_space<hbm>>) target(%dma_start3A_258 : memref<120x128xf32, #tpu.memory_space<vmem>>) offsets(%dma_start3A_261 : memref<120xi32, #tpu.memory_space<vmem>>) semaphore(%arg11 : memref<!tpu.dma_semaphore, #tpu.memory_space<semaphore_mem>>)
        %sub3A_265 = arith.constant 1 : i32
        %sub3A_266 = arith.subi %sub3A_265, %rem3A_98 : i32
        %dma_start3A_267 = arith.constant 1 : i32
        %dma_start3A_268 = arith.constant 1 : i32
        %dma_start3A_269 = arith.constant 0 : i32
        %dma_start3A_270 = arith.constant 0 : i32
        %dma_start3A_271 = tpu.memref_slice %arg9[%dma_start3A_268, %dma_start3A_269, %dma_start3A_270] : memref<2x120x128xf32, #tpu.memory_space<vmem>> -> memref<1x120x128xf32, #tpu.memory_space<vmem>>
        %dma_start3A_272 = tpu.memref_squeeze %dma_start3A_271 : memref<1x120x128xf32, #tpu.memory_space<vmem>> -> memref<120x128xf32, #tpu.memory_space<vmem>>
        %dma_start3A_273 = arith.constant 0 : i32
        %dma_start3A_274 = tpu.memref_slice %arg7[%sub3A_266, %dma_start3A_267, %dma_start3A_273] : memref<2x4x120xi32, #tpu.memory_space<vmem>> -> memref<1x1x120xi32, #tpu.memory_space<vmem>>
        %dma_start3A_275 = tpu.memref_squeeze %dma_start3A_274 : memref<1x1x120xi32, #tpu.memory_space<vmem>> -> memref<120xi32, #tpu.memory_space<vmem>>
        %dma_start3A_276 = arith.constant 0 : i32
        %dma_start3A_277 = arith.constant 0 : i32
        %dma_start3A_278 = tpu.memref_slice %arg2[%dma_start3A_276, %dma_start3A_277] : memref<10000x128xf32, #tpu.memory_space<hbm>> -> memref<10000x128xf32, #tpu.memory_space<hbm>>
        tpu.enqueue_indirect_dma source(%dma_start3A_278 : memref<10000x128xf32, #tpu.memory_space<hbm>>) target(%dma_start3A_272 : memref<120x128xf32, #tpu.memory_space<vmem>>) offsets(%dma_start3A_275 : memref<120xi32, #tpu.memory_space<vmem>>) semaphore(%arg11 : memref<!tpu.dma_semaphore, #tpu.memory_space<semaphore_mem>>)
      } else {
      }
      %add3A_175 = arith.constant 1 : i32
      %add3A_176 = arith.addi %scan3A_80, %add3A_175 : i32
      %ge3A_177 = arith.constant 42 : i32
      %ge3A_178 = arith.cmpi sge, %add3A_176, %ge3A_177 : i32
      %convert_element_type3A_179 = arith.extui %ge3A_178 : i1 to i32
      %cond3A_180 = arith.constant 0 : i32
      %cond3A_181 = arith.cmpi ne, %convert_element_type3A_179, %cond3A_180 : i32
      scf.if %cond3A_181 {
        %add3A_182 = arith.constant 0 : i32
        %add3A_183 = arith.addi %mul3A_102, %add3A_182 : i32
        %dma_wait3A_184 = arith.constant 0 : i32
        %dma_wait3A_185 = arith.constant 0 : i32
        %dma_wait3A_186 = arith.constant 0 : i32
        %dma_wait3A_187 = tpu.memref_slice %arg9[%dma_wait3A_184, %dma_wait3A_185, %dma_wait3A_186] : memref<2x120x128xf32, #tpu.memory_space<vmem>> -> memref<1x120x128xf32, #tpu.memory_space<vmem>>
        %dma_wait3A_188 = tpu.memref_squeeze %dma_wait3A_187 : memref<1x120x128xf32, #tpu.memory_space<vmem>> -> memref<120x128xf32, #tpu.memory_space<vmem>>
        %dma_wait3A_189 = arith.constant 0 : i32
        %dma_wait3A_190 = tpu.memref_slice %arg8[%rem3A_98, %add3A_183, %dma_wait3A_189] : memref<2x4x120xi32, #tpu.memory_space<vmem>> -> memref<1x1x120xi32, #tpu.memory_space<vmem>>
        %dma_wait3A_191 = tpu.memref_squeeze %dma_wait3A_190 : memref<1x1x120xi32, #tpu.memory_space<vmem>> -> memref<120xi32, #tpu.memory_space<vmem>>
        %dma_wait3A_192 = arith.constant 0 : i32
        %dma_wait3A_193 = arith.constant 0 : i32
        %dma_wait3A_194 = tpu.memref_slice %arg10[%dma_wait3A_192, %dma_wait3A_193] : memref<10112x128xf32, #tpu.memory_space<vmem_shared>> -> memref<10112x128xf32, #tpu.memory_space<vmem_shared>>
        tpu.wait_indirect_dma semaphore(%arg12 : memref<!tpu.dma_semaphore, #tpu.memory_space<semaphore_mem>>) src(%dma_wait3A_188 : memref<120x128xf32, #tpu.memory_space<vmem>>) dst(%dma_wait3A_194 : memref<10112x128xf32, #tpu.memory_space<vmem_shared>>)
        %add3A_195 = arith.constant 1 : i32
        %add3A_196 = arith.addi %mul3A_102, %add3A_195 : i32
        %dma_wait3A_197 = arith.constant 1 : i32
        %dma_wait3A_198 = arith.constant 0 : i32
        %dma_wait3A_199 = arith.constant 0 : i32
        %dma_wait3A_200 = tpu.memref_slice %arg9[%dma_wait3A_197, %dma_wait3A_198, %dma_wait3A_199] : memref<2x120x128xf32, #tpu.memory_space<vmem>> -> memref<1x120x128xf32, #tpu.memory_space<vmem>>
        %dma_wait3A_201 = tpu.memref_squeeze %dma_wait3A_200 : memref<1x120x128xf32, #tpu.memory_space<vmem>> -> memref<120x128xf32, #tpu.memory_space<vmem>>
        %dma_wait3A_202 = arith.constant 0 : i32
        %dma_wait3A_203 = tpu.memref_slice %arg8[%rem3A_98, %add3A_196, %dma_wait3A_202] : memref<2x4x120xi32, #tpu.memory_space<vmem>> -> memref<1x1x120xi32, #tpu.memory_space<vmem>>
        %dma_wait3A_204 = tpu.memref_squeeze %dma_wait3A_203 : memref<1x1x120xi32, #tpu.memory_space<vmem>> -> memref<120xi32, #tpu.memory_space<vmem>>
        %dma_wait3A_205 = arith.constant 0 : i32
        %dma_wait3A_206 = arith.constant 0 : i32
        %dma_wait3A_207 = tpu.memref_slice %arg10[%dma_wait3A_205, %dma_wait3A_206] : memref<10112x128xf32, #tpu.memory_space<vmem_shared>> -> memref<10112x128xf32, #tpu.memory_space<vmem_shared>>
        tpu.wait_indirect_dma semaphore(%arg12 : memref<!tpu.dma_semaphore, #tpu.memory_space<semaphore_mem>>) src(%dma_wait3A_201 : memref<120x128xf32, #tpu.memory_space<vmem>>) dst(%dma_wait3A_207 : memref<10112x128xf32, #tpu.memory_space<vmem_shared>>)
      } else {
      }
    }
    %scan3A_74 = arith.constant 42 : i32
    %barrier3A_75 = arith.constant 0 : index
    tpu.barrier barrier_id(%barrier3A_75)
    %mul3A_76 = arith.constant 632 : i32
    %mul3A_77 = arith.muli %arg1, %mul3A_76 : i32
    %mul3A_78 = arith.constant 632 : i32
    %mul3A_79 = arith.muli %arg1, %mul3A_78 : i32
    "tpu.region"() ({
      %run_scoped3A_80 = tpu.sem_alloc : memref<!tpu.dma_semaphore, #tpu.memory_space<semaphore_mem>>
      %dma_start3A_81 = arith.constant 0 : i32
      %dma_start3A_82 = tpu.memref_slice %arg6[%arg0, %mul3A_79, %dma_start3A_81] : memref<2x10112x128xf32, #tpu.memory_space<hbm>> -> memref<1x632x128xf32, #tpu.memory_space<hbm>>
      %dma_start3A_83 = tpu.memref_squeeze %dma_start3A_82 : memref<1x632x128xf32, #tpu.memory_space<hbm>> -> memref<632x128xf32, #tpu.memory_space<hbm>>
      %dma_start3A_84 = arith.constant 0 : i32
      %dma_start3A_85 = tpu.memref_slice %arg10[%mul3A_77, %dma_start3A_84] : memref<10112x128xf32, #tpu.memory_space<vmem_shared>> -> memref<632x128xf32, #tpu.memory_space<vmem_shared>>
      tpu.enqueue_dma source(%dma_start3A_85 : memref<632x128xf32, #tpu.memory_space<vmem_shared>>) target(%dma_start3A_83 : memref<632x128xf32, #tpu.memory_space<hbm>>) target_semaphore(%run_scoped3A_80 : memref<!tpu.dma_semaphore, #tpu.memory_space<semaphore_mem>>)
      %dma_wait3A_86 = arith.constant 0 : i32
      %dma_wait3A_87 = tpu.memref_slice %arg6[%arg0, %mul3A_79, %dma_wait3A_86] : memref<2x10112x128xf32, #tpu.memory_space<hbm>> -> memref<1x632x128xf32, #tpu.memory_space<hbm>>
      %dma_wait3A_88 = tpu.memref_squeeze %dma_wait3A_87 : memref<1x632x128xf32, #tpu.memory_space<hbm>> -> memref<632x128xf32, #tpu.memory_space<hbm>>
      %dma_wait3A_89 = arith.constant 0 : i32
      %dma_wait3A_90 = tpu.memref_slice %arg10[%mul3A_77, %dma_wait3A_89] : memref<10112x128xf32, #tpu.memory_space<vmem_shared>> -> memref<632x128xf32, #tpu.memory_space<vmem_shared>>
      tpu.wait_dma2 semaphore(%run_scoped3A_80 : memref<!tpu.dma_semaphore, #tpu.memory_space<semaphore_mem>>) src(%dma_wait3A_90 : memref<632x128xf32, #tpu.memory_space<vmem_shared>>) dst(%dma_wait3A_88 : memref<632x128xf32, #tpu.memory_space<hbm>>)
      tpu.yield
    }) : () -> ()
    return
  }
}

#map = affine_map<(d0, d1) -> (0, 0)>
#map1 = affine_map<(d0, d1) -> (0, 0, 0, 0)>
#map2 = affine_map<(d0, d1) -> (0, 0, 0)>
module attributes {stable_mosaic.version = 14 : i64} {
  func.func @seg_sum(%arg0: i32, %arg1: i32, %arg2: memref<10000x128xf32, #tpu.memory_space<hbm>>, %arg3: memref<32x21x4x120xi32, #tpu.memory_space<hbm>>, %arg4: memref<32x21x4x120xi32, #tpu.memory_space<hbm>>, %arg5: memref<632x128xf32, #tpu.memory_space<hbm>>, %arg6: memref<2x10112x128xf32, #tpu.memory_space<hbm>>, %arg7: memref<2x4x120xi32, #tpu.memory_space<vmem>>, %arg8: memref<2x4x120xi32, #tpu.memory_space<vmem>>, %arg9: memref<2x120x128xf32, #tpu.memory_space<vmem>>, %arg10: memref<10112x128xf32, #tpu.memory_space<vmem_shared>>, %arg11: memref<!tpu.dma_semaphore, #tpu.memory_space<semaphore_mem>>, %arg12: memref<!tpu.dma_semaphore, #tpu.memory_space<semaphore_mem>>, %arg13: memref<!tpu.dma_semaphore, #tpu.memory_space<semaphore_mem>>) attributes {dimension_semantics = [#tpu.dimension_semantics<core_parallel>, #tpu.dimension_semantics<subcore_parallel>], iteration_bounds = array<i64: 2, 16>, scalar_prefetch = 0 : i64, scratch_operands = 7 : i64, tpu.core_type = #tpu.core_type<sc_vector_subcore>, window_params = [{transform_indices = #map}, {transform_indices = #map1}, {transform_indices = #map1}, {transform_indices = #map}, {transform_indices = #map2}]} {
    %mul3A = arith.constant 2 : i32
    %mul3A_0 = arith.muli %arg1, %mul3A : i32
    %add3A = arith.addi %mul3A_0, %arg0 : i32
    %mul3A_1 = arith.constant 632 : i32
    %mul3A_2 = arith.muli %arg1, %mul3A_1 : i32
    %dma_start3A = arith.constant 0 : i32
    %dma_start3A_3 = tpu.memref_slice %arg10[%mul3A_2, %dma_start3A] : memref<10112x128xf32, #tpu.memory_space<vmem_shared>> -> memref<632x128xf32, #tpu.memory_space<vmem_shared>>
    tpu.enqueue_dma source(%arg5 : memref<632x128xf32, #tpu.memory_space<hbm>>) target(%dma_start3A_3 : memref<632x128xf32, #tpu.memory_space<vmem_shared>>) target_semaphore(%arg12 : memref<!tpu.dma_semaphore, #tpu.memory_space<semaphore_mem>>)
    %run_scoped3A = arith.constant 0 : i32
    %run_scoped3A_4 = arith.constant 0 : i32
    "tpu.region"() ({
      %run_scoped3A_80 = tpu.sem_alloc : memref<!tpu.dma_semaphore, #tpu.memory_space<semaphore_mem>>
      %dma_start3A_81 = arith.constant 0 : i32
      %dma_start3A_82 = arith.constant 0 : i32
      %dma_start3A_83 = tpu.memref_slice %arg7[%run_scoped3A_4, %dma_start3A_81, %dma_start3A_82] : memref<2x4x120xi32, #tpu.memory_space<vmem>> -> memref<1x4x120xi32, #tpu.memory_space<vmem>>
      %dma_start3A_84 = tpu.memref_squeeze %dma_start3A_83 : memref<1x4x120xi32, #tpu.memory_space<vmem>> -> memref<4x120xi32, #tpu.memory_space<vmem>>
      %dma_start3A_85 = arith.constant 0 : i32
      %dma_start3A_86 = arith.constant 0 : i32
      %dma_start3A_87 = tpu.memref_slice %arg3[%add3A, %run_scoped3A, %dma_start3A_85, %dma_start3A_86] : memref<32x21x4x120xi32, #tpu.memory_space<hbm>> -> memref<1x1x4x120xi32, #tpu.memory_space<hbm>>
      %dma_start3A_88 = tpu.memref_squeeze %dma_start3A_87 : memref<1x1x4x120xi32, #tpu.memory_space<hbm>> -> memref<4x120xi32, #tpu.memory_space<hbm>>
      %dma_start3A_89 = arith.constant 0 : i32
      %dma_start3A_90 = arith.constant 0 : i32
      %dma_start3A_91 = tpu.memref_slice %arg7[%run_scoped3A_4, %dma_start3A_89, %dma_start3A_90] : memref<2x4x120xi32, #tpu.memory_space<vmem>> -> memref<1x4x120xi32, #tpu.memory_space<vmem>>
      %dma_start3A_92 = tpu.memref_squeeze %dma_start3A_91 : memref<1x4x120xi32, #tpu.memory_space<vmem>> -> memref<4x120xi32, #tpu.memory_space<vmem>>
      %dma_start3A_93 = arith.constant 0 : i32
      %dma_start3A_94 = arith.constant 0 : i32
      %dma_start3A_95 = tpu.memref_slice %arg3[%add3A, %run_scoped3A, %dma_start3A_93, %dma_start3A_94] : memref<32x21x4x120xi32, #tpu.memory_space<hbm>> -> memref<1x1x4x120xi32, #tpu.memory_space<hbm>>
      %dma_start3A_96 = tpu.memref_squeeze %dma_start3A_95 : memref<1x1x4x120xi32, #tpu.memory_space<hbm>> -> memref<4x120xi32, #tpu.memory_space<hbm>>
      tpu.enqueue_dma source(%dma_start3A_96 : memref<4x120xi32, #tpu.memory_space<hbm>>) target(%dma_start3A_92 : memref<4x120xi32, #tpu.memory_space<vmem>>) target_semaphore(%run_scoped3A_80 : memref<!tpu.dma_semaphore, #tpu.memory_space<semaphore_mem>>)
      %dma_wait3A_97 = arith.constant 0 : i32
      %dma_wait3A_98 = arith.constant 0 : i32
      %dma_wait3A_99 = tpu.memref_slice %arg7[%run_scoped3A_4, %dma_wait3A_97, %dma_wait3A_98] : memref<2x4x120xi32, #tpu.memory_space<vmem>> -> memref<1x4x120xi32, #tpu.memory_space<vmem>>
      %dma_wait3A_100 = tpu.memref_squeeze %dma_wait3A_99 : memref<1x4x120xi32, #tpu.memory_space<vmem>> -> memref<4x120xi32, #tpu.memory_space<vmem>>
      %dma_wait3A_101 = arith.constant 0 : i32
      %dma_wait3A_102 = arith.constant 0 : i32
      %dma_wait3A_103 = tpu.memref_slice %arg3[%add3A, %run_scoped3A, %dma_wait3A_101, %dma_wait3A_102] : memref<32x21x4x120xi32, #tpu.memory_space<hbm>> -> memref<1x1x4x120xi32, #tpu.memory_space<hbm>>
      %dma_wait3A_104 = tpu.memref_squeeze %dma_wait3A_103 : memref<1x1x4x120xi32, #tpu.memory_space<hbm>> -> memref<4x120xi32, #tpu.memory_space<hbm>>
      %dma_wait3A_105 = arith.constant 0 : i32
      %dma_wait3A_106 = arith.constant 0 : i32
      %dma_wait3A_107 = tpu.memref_slice %arg7[%run_scoped3A_4, %dma_wait3A_105, %dma_wait3A_106] : memref<2x4x120xi32, #tpu.memory_space<vmem>> -> memref<1x4x120xi32, #tpu.memory_space<vmem>>
      %dma_wait3A_108 = tpu.memref_squeeze %dma_wait3A_107 : memref<1x4x120xi32, #tpu.memory_space<vmem>> -> memref<4x120xi32, #tpu.memory_space<vmem>>
      %dma_wait3A_109 = arith.constant 0 : i32
      %dma_wait3A_110 = arith.constant 0 : i32
      %dma_wait3A_111 = tpu.memref_slice %arg3[%add3A, %run_scoped3A, %dma_wait3A_109, %dma_wait3A_110] : memref<32x21x4x120xi32, #tpu.memory_space<hbm>> -> memref<1x1x4x120xi32, #tpu.memory_space<hbm>>
      %dma_wait3A_112 = tpu.memref_squeeze %dma_wait3A_111 : memref<1x1x4x120xi32, #tpu.memory_space<hbm>> -> memref<4x120xi32, #tpu.memory_space<hbm>>
      tpu.wait_dma2 semaphore(%run_scoped3A_80 : memref<!tpu.dma_semaphore, #tpu.memory_space<semaphore_mem>>) src(%dma_wait3A_112 : memref<4x120xi32, #tpu.memory_space<hbm>>) dst(%dma_wait3A_108 : memref<4x120xi32, #tpu.memory_space<vmem>>)
      tpu.yield
    }) : () -> ()
    %run_scoped3A_5 = arith.constant 0 : i32
    %run_scoped3A_6 = arith.constant 0 : i32
    "tpu.region"() ({
      %run_scoped3A_80 = tpu.sem_alloc : memref<!tpu.dma_semaphore, #tpu.memory_space<semaphore_mem>>
      %dma_start3A_81 = arith.constant 0 : i32
      %dma_start3A_82 = arith.constant 0 : i32
      %dma_start3A_83 = tpu.memref_slice %arg8[%run_scoped3A_6, %dma_start3A_81, %dma_start3A_82] : memref<2x4x120xi32, #tpu.memory_space<vmem>> -> memref<1x4x120xi32, #tpu.memory_space<vmem>>
      %dma_start3A_84 = tpu.memref_squeeze %dma_start3A_83 : memref<1x4x120xi32, #tpu.memory_space<vmem>> -> memref<4x120xi32, #tpu.memory_space<vmem>>
      %dma_start3A_85 = arith.constant 0 : i32
      %dma_start3A_86 = arith.constant 0 : i32
      %dma_start3A_87 = tpu.memref_slice %arg4[%add3A, %run_scoped3A_5, %dma_start3A_85, %dma_start3A_86] : memref<32x21x4x120xi32, #tpu.memory_space<hbm>> -> memref<1x1x4x120xi32, #tpu.memory_space<hbm>>
      %dma_start3A_88 = tpu.memref_squeeze %dma_start3A_87 : memref<1x1x4x120xi32, #tpu.memory_space<hbm>> -> memref<4x120xi32, #tpu.memory_space<hbm>>
      %dma_start3A_89 = arith.constant 0 : i32
      %dma_start3A_90 = arith.constant 0 : i32
      %dma_start3A_91 = tpu.memref_slice %arg8[%run_scoped3A_6, %dma_start3A_89, %dma_start3A_90] : memref<2x4x120xi32, #tpu.memory_space<vmem>> -> memref<1x4x120xi32, #tpu.memory_space<vmem>>
      %dma_start3A_92 = tpu.memref_squeeze %dma_start3A_91 : memref<1x4x120xi32, #tpu.memory_space<vmem>> -> memref<4x120xi32, #tpu.memory_space<vmem>>
      %dma_start3A_93 = arith.constant 0 : i32
      %dma_start3A_94 = arith.constant 0 : i32
      %dma_start3A_95 = tpu.memref_slice %arg4[%add3A, %run_scoped3A_5, %dma_start3A_93, %dma_start3A_94] : memref<32x21x4x120xi32, #tpu.memory_space<hbm>> -> memref<1x1x4x120xi32, #tpu.memory_space<hbm>>
      %dma_start3A_96 = tpu.memref_squeeze %dma_start3A_95 : memref<1x1x4x120xi32, #tpu.memory_space<hbm>> -> memref<4x120xi32, #tpu.memory_space<hbm>>
      tpu.enqueue_dma source(%dma_start3A_96 : memref<4x120xi32, #tpu.memory_space<hbm>>) target(%dma_start3A_92 : memref<4x120xi32, #tpu.memory_space<vmem>>) target_semaphore(%run_scoped3A_80 : memref<!tpu.dma_semaphore, #tpu.memory_space<semaphore_mem>>)
      %dma_wait3A_97 = arith.constant 0 : i32
      %dma_wait3A_98 = arith.constant 0 : i32
      %dma_wait3A_99 = tpu.memref_slice %arg8[%run_scoped3A_6, %dma_wait3A_97, %dma_wait3A_98] : memref<2x4x120xi32, #tpu.memory_space<vmem>> -> memref<1x4x120xi32, #tpu.memory_space<vmem>>
      %dma_wait3A_100 = tpu.memref_squeeze %dma_wait3A_99 : memref<1x4x120xi32, #tpu.memory_space<vmem>> -> memref<4x120xi32, #tpu.memory_space<vmem>>
      %dma_wait3A_101 = arith.constant 0 : i32
      %dma_wait3A_102 = arith.constant 0 : i32
      %dma_wait3A_103 = tpu.memref_slice %arg4[%add3A, %run_scoped3A_5, %dma_wait3A_101, %dma_wait3A_102] : memref<32x21x4x120xi32, #tpu.memory_space<hbm>> -> memref<1x1x4x120xi32, #tpu.memory_space<hbm>>
      %dma_wait3A_104 = tpu.memref_squeeze %dma_wait3A_103 : memref<1x1x4x120xi32, #tpu.memory_space<hbm>> -> memref<4x120xi32, #tpu.memory_space<hbm>>
      %dma_wait3A_105 = arith.constant 0 : i32
      %dma_wait3A_106 = arith.constant 0 : i32
      %dma_wait3A_107 = tpu.memref_slice %arg8[%run_scoped3A_6, %dma_wait3A_105, %dma_wait3A_106] : memref<2x4x120xi32, #tpu.memory_space<vmem>> -> memref<1x4x120xi32, #tpu.memory_space<vmem>>
      %dma_wait3A_108 = tpu.memref_squeeze %dma_wait3A_107 : memref<1x4x120xi32, #tpu.memory_space<vmem>> -> memref<4x120xi32, #tpu.memory_space<vmem>>
      %dma_wait3A_109 = arith.constant 0 : i32
      %dma_wait3A_110 = arith.constant 0 : i32
      %dma_wait3A_111 = tpu.memref_slice %arg4[%add3A, %run_scoped3A_5, %dma_wait3A_109, %dma_wait3A_110] : memref<32x21x4x120xi32, #tpu.memory_space<hbm>> -> memref<1x1x4x120xi32, #tpu.memory_space<hbm>>
      %dma_wait3A_112 = tpu.memref_squeeze %dma_wait3A_111 : memref<1x1x4x120xi32, #tpu.memory_space<hbm>> -> memref<4x120xi32, #tpu.memory_space<hbm>>
      tpu.wait_dma2 semaphore(%run_scoped3A_80 : memref<!tpu.dma_semaphore, #tpu.memory_space<semaphore_mem>>) src(%dma_wait3A_112 : memref<4x120xi32, #tpu.memory_space<hbm>>) dst(%dma_wait3A_108 : memref<4x120xi32, #tpu.memory_space<vmem>>)
      tpu.yield
    }) : () -> ()
    %dma_start3A_7 = arith.constant 1 : i32
    %dma_start3A_8 = arith.constant 1 : i32
    %dma_start3A_9 = arith.constant 0 : i32
    %dma_start3A_10 = arith.constant 0 : i32
    %dma_start3A_11 = tpu.memref_slice %arg7[%dma_start3A_8, %dma_start3A_9, %dma_start3A_10] : memref<2x4x120xi32, #tpu.memory_space<vmem>> -> memref<1x4x120xi32, #tpu.memory_space<vmem>>
    %dma_start3A_12 = tpu.memref_squeeze %dma_start3A_11 : memref<1x4x120xi32, #tpu.memory_space<vmem>> -> memref<4x120xi32, #tpu.memory_space<vmem>>
    %dma_start3A_13 = arith.constant 0 : i32
    %dma_start3A_14 = arith.constant 0 : i32
    %dma_start3A_15 = tpu.memref_slice %arg3[%add3A, %dma_start3A_7, %dma_start3A_13, %dma_start3A_14] : memref<32x21x4x120xi32, #tpu.memory_space<hbm>> -> memref<1x1x4x120xi32, #tpu.memory_space<hbm>>
    %dma_start3A_16 = tpu.memref_squeeze %dma_start3A_15 : memref<1x1x4x120xi32, #tpu.memory_space<hbm>> -> memref<4x120xi32, #tpu.memory_space<hbm>>
    %dma_start3A_17 = arith.constant 0 : i32
    %dma_start3A_18 = arith.constant 0 : i32
    %dma_start3A_19 = tpu.memref_slice %arg7[%dma_start3A_8, %dma_start3A_17, %dma_start3A_18] : memref<2x4x120xi32, #tpu.memory_space<vmem>> -> memref<1x4x120xi32, #tpu.memory_space<vmem>>
    %dma_start3A_20 = tpu.memref_squeeze %dma_start3A_19 : memref<1x4x120xi32, #tpu.memory_space<vmem>> -> memref<4x120xi32, #tpu.memory_space<vmem>>
    %dma_start3A_21 = arith.constant 0 : i32
    %dma_start3A_22 = arith.constant 0 : i32
    %dma_start3A_23 = tpu.memref_slice %arg3[%add3A, %dma_start3A_7, %dma_start3A_21, %dma_start3A_22] : memref<32x21x4x120xi32, #tpu.memory_space<hbm>> -> memref<1x1x4x120xi32, #tpu.memory_space<hbm>>
    %dma_start3A_24 = tpu.memref_squeeze %dma_start3A_23 : memref<1x1x4x120xi32, #tpu.memory_space<hbm>> -> memref<4x120xi32, #tpu.memory_space<hbm>>
    tpu.enqueue_dma source(%dma_start3A_24 : memref<4x120xi32, #tpu.memory_space<hbm>>) target(%dma_start3A_20 : memref<4x120xi32, #tpu.memory_space<vmem>>) target_semaphore(%arg13 : memref<!tpu.dma_semaphore, #tpu.memory_space<semaphore_mem>>)
    %dma_start3A_25 = arith.constant 1 : i32
    %dma_start3A_26 = arith.constant 1 : i32
    %dma_start3A_27 = arith.constant 0 : i32
    %dma_start3A_28 = arith.constant 0 : i32
    %dma_start3A_29 = tpu.memref_slice %arg8[%dma_start3A_26, %dma_start3A_27, %dma_start3A_28] : memref<2x4x120xi32, #tpu.memory_space<vmem>> -> memref<1x4x120xi32, #tpu.memory_space<vmem>>
    %dma_start3A_30 = tpu.memref_squeeze %dma_start3A_29 : memref<1x4x120xi32, #tpu.memory_space<vmem>> -> memref<4x120xi32, #tpu.memory_space<vmem>>
    %dma_start3A_31 = arith.constant 0 : i32
    %dma_start3A_32 = arith.constant 0 : i32
    %dma_start3A_33 = tpu.memref_slice %arg4[%add3A, %dma_start3A_25, %dma_start3A_31, %dma_start3A_32] : memref<32x21x4x120xi32, #tpu.memory_space<hbm>> -> memref<1x1x4x120xi32, #tpu.memory_space<hbm>>
    %dma_start3A_34 = tpu.memref_squeeze %dma_start3A_33 : memref<1x1x4x120xi32, #tpu.memory_space<hbm>> -> memref<4x120xi32, #tpu.memory_space<hbm>>
    %dma_start3A_35 = arith.constant 0 : i32
    %dma_start3A_36 = arith.constant 0 : i32
    %dma_start3A_37 = tpu.memref_slice %arg8[%dma_start3A_26, %dma_start3A_35, %dma_start3A_36] : memref<2x4x120xi32, #tpu.memory_space<vmem>> -> memref<1x4x120xi32, #tpu.memory_space<vmem>>
    %dma_start3A_38 = tpu.memref_squeeze %dma_start3A_37 : memref<1x4x120xi32, #tpu.memory_space<vmem>> -> memref<4x120xi32, #tpu.memory_space<vmem>>
    %dma_start3A_39 = arith.constant 0 : i32
    %dma_start3A_40 = arith.constant 0 : i32
    %dma_start3A_41 = tpu.memref_slice %arg4[%add3A, %dma_start3A_25, %dma_start3A_39, %dma_start3A_40] : memref<32x21x4x120xi32, #tpu.memory_space<hbm>> -> memref<1x1x4x120xi32, #tpu.memory_space<hbm>>
    %dma_start3A_42 = tpu.memref_squeeze %dma_start3A_41 : memref<1x1x4x120xi32, #tpu.memory_space<hbm>> -> memref<4x120xi32, #tpu.memory_space<hbm>>
    tpu.enqueue_dma source(%dma_start3A_42 : memref<4x120xi32, #tpu.memory_space<hbm>>) target(%dma_start3A_38 : memref<4x120xi32, #tpu.memory_space<vmem>>) target_semaphore(%arg13 : memref<!tpu.dma_semaphore, #tpu.memory_space<semaphore_mem>>)
    %dma_start3A_43 = arith.constant 0 : i32
    %dma_start3A_44 = arith.constant 0 : i32
    %dma_start3A_45 = arith.constant 0 : i32
    %dma_start3A_46 = arith.constant 0 : i32
    %dma_start3A_47 = arith.constant 0 : i32
    %dma_start3A_48 = tpu.memref_slice %arg9[%dma_start3A_45, %dma_start3A_46, %dma_start3A_47] : memref<2x120x128xf32, #tpu.memory_space<vmem>> -> memref<1x120x128xf32, #tpu.memory_space<vmem>>
    %dma_start3A_49 = tpu.memref_squeeze %dma_start3A_48 : memref<1x120x128xf32, #tpu.memory_space<vmem>> -> memref<120x128xf32, #tpu.memory_space<vmem>>
    %dma_start3A_50 = arith.constant 0 : i32
    %dma_start3A_51 = tpu.memref_slice %arg7[%dma_start3A_43, %dma_start3A_44, %dma_start3A_50] : memref<2x4x120xi32, #tpu.memory_space<vmem>> -> memref<1x1x120xi32, #tpu.memory_space<vmem>>
    %dma_start3A_52 = tpu.memref_squeeze %dma_start3A_51 : memref<1x1x120xi32, #tpu.memory_space<vmem>> -> memref<120xi32, #tpu.memory_space<vmem>>
    %dma_start3A_53 = arith.constant 0 : i32
    %dma_start3A_54 = arith.constant 0 : i32
    %dma_start3A_55 = tpu.memref_slice %arg2[%dma_start3A_53, %dma_start3A_54] : memref<10000x128xf32, #tpu.memory_space<hbm>> -> memref<10000x128xf32, #tpu.memory_space<hbm>>
    tpu.enqueue_indirect_dma source(%dma_start3A_55 : memref<10000x128xf32, #tpu.memory_space<hbm>>) target(%dma_start3A_49 : memref<120x128xf32, #tpu.memory_space<vmem>>) offsets(%dma_start3A_52 : memref<120xi32, #tpu.memory_space<vmem>>) semaphore(%arg11 : memref<!tpu.dma_semaphore, #tpu.memory_space<semaphore_mem>>)
    %dma_start3A_56 = arith.constant 0 : i32
    %dma_start3A_57 = arith.constant 1 : i32
    %dma_start3A_58 = arith.constant 1 : i32
    %dma_start3A_59 = arith.constant 0 : i32
    %dma_start3A_60 = arith.constant 0 : i32
    %dma_start3A_61 = tpu.memref_slice %arg9[%dma_start3A_58, %dma_start3A_59, %dma_start3A_60] : memref<2x120x128xf32, #tpu.memory_space<vmem>> -> memref<1x120x128xf32, #tpu.memory_space<vmem>>
    %dma_start3A_62 = tpu.memref_squeeze %dma_start3A_61 : memref<1x120x128xf32, #tpu.memory_space<vmem>> -> memref<120x128xf32, #tpu.memory_space<vmem>>
    %dma_start3A_63 = arith.constant 0 : i32
    %dma_start3A_64 = tpu.memref_slice %arg7[%dma_start3A_56, %dma_start3A_57, %dma_start3A_63] : memref<2x4x120xi32, #tpu.memory_space<vmem>> -> memref<1x1x120xi32, #tpu.memory_space<vmem>>
    %dma_start3A_65 = tpu.memref_squeeze %dma_start3A_64 : memref<1x1x120xi32, #tpu.memory_space<vmem>> -> memref<120xi32, #tpu.memory_space<vmem>>
    %dma_start3A_66 = arith.constant 0 : i32
    %dma_start3A_67 = arith.constant 0 : i32
    %dma_start3A_68 = tpu.memref_slice %arg2[%dma_start3A_66, %dma_start3A_67] : memref<10000x128xf32, #tpu.memory_space<hbm>> -> memref<10000x128xf32, #tpu.memory_space<hbm>>
    tpu.enqueue_indirect_dma source(%dma_start3A_68 : memref<10000x128xf32, #tpu.memory_space<hbm>>) target(%dma_start3A_62 : memref<120x128xf32, #tpu.memory_space<vmem>>) offsets(%dma_start3A_65 : memref<120xi32, #tpu.memory_space<vmem>>) semaphore(%arg11 : memref<!tpu.dma_semaphore, #tpu.memory_space<semaphore_mem>>)
    %dma_wait3A = arith.constant 0 : i32
    %dma_wait3A_69 = tpu.memref_slice %arg10[%mul3A_2, %dma_wait3A] : memref<10112x128xf32, #tpu.memory_space<vmem_shared>> -> memref<632x128xf32, #tpu.memory_space<vmem_shared>>
    tpu.wait_dma2 semaphore(%arg12 : memref<!tpu.dma_semaphore, #tpu.memory_space<semaphore_mem>>) src(%arg5 : memref<632x128xf32, #tpu.memory_space<hbm>>) dst(%dma_wait3A_69 : memref<632x128xf32, #tpu.memory_space<vmem_shared>>)
    %barrier3A = arith.constant 0 : index
    tpu.barrier barrier_id(%barrier3A)
    %scan3A = arith.constant 0 : i32
    %scan3A_70 = arith.constant 0 : i32
    %scan3A_71 = arith.constant 42 : i32
    %scan3A_72 = arith.addi %scan3A_70, %scan3A_71 : i32
    %scan3A_73 = arith.constant 1 : i32
    scf.for %scan3A_80 = %scan3A_70 to %scan3A_72 step %scan3A_73  : i32 {
      %jit3A = arith.constant 2 : i32
      %div3A = arith.divsi %scan3A_80, %jit3A : i32
      %sign3A = arith.constant 0 : i32
      %sign3A_81 = arith.cmpi sgt, %scan3A_80, %sign3A : i32
      %sign3A_82 = arith.extui %sign3A_81 : i1 to i32
      %sign3A_83 = arith.constant 0 : i32
      %sign3A_84 = arith.cmpi slt, %scan3A_80, %sign3A_83 : i32
      %sign3A_85 = arith.extui %sign3A_84 : i1 to i32
      %sign3A_86 = arith.subi %sign3A_82, %sign3A_85 : i32
      %sign3A_87 = arith.constant 0 : i32
      %sign3A_88 = arith.cmpi sgt, %jit3A, %sign3A_87 : i32
      %sign3A_89 = arith.extui %sign3A_88 : i1 to i32
      %sign3A_90 = arith.constant 0 : i32
      %sign3A_91 = arith.cmpi slt, %jit3A, %sign3A_90 : i32
      %sign3A_92 = arith.extui %sign3A_91 : i1 to i32
      %sign3A_93 = arith.subi %sign3A_89, %sign3A_92 : i32
      %ne3A = arith.cmpi ne, %sign3A_86, %sign3A_93 : i32
      %rem3A = arith.remsi %scan3A_80, %jit3A : i32
      %ne3A_94 = arith.constant 0 : i32
      %ne3A_95 = arith.cmpi ne, %rem3A, %ne3A_94 : i32
      %and3A = arith.andi %ne3A, %ne3A_95 : i1
      %sub3A = arith.constant 1 : i32
      %sub3A_96 = arith.subi %div3A, %sub3A : i32
      %select_n3A = arith.select %and3A, %sub3A_96, %div3A : i32
      %rem3A_97 = arith.constant 2 : i32
      %rem3A_98 = arith.remsi %select_n3A, %rem3A_97 : i32
      %rem3A_99 = arith.constant 2 : i32
      %rem3A_100 = arith.remsi %scan3A_80, %rem3A_99 : i32
      %mul3A_101 = arith.constant 2 : i32
      %mul3A_102 = arith.muli %rem3A_100, %mul3A_101 : i32
      %add3A_103 = arith.constant 0 : i32
      %add3A_104 = arith.addi %mul3A_102, %add3A_103 : i32
      %dma_wait3A_105 = arith.constant 0 : i32
      %dma_wait3A_106 = arith.constant 0 : i32
      %dma_wait3A_107 = arith.constant 0 : i32
      %dma_wait3A_108 = tpu.memref_slice %arg9[%dma_wait3A_105, %dma_wait3A_106, %dma_wait3A_107] : memref<2x120x128xf32, #tpu.memory_space<vmem>> -> memref<1x120x128xf32, #tpu.memory_space<vmem>>
      %dma_wait3A_109 = tpu.memref_squeeze %dma_wait3A_108 : memref<1x120x128xf32, #tpu.memory_space<vmem>> -> memref<120x128xf32, #tpu.memory_space<vmem>>
      %dma_wait3A_110 = arith.constant 0 : i32
      %dma_wait3A_111 = tpu.memref_slice %arg7[%rem3A_98, %add3A_104, %dma_wait3A_110] : memref<2x4x120xi32, #tpu.memory_space<vmem>> -> memref<1x1x120xi32, #tpu.memory_space<vmem>>
      %dma_wait3A_112 = tpu.memref_squeeze %dma_wait3A_111 : memref<1x1x120xi32, #tpu.memory_space<vmem>> -> memref<120xi32, #tpu.memory_space<vmem>>
      %dma_wait3A_113 = arith.constant 0 : i32
      %dma_wait3A_114 = arith.constant 0 : i32
      %dma_wait3A_115 = tpu.memref_slice %arg2[%dma_wait3A_113, %dma_wait3A_114] : memref<10000x128xf32, #tpu.memory_space<hbm>> -> memref<10000x128xf32, #tpu.memory_space<hbm>>
      tpu.wait_indirect_dma semaphore(%arg11 : memref<!tpu.dma_semaphore, #tpu.memory_space<semaphore_mem>>) src(%dma_wait3A_115 : memref<10000x128xf32, #tpu.memory_space<hbm>>) dst(%dma_wait3A_109 : memref<120x128xf32, #tpu.memory_space<vmem>>)
      %add3A_116 = arith.constant 0 : i32
      %add3A_117 = arith.addi %mul3A_102, %add3A_116 : i32
      %dma_start3A_118 = arith.constant 0 : i32
      %dma_start3A_119 = arith.constant 0 : i32
      %dma_start3A_120 = arith.constant 0 : i32
      %dma_start3A_121 = tpu.memref_slice %arg9[%dma_start3A_118, %dma_start3A_119, %dma_start3A_120] : memref<2x120x128xf32, #tpu.memory_space<vmem>> -> memref<1x120x128xf32, #tpu.memory_space<vmem>>
      %dma_start3A_122 = tpu.memref_squeeze %dma_start3A_121 : memref<1x120x128xf32, #tpu.memory_space<vmem>> -> memref<120x128xf32, #tpu.memory_space<vmem>>
      %dma_start3A_123 = arith.constant 0 : i32
      %dma_start3A_124 = tpu.memref_slice %arg8[%rem3A_98, %add3A_117, %dma_start3A_123] : memref<2x4x120xi32, #tpu.memory_space<vmem>> -> memref<1x1x120xi32, #tpu.memory_space<vmem>>
      %dma_start3A_125 = tpu.memref_squeeze %dma_start3A_124 : memref<1x1x120xi32, #tpu.memory_space<vmem>> -> memref<120xi32, #tpu.memory_space<vmem>>
      %dma_start3A_126 = arith.constant 0 : i32
      %dma_start3A_127 = arith.constant 0 : i32
      %dma_start3A_128 = tpu.memref_slice %arg10[%dma_start3A_126, %dma_start3A_127] : memref<10112x128xf32, #tpu.memory_space<vmem_shared>> -> memref<10112x128xf32, #tpu.memory_space<vmem_shared>>
      tpu.enqueue_indirect_dma source(%dma_start3A_122 : memref<120x128xf32, #tpu.memory_space<vmem>>) target(%dma_start3A_128 : memref<10112x128xf32, #tpu.memory_space<vmem_shared>>) offsets(%dma_start3A_125 : memref<120xi32, #tpu.memory_space<vmem>>) semaphore(%arg12 : memref<!tpu.dma_semaphore, #tpu.memory_space<semaphore_mem>>) {add = true}
      %add3A_129 = arith.constant 1 : i32
      %add3A_130 = arith.addi %mul3A_102, %add3A_129 : i32
      %dma_wait3A_131 = arith.constant 1 : i32
      %dma_wait3A_132 = arith.constant 0 : i32
      %dma_wait3A_133 = arith.constant 0 : i32
      %dma_wait3A_134 = tpu.memref_slice %arg9[%dma_wait3A_131, %dma_wait3A_132, %dma_wait3A_133] : memref<2x120x128xf32, #tpu.memory_space<vmem>> -> memref<1x120x128xf32, #tpu.memory_space<vmem>>
      %dma_wait3A_135 = tpu.memref_squeeze %dma_wait3A_134 : memref<1x120x128xf32, #tpu.memory_space<vmem>> -> memref<120x128xf32, #tpu.memory_space<vmem>>
      %dma_wait3A_136 = arith.constant 0 : i32
      %dma_wait3A_137 = tpu.memref_slice %arg7[%rem3A_98, %add3A_130, %dma_wait3A_136] : memref<2x4x120xi32, #tpu.memory_space<vmem>> -> memref<1x1x120xi32, #tpu.memory_space<vmem>>
      %dma_wait3A_138 = tpu.memref_squeeze %dma_wait3A_137 : memref<1x1x120xi32, #tpu.memory_space<vmem>> -> memref<120xi32, #tpu.memory_space<vmem>>
      %dma_wait3A_139 = arith.constant 0 : i32
      %dma_wait3A_140 = arith.constant 0 : i32
      %dma_wait3A_141 = tpu.memref_slice %arg2[%dma_wait3A_139, %dma_wait3A_140] : memref<10000x128xf32, #tpu.memory_space<hbm>> -> memref<10000x128xf32, #tpu.memory_space<hbm>>
      tpu.wait_indirect_dma semaphore(%arg11 : memref<!tpu.dma_semaphore, #tpu.memory_space<semaphore_mem>>) src(%dma_wait3A_141 : memref<10000x128xf32, #tpu.memory_space<hbm>>) dst(%dma_wait3A_135 : memref<120x128xf32, #tpu.memory_space<vmem>>)
      %add3A_142 = arith.constant 1 : i32
      %add3A_143 = arith.addi %mul3A_102, %add3A_142 : i32
      %dma_start3A_144 = arith.constant 1 : i32
      %dma_start3A_145 = arith.constant 0 : i32
      %dma_start3A_146 = arith.constant 0 : i32
      %dma_start3A_147 = tpu.memref_slice %arg9[%dma_start3A_144, %dma_start3A_145, %dma_start3A_146] : memref<2x120x128xf32, #tpu.memory_space<vmem>> -> memref<1x120x128xf32, #tpu.memory_space<vmem>>
      %dma_start3A_148 = tpu.memref_squeeze %dma_start3A_147 : memref<1x120x128xf32, #tpu.memory_space<vmem>> -> memref<120x128xf32, #tpu.memory_space<vmem>>
      %dma_start3A_149 = arith.constant 0 : i32
      %dma_start3A_150 = tpu.memref_slice %arg8[%rem3A_98, %add3A_143, %dma_start3A_149] : memref<2x4x120xi32, #tpu.memory_space<vmem>> -> memref<1x1x120xi32, #tpu.memory_space<vmem>>
      %dma_start3A_151 = tpu.memref_squeeze %dma_start3A_150 : memref<1x1x120xi32, #tpu.memory_space<vmem>> -> memref<120xi32, #tpu.memory_space<vmem>>
      %dma_start3A_152 = arith.constant 0 : i32
      %dma_start3A_153 = arith.constant 0 : i32
      %dma_start3A_154 = tpu.memref_slice %arg10[%dma_start3A_152, %dma_start3A_153] : memref<10112x128xf32, #tpu.memory_space<vmem_shared>> -> memref<10112x128xf32, #tpu.memory_space<vmem_shared>>
      tpu.enqueue_indirect_dma source(%dma_start3A_148 : memref<120x128xf32, #tpu.memory_space<vmem>>) target(%dma_start3A_154 : memref<10112x128xf32, #tpu.memory_space<vmem_shared>>) offsets(%dma_start3A_151 : memref<120xi32, #tpu.memory_space<vmem>>) semaphore(%arg12 : memref<!tpu.dma_semaphore, #tpu.memory_space<semaphore_mem>>) {add = true}
      %add3A_155 = arith.constant 2 : i32
      %add3A_156 = arith.addi %mul3A_102, %add3A_155 : i32
      %lt3A = arith.constant 4 : i32
      %lt3A_157 = arith.cmpi slt, %add3A_156, %lt3A : i32
      %add3A_158 = arith.constant 1 : i32
      %add3A_159 = arith.addi %scan3A_80, %add3A_158 : i32
      %lt3A_160 = arith.constant 42 : i32
      %lt3A_161 = arith.cmpi slt, %add3A_159, %lt3A_160 : i32
      %and3A_162 = arith.andi %lt3A_157, %lt3A_161 : i1
      %convert_element_type3A = arith.extui %and3A_162 : i1 to i32
      %cond3A = arith.constant 0 : i32
      %cond3A_163 = arith.cmpi ne, %convert_element_type3A, %cond3A : i32
      scf.if %cond3A_163 {
        %add3A_182 = arith.constant 0 : i32
        %add3A_183 = arith.addi %mul3A_102, %add3A_182 : i32
        %dma_wait3A_184 = arith.constant 0 : i32
        %dma_wait3A_185 = arith.constant 0 : i32
        %dma_wait3A_186 = arith.constant 0 : i32
        %dma_wait3A_187 = tpu.memref_slice %arg9[%dma_wait3A_184, %dma_wait3A_185, %dma_wait3A_186] : memref<2x120x128xf32, #tpu.memory_space<vmem>> -> memref<1x120x128xf32, #tpu.memory_space<vmem>>
        %dma_wait3A_188 = tpu.memref_squeeze %dma_wait3A_187 : memref<1x120x128xf32, #tpu.memory_space<vmem>> -> memref<120x128xf32, #tpu.memory_space<vmem>>
        %dma_wait3A_189 = arith.constant 0 : i32
        %dma_wait3A_190 = tpu.memref_slice %arg8[%rem3A_98, %add3A_183, %dma_wait3A_189] : memref<2x4x120xi32, #tpu.memory_space<vmem>> -> memref<1x1x120xi32, #tpu.memory_space<vmem>>
        %dma_wait3A_191 = tpu.memref_squeeze %dma_wait3A_190 : memref<1x1x120xi32, #tpu.memory_space<vmem>> -> memref<120xi32, #tpu.memory_space<vmem>>
        %dma_wait3A_192 = arith.constant 0 : i32
        %dma_wait3A_193 = arith.constant 0 : i32
        %dma_wait3A_194 = tpu.memref_slice %arg10[%dma_wait3A_192, %dma_wait3A_193] : memref<10112x128xf32, #tpu.memory_space<vmem_shared>> -> memref<10112x128xf32, #tpu.memory_space<vmem_shared>>
        tpu.wait_indirect_dma semaphore(%arg12 : memref<!tpu.dma_semaphore, #tpu.memory_space<semaphore_mem>>) src(%dma_wait3A_188 : memref<120x128xf32, #tpu.memory_space<vmem>>) dst(%dma_wait3A_194 : memref<10112x128xf32, #tpu.memory_space<vmem_shared>>)
        %add3A_195 = arith.constant 2 : i32
        %add3A_196 = arith.addi %mul3A_102, %add3A_195 : i32
        %add3A_197 = arith.constant 0 : i32
        %add3A_198 = arith.addi %add3A_196, %add3A_197 : i32
        %dma_start3A_199 = arith.constant 0 : i32
        %dma_start3A_200 = arith.constant 0 : i32
        %dma_start3A_201 = arith.constant 0 : i32
        %dma_start3A_202 = tpu.memref_slice %arg9[%dma_start3A_199, %dma_start3A_200, %dma_start3A_201] : memref<2x120x128xf32, #tpu.memory_space<vmem>> -> memref<1x120x128xf32, #tpu.memory_space<vmem>>
        %dma_start3A_203 = tpu.memref_squeeze %dma_start3A_202 : memref<1x120x128xf32, #tpu.memory_space<vmem>> -> memref<120x128xf32, #tpu.memory_space<vmem>>
        %dma_start3A_204 = arith.constant 0 : i32
        %dma_start3A_205 = tpu.memref_slice %arg7[%rem3A_98, %add3A_198, %dma_start3A_204] : memref<2x4x120xi32, #tpu.memory_space<vmem>> -> memref<1x1x120xi32, #tpu.memory_space<vmem>>
        %dma_start3A_206 = tpu.memref_squeeze %dma_start3A_205 : memref<1x1x120xi32, #tpu.memory_space<vmem>> -> memref<120xi32, #tpu.memory_space<vmem>>
        %dma_start3A_207 = arith.constant 0 : i32
        %dma_start3A_208 = arith.constant 0 : i32
        %dma_start3A_209 = tpu.memref_slice %arg2[%dma_start3A_207, %dma_start3A_208] : memref<10000x128xf32, #tpu.memory_space<hbm>> -> memref<10000x128xf32, #tpu.memory_space<hbm>>
        tpu.enqueue_indirect_dma source(%dma_start3A_209 : memref<10000x128xf32, #tpu.memory_space<hbm>>) target(%dma_start3A_203 : memref<120x128xf32, #tpu.memory_space<vmem>>) offsets(%dma_start3A_206 : memref<120xi32, #tpu.memory_space<vmem>>) semaphore(%arg11 : memref<!tpu.dma_semaphore, #tpu.memory_space<semaphore_mem>>)
        %add3A_210 = arith.constant 1 : i32
        %add3A_211 = arith.addi %mul3A_102, %add3A_210 : i32
        %dma_wait3A_212 = arith.constant 1 : i32
        %dma_wait3A_213 = arith.constant 0 : i32
        %dma_wait3A_214 = arith.constant 0 : i32
        %dma_wait3A_215 = tpu.memref_slice %arg9[%dma_wait3A_212, %dma_wait3A_213, %dma_wait3A_214] : memref<2x120x128xf32, #tpu.memory_space<vmem>> -> memref<1x120x128xf32, #tpu.memory_space<vmem>>
        %dma_wait3A_216 = tpu.memref_squeeze %dma_wait3A_215 : memref<1x120x128xf32, #tpu.memory_space<vmem>> -> memref<120x128xf32, #tpu.memory_space<vmem>>
        %dma_wait3A_217 = arith.constant 0 : i32
        %dma_wait3A_218 = tpu.memref_slice %arg8[%rem3A_98, %add3A_211, %dma_wait3A_217] : memref<2x4x120xi32, #tpu.memory_space<vmem>> -> memref<1x1x120xi32, #tpu.memory_space<vmem>>
        %dma_wait3A_219 = tpu.memref_squeeze %dma_wait3A_218 : memref<1x1x120xi32, #tpu.memory_space<vmem>> -> memref<120xi32, #tpu.memory_space<vmem>>
        %dma_wait3A_220 = arith.constant 0 : i32
        %dma_wait3A_221 = arith.constant 0 : i32
        %dma_wait3A_222 = tpu.memref_slice %arg10[%dma_wait3A_220, %dma_wait3A_221] : memref<10112x128xf32, #tpu.memory_space<vmem_shared>> -> memref<10112x128xf32, #tpu.memory_space<vmem_shared>>
        tpu.wait_indirect_dma semaphore(%arg12 : memref<!tpu.dma_semaphore, #tpu.memory_space<semaphore_mem>>) src(%dma_wait3A_216 : memref<120x128xf32, #tpu.memory_space<vmem>>) dst(%dma_wait3A_222 : memref<10112x128xf32, #tpu.memory_space<vmem_shared>>)
        %add3A_223 = arith.constant 2 : i32
        %add3A_224 = arith.addi %mul3A_102, %add3A_223 : i32
        %add3A_225 = arith.constant 1 : i32
        %add3A_226 = arith.addi %add3A_224, %add3A_225 : i32
        %dma_start3A_227 = arith.constant 1 : i32
        %dma_start3A_228 = arith.constant 0 : i32
        %dma_start3A_229 = arith.constant 0 : i32
        %dma_start3A_230 = tpu.memref_slice %arg9[%dma_start3A_227, %dma_start3A_228, %dma_start3A_229] : memref<2x120x128xf32, #tpu.memory_space<vmem>> -> memref<1x120x128xf32, #tpu.memory_space<vmem>>
        %dma_start3A_231 = tpu.memref_squeeze %dma_start3A_230 : memref<1x120x128xf32, #tpu.memory_space<vmem>> -> memref<120x128xf32, #tpu.memory_space<vmem>>
        %dma_start3A_232 = arith.constant 0 : i32
        %dma_start3A_233 = tpu.memref_slice %arg7[%rem3A_98, %add3A_226, %dma_start3A_232] : memref<2x4x120xi32, #tpu.memory_space<vmem>> -> memref<1x1x120xi32, #tpu.memory_space<vmem>>
        %dma_start3A_234 = tpu.memref_squeeze %dma_start3A_233 : memref<1x1x120xi32, #tpu.memory_space<vmem>> -> memref<120xi32, #tpu.memory_space<vmem>>
        %dma_start3A_235 = arith.constant 0 : i32
        %dma_start3A_236 = arith.constant 0 : i32
        %dma_start3A_237 = tpu.memref_slice %arg2[%dma_start3A_235, %dma_start3A_236] : memref<10000x128xf32, #tpu.memory_space<hbm>> -> memref<10000x128xf32, #tpu.memory_space<hbm>>
        tpu.enqueue_indirect_dma source(%dma_start3A_237 : memref<10000x128xf32, #tpu.memory_space<hbm>>) target(%dma_start3A_231 : memref<120x128xf32, #tpu.memory_space<vmem>>) offsets(%dma_start3A_234 : memref<120xi32, #tpu.memory_space<vmem>>) semaphore(%arg11 : memref<!tpu.dma_semaphore, #tpu.memory_space<semaphore_mem>>)
      } else {
      }
      %add3A_164 = arith.constant 2 : i32
      %add3A_165 = arith.addi %mul3A_102, %add3A_164 : i32
      %ge3A = arith.constant 4 : i32
      %ge3A_166 = arith.cmpi sge, %add3A_165, %ge3A : i32
      %add3A_167 = arith.constant 1 : i32
      %add3A_168 = arith.addi %scan3A_80, %add3A_167 : i32
      %lt3A_169 = arith.constant 42 : i32
      %lt3A_170 = arith.cmpi slt, %add3A_168, %lt3A_169 : i32
      %and3A_171 = arith.andi %ge3A_166, %lt3A_170 : i1
      %convert_element_type3A_172 = arith.extui %and3A_171 : i1 to i32
      %cond3A_173 = arith.constant 0 : i32
      %cond3A_174 = arith.cmpi ne, %convert_element_type3A_172, %cond3A_173 : i32
      scf.if %cond3A_174 {
        %add3A_182 = arith.constant 0 : i32
        %add3A_183 = arith.addi %mul3A_102, %add3A_182 : i32
        %dma_wait3A_184 = arith.constant 0 : i32
        %dma_wait3A_185 = arith.constant 0 : i32
        %dma_wait3A_186 = arith.constant 0 : i32
        %dma_wait3A_187 = tpu.memref_slice %arg9[%dma_wait3A_184, %dma_wait3A_185, %dma_wait3A_186] : memref<2x120x128xf32, #tpu.memory_space<vmem>> -> memref<1x120x128xf32, #tpu.memory_space<vmem>>
        %dma_wait3A_188 = tpu.memref_squeeze %dma_wait3A_187 : memref<1x120x128xf32, #tpu.memory_space<vmem>> -> memref<120x128xf32, #tpu.memory_space<vmem>>
        %dma_wait3A_189 = arith.constant 0 : i32
        %dma_wait3A_190 = tpu.memref_slice %arg8[%rem3A_98, %add3A_183, %dma_wait3A_189] : memref<2x4x120xi32, #tpu.memory_space<vmem>> -> memref<1x1x120xi32, #tpu.memory_space<vmem>>
        %dma_wait3A_191 = tpu.memref_squeeze %dma_wait3A_190 : memref<1x1x120xi32, #tpu.memory_space<vmem>> -> memref<120xi32, #tpu.memory_space<vmem>>
        %dma_wait3A_192 = arith.constant 0 : i32
        %dma_wait3A_193 = arith.constant 0 : i32
        %dma_wait3A_194 = tpu.memref_slice %arg10[%dma_wait3A_192, %dma_wait3A_193] : memref<10112x128xf32, #tpu.memory_space<vmem_shared>> -> memref<10112x128xf32, #tpu.memory_space<vmem_shared>>
        tpu.wait_indirect_dma semaphore(%arg12 : memref<!tpu.dma_semaphore, #tpu.memory_space<semaphore_mem>>) src(%dma_wait3A_188 : memref<120x128xf32, #tpu.memory_space<vmem>>) dst(%dma_wait3A_194 : memref<10112x128xf32, #tpu.memory_space<vmem_shared>>)
        %add3A_195 = arith.constant 1 : i32
        %add3A_196 = arith.addi %mul3A_102, %add3A_195 : i32
        %dma_wait3A_197 = arith.constant 1 : i32
        %dma_wait3A_198 = arith.constant 0 : i32
        %dma_wait3A_199 = arith.constant 0 : i32
        %dma_wait3A_200 = tpu.memref_slice %arg9[%dma_wait3A_197, %dma_wait3A_198, %dma_wait3A_199] : memref<2x120x128xf32, #tpu.memory_space<vmem>> -> memref<1x120x128xf32, #tpu.memory_space<vmem>>
        %dma_wait3A_201 = tpu.memref_squeeze %dma_wait3A_200 : memref<1x120x128xf32, #tpu.memory_space<vmem>> -> memref<120x128xf32, #tpu.memory_space<vmem>>
        %dma_wait3A_202 = arith.constant 0 : i32
        %dma_wait3A_203 = tpu.memref_slice %arg8[%rem3A_98, %add3A_196, %dma_wait3A_202] : memref<2x4x120xi32, #tpu.memory_space<vmem>> -> memref<1x1x120xi32, #tpu.memory_space<vmem>>
        %dma_wait3A_204 = tpu.memref_squeeze %dma_wait3A_203 : memref<1x1x120xi32, #tpu.memory_space<vmem>> -> memref<120xi32, #tpu.memory_space<vmem>>
        %dma_wait3A_205 = arith.constant 0 : i32
        %dma_wait3A_206 = arith.constant 0 : i32
        %dma_wait3A_207 = tpu.memref_slice %arg10[%dma_wait3A_205, %dma_wait3A_206] : memref<10112x128xf32, #tpu.memory_space<vmem_shared>> -> memref<10112x128xf32, #tpu.memory_space<vmem_shared>>
        tpu.wait_indirect_dma semaphore(%arg12 : memref<!tpu.dma_semaphore, #tpu.memory_space<semaphore_mem>>) src(%dma_wait3A_201 : memref<120x128xf32, #tpu.memory_space<vmem>>) dst(%dma_wait3A_207 : memref<10112x128xf32, #tpu.memory_space<vmem_shared>>)
        %add3A_208 = arith.constant 2 : i32
        %add3A_209 = arith.addi %select_n3A, %add3A_208 : i32
        %lt3A_210 = arith.constant 21 : i32
        %lt3A_211 = arith.cmpi slt, %add3A_209, %lt3A_210 : i32
        %convert_element_type3A_212 = arith.extui %lt3A_211 : i1 to i32
        %cond3A_213 = arith.constant 0 : i32
        %cond3A_214 = arith.cmpi ne, %convert_element_type3A_212, %cond3A_213 : i32
        scf.if %cond3A_214 {
          %add3A_279 = arith.constant 2 : i32
          %add3A_280 = arith.addi %select_n3A, %add3A_279 : i32
          %dma_start3A_281 = arith.constant 0 : i32
          %dma_start3A_282 = arith.constant 0 : i32
          %dma_start3A_283 = tpu.memref_slice %arg7[%rem3A_98, %dma_start3A_281, %dma_start3A_282] : memref<2x4x120xi32, #tpu.memory_space<vmem>> -> memref<1x4x120xi32, #tpu.memory_space<vmem>>
          %dma_start3A_284 = tpu.memref_squeeze %dma_start3A_283 : memref<1x4x120xi32, #tpu.memory_space<vmem>> -> memref<4x120xi32, #tpu.memory_space<vmem>>
          %dma_start3A_285 = arith.constant 0 : i32
          %dma_start3A_286 = arith.constant 0 : i32
          %dma_start3A_287 = tpu.memref_slice %arg3[%add3A, %add3A_280, %dma_start3A_285, %dma_start3A_286] : memref<32x21x4x120xi32, #tpu.memory_space<hbm>> -> memref<1x1x4x120xi32, #tpu.memory_space<hbm>>
          %dma_start3A_288 = tpu.memref_squeeze %dma_start3A_287 : memref<1x1x4x120xi32, #tpu.memory_space<hbm>> -> memref<4x120xi32, #tpu.memory_space<hbm>>
          %dma_start3A_289 = arith.constant 0 : i32
          %dma_start3A_290 = arith.constant 0 : i32
          %dma_start3A_291 = tpu.memref_slice %arg7[%rem3A_98, %dma_start3A_289, %dma_start3A_290] : memref<2x4x120xi32, #tpu.memory_space<vmem>> -> memref<1x4x120xi32, #tpu.memory_space<vmem>>
          %dma_start3A_292 = tpu.memref_squeeze %dma_start3A_291 : memref<1x4x120xi32, #tpu.memory_space<vmem>> -> memref<4x120xi32, #tpu.memory_space<vmem>>
          %dma_start3A_293 = arith.constant 0 : i32
          %dma_start3A_294 = arith.constant 0 : i32
          %dma_start3A_295 = tpu.memref_slice %arg3[%add3A, %add3A_280, %dma_start3A_293, %dma_start3A_294] : memref<32x21x4x120xi32, #tpu.memory_space<hbm>> -> memref<1x1x4x120xi32, #tpu.memory_space<hbm>>
          %dma_start3A_296 = tpu.memref_squeeze %dma_start3A_295 : memref<1x1x4x120xi32, #tpu.memory_space<hbm>> -> memref<4x120xi32, #tpu.memory_space<hbm>>
          tpu.enqueue_dma source(%dma_start3A_296 : memref<4x120xi32, #tpu.memory_space<hbm>>) target(%dma_start3A_292 : memref<4x120xi32, #tpu.memory_space<vmem>>) target_semaphore(%arg13 : memref<!tpu.dma_semaphore, #tpu.memory_space<semaphore_mem>>)
          %dma_start3A_297 = arith.constant 0 : i32
          %dma_start3A_298 = arith.constant 0 : i32
          %dma_start3A_299 = tpu.memref_slice %arg8[%rem3A_98, %dma_start3A_297, %dma_start3A_298] : memref<2x4x120xi32, #tpu.memory_space<vmem>> -> memref<1x4x120xi32, #tpu.memory_space<vmem>>
          %dma_start3A_300 = tpu.memref_squeeze %dma_start3A_299 : memref<1x4x120xi32, #tpu.memory_space<vmem>> -> memref<4x120xi32, #tpu.memory_space<vmem>>
          %dma_start3A_301 = arith.constant 0 : i32
          %dma_start3A_302 = arith.constant 0 : i32
          %dma_start3A_303 = tpu.memref_slice %arg4[%add3A, %add3A_280, %dma_start3A_301, %dma_start3A_302] : memref<32x21x4x120xi32, #tpu.memory_space<hbm>> -> memref<1x1x4x120xi32, #tpu.memory_space<hbm>>
          %dma_start3A_304 = tpu.memref_squeeze %dma_start3A_303 : memref<1x1x4x120xi32, #tpu.memory_space<hbm>> -> memref<4x120xi32, #tpu.memory_space<hbm>>
          %dma_start3A_305 = arith.constant 0 : i32
          %dma_start3A_306 = arith.constant 0 : i32
          %dma_start3A_307 = tpu.memref_slice %arg8[%rem3A_98, %dma_start3A_305, %dma_start3A_306] : memref<2x4x120xi32, #tpu.memory_space<vmem>> -> memref<1x4x120xi32, #tpu.memory_space<vmem>>
          %dma_start3A_308 = tpu.memref_squeeze %dma_start3A_307 : memref<1x4x120xi32, #tpu.memory_space<vmem>> -> memref<4x120xi32, #tpu.memory_space<vmem>>
          %dma_start3A_309 = arith.constant 0 : i32
          %dma_start3A_310 = arith.constant 0 : i32
          %dma_start3A_311 = tpu.memref_slice %arg4[%add3A, %add3A_280, %dma_start3A_309, %dma_start3A_310] : memref<32x21x4x120xi32, #tpu.memory_space<hbm>> -> memref<1x1x4x120xi32, #tpu.memory_space<hbm>>
          %dma_start3A_312 = tpu.memref_squeeze %dma_start3A_311 : memref<1x1x4x120xi32, #tpu.memory_space<hbm>> -> memref<4x120xi32, #tpu.memory_space<hbm>>
          tpu.enqueue_dma source(%dma_start3A_312 : memref<4x120xi32, #tpu.memory_space<hbm>>) target(%dma_start3A_308 : memref<4x120xi32, #tpu.memory_space<vmem>>) target_semaphore(%arg13 : memref<!tpu.dma_semaphore, #tpu.memory_space<semaphore_mem>>)
        } else {
        }
        %add3A_215 = arith.constant 1 : i32
        %add3A_216 = arith.addi %select_n3A, %add3A_215 : i32
        %sub3A_217 = arith.constant 1 : i32
        %sub3A_218 = arith.subi %sub3A_217, %rem3A_98 : i32
        %dma_wait3A_219 = arith.constant 0 : i32
        %dma_wait3A_220 = arith.constant 0 : i32
        %dma_wait3A_221 = tpu.memref_slice %arg7[%sub3A_218, %dma_wait3A_219, %dma_wait3A_220] : memref<2x4x120xi32, #tpu.memory_space<vmem>> -> memref<1x4x120xi32, #tpu.memory_space<vmem>>
        %dma_wait3A_222 = tpu.memref_squeeze %dma_wait3A_221 : memref<1x4x120xi32, #tpu.memory_space<vmem>> -> memref<4x120xi32, #tpu.memory_space<vmem>>
        %dma_wait3A_223 = arith.constant 0 : i32
        %dma_wait3A_224 = arith.constant 0 : i32
        %dma_wait3A_225 = tpu.memref_slice %arg3[%add3A, %add3A_216, %dma_wait3A_223, %dma_wait3A_224] : memref<32x21x4x120xi32, #tpu.memory_space<hbm>> -> memref<1x1x4x120xi32, #tpu.memory_space<hbm>>
        %dma_wait3A_226 = tpu.memref_squeeze %dma_wait3A_225 : memref<1x1x4x120xi32, #tpu.memory_space<hbm>> -> memref<4x120xi32, #tpu.memory_space<hbm>>
        %dma_wait3A_227 = arith.constant 0 : i32
        %dma_wait3A_228 = arith.constant 0 : i32
        %dma_wait3A_229 = tpu.memref_slice %arg7[%sub3A_218, %dma_wait3A_227, %dma_wait3A_228] : memref<2x4x120xi32, #tpu.memory_space<vmem>> -> memref<1x4x120xi32, #tpu.memory_space<vmem>>
        %dma_wait3A_230 = tpu.memref_squeeze %dma_wait3A_229 : memref<1x4x120xi32, #tpu.memory_space<vmem>> -> memref<4x120xi32, #tpu.memory_space<vmem>>
        %dma_wait3A_231 = arith.constant 0 : i32
        %dma_wait3A_232 = arith.constant 0 : i32
        %dma_wait3A_233 = tpu.memref_slice %arg3[%add3A, %add3A_216, %dma_wait3A_231, %dma_wait3A_232] : memref<32x21x4x120xi32, #tpu.memory_space<hbm>> -> memref<1x1x4x120xi32, #tpu.memory_space<hbm>>
        %dma_wait3A_234 = tpu.memref_squeeze %dma_wait3A_233 : memref<1x1x4x120xi32, #tpu.memory_space<hbm>> -> memref<4x120xi32, #tpu.memory_space<hbm>>
        tpu.wait_dma2 semaphore(%arg13 : memref<!tpu.dma_semaphore, #tpu.memory_space<semaphore_mem>>) src(%dma_wait3A_234 : memref<4x120xi32, #tpu.memory_space<hbm>>) dst(%dma_wait3A_230 : memref<4x120xi32, #tpu.memory_space<vmem>>)
        %dma_wait3A_235 = arith.constant 0 : i32
        %dma_wait3A_236 = arith.constant 0 : i32
        %dma_wait3A_237 = tpu.memref_slice %arg8[%sub3A_218, %dma_wait3A_235, %dma_wait3A_236] : memref<2x4x120xi32, #tpu.memory_space<vmem>> -> memref<1x4x120xi32, #tpu.memory_space<vmem>>
        %dma_wait3A_238 = tpu.memref_squeeze %dma_wait3A_237 : memref<1x4x120xi32, #tpu.memory_space<vmem>> -> memref<4x120xi32, #tpu.memory_space<vmem>>
        %dma_wait3A_239 = arith.constant 0 : i32
        %dma_wait3A_240 = arith.constant 0 : i32
        %dma_wait3A_241 = tpu.memref_slice %arg4[%add3A, %add3A_216, %dma_wait3A_239, %dma_wait3A_240] : memref<32x21x4x120xi32, #tpu.memory_space<hbm>> -> memref<1x1x4x120xi32, #tpu.memory_space<hbm>>
        %dma_wait3A_242 = tpu.memref_squeeze %dma_wait3A_241 : memref<1x1x4x120xi32, #tpu.memory_space<hbm>> -> memref<4x120xi32, #tpu.memory_space<hbm>>
        %dma_wait3A_243 = arith.constant 0 : i32
        %dma_wait3A_244 = arith.constant 0 : i32
        %dma_wait3A_245 = tpu.memref_slice %arg8[%sub3A_218, %dma_wait3A_243, %dma_wait3A_244] : memref<2x4x120xi32, #tpu.memory_space<vmem>> -> memref<1x4x120xi32, #tpu.memory_space<vmem>>
        %dma_wait3A_246 = tpu.memref_squeeze %dma_wait3A_245 : memref<1x4x120xi32, #tpu.memory_space<vmem>> -> memref<4x120xi32, #tpu.memory_space<vmem>>
        %dma_wait3A_247 = arith.constant 0 : i32
        %dma_wait3A_248 = arith.constant 0 : i32
        %dma_wait3A_249 = tpu.memref_slice %arg4[%add3A, %add3A_216, %dma_wait3A_247, %dma_wait3A_248] : memref<32x21x4x120xi32, #tpu.memory_space<hbm>> -> memref<1x1x4x120xi32, #tpu.memory_space<hbm>>
        %dma_wait3A_250 = tpu.memref_squeeze %dma_wait3A_249 : memref<1x1x4x120xi32, #tpu.memory_space<hbm>> -> memref<4x120xi32, #tpu.memory_space<hbm>>
        tpu.wait_dma2 semaphore(%arg13 : memref<!tpu.dma_semaphore, #tpu.memory_space<semaphore_mem>>) src(%dma_wait3A_250 : memref<4x120xi32, #tpu.memory_space<hbm>>) dst(%dma_wait3A_246 : memref<4x120xi32, #tpu.memory_space<vmem>>)
        %sub3A_251 = arith.constant 1 : i32
        %sub3A_252 = arith.subi %sub3A_251, %rem3A_98 : i32
        %dma_start3A_253 = arith.constant 0 : i32
        %dma_start3A_254 = arith.constant 0 : i32
        %dma_start3A_255 = arith.constant 0 : i32
        %dma_start3A_256 = arith.constant 0 : i32
        %dma_start3A_257 = tpu.memref_slice %arg9[%dma_start3A_254, %dma_start3A_255, %dma_start3A_256] : memref<2x120x128xf32, #tpu.memory_space<vmem>> -> memref<1x120x128xf32, #tpu.memory_space<vmem>>
        %dma_start3A_258 = tpu.memref_squeeze %dma_start3A_257 : memref<1x120x128xf32, #tpu.memory_space<vmem>> -> memref<120x128xf32, #tpu.memory_space<vmem>>
        %dma_start3A_259 = arith.constant 0 : i32
        %dma_start3A_260 = tpu.memref_slice %arg7[%sub3A_252, %dma_start3A_253, %dma_start3A_259] : memref<2x4x120xi32, #tpu.memory_space<vmem>> -> memref<1x1x120xi32, #tpu.memory_space<vmem>>
        %dma_start3A_261 = tpu.memref_squeeze %dma_start3A_260 : memref<1x1x120xi32, #tpu.memory_space<vmem>> -> memref<120xi32, #tpu.memory_space<vmem>>
        %dma_start3A_262 = arith.constant 0 : i32
        %dma_start3A_263 = arith.constant 0 : i32
        %dma_start3A_264 = tpu.memref_slice %arg2[%dma_start3A_262, %dma_start3A_263] : memref<10000x128xf32, #tpu.memory_space<hbm>> -> memref<10000x128xf32, #tpu.memory_space<hbm>>
        tpu.enqueue_indirect_dma source(%dma_start3A_264 : memref<10000x128xf32, #tpu.memory_space<hbm>>) target(%dma_start3A_258 : memref<120x128xf32, #tpu.memory_space<vmem>>) offsets(%dma_start3A_261 : memref<120xi32, #tpu.memory_space<vmem>>) semaphore(%arg11 : memref<!tpu.dma_semaphore, #tpu.memory_space<semaphore_mem>>)
        %sub3A_265 = arith.constant 1 : i32
        %sub3A_266 = arith.subi %sub3A_265, %rem3A_98 : i32
        %dma_start3A_267 = arith.constant 1 : i32
        %dma_start3A_268 = arith.constant 1 : i32
        %dma_start3A_269 = arith.constant 0 : i32
        %dma_start3A_270 = arith.constant 0 : i32
        %dma_start3A_271 = tpu.memref_slice %arg9[%dma_start3A_268, %dma_start3A_269, %dma_start3A_270] : memref<2x120x128xf32, #tpu.memory_space<vmem>> -> memref<1x120x128xf32, #tpu.memory_space<vmem>>
        %dma_start3A_272 = tpu.memref_squeeze %dma_start3A_271 : memref<1x120x128xf32, #tpu.memory_space<vmem>> -> memref<120x128xf32, #tpu.memory_space<vmem>>
        %dma_start3A_273 = arith.constant 0 : i32
        %dma_start3A_274 = tpu.memref_slice %arg7[%sub3A_266, %dma_start3A_267, %dma_start3A_273] : memref<2x4x120xi32, #tpu.memory_space<vmem>> -> memref<1x1x120xi32, #tpu.memory_space<vmem>>
        %dma_start3A_275 = tpu.memref_squeeze %dma_start3A_274 : memref<1x1x120xi32, #tpu.memory_space<vmem>> -> memref<120xi32, #tpu.memory_space<vmem>>
        %dma_start3A_276 = arith.constant 0 : i32
        %dma_start3A_277 = arith.constant 0 : i32
        %dma_start3A_278 = tpu.memref_slice %arg2[%dma_start3A_276, %dma_start3A_277] : memref<10000x128xf32, #tpu.memory_space<hbm>> -> memref<10000x128xf32, #tpu.memory_space<hbm>>
        tpu.enqueue_indirect_dma source(%dma_start3A_278 : memref<10000x128xf32, #tpu.memory_space<hbm>>) target(%dma_start3A_272 : memref<120x128xf32, #tpu.memory_space<vmem>>) offsets(%dma_start3A_275 : memref<120xi32, #tpu.memory_space<vmem>>) semaphore(%arg11 : memref<!tpu.dma_semaphore, #tpu.memory_space<semaphore_mem>>)
      } else {
      }
      %add3A_175 = arith.constant 1 : i32
      %add3A_176 = arith.addi %scan3A_80, %add3A_175 : i32
      %ge3A_177 = arith.constant 42 : i32
      %ge3A_178 = arith.cmpi sge, %add3A_176, %ge3A_177 : i32
      %convert_element_type3A_179 = arith.extui %ge3A_178 : i1 to i32
      %cond3A_180 = arith.constant 0 : i32
      %cond3A_181 = arith.cmpi ne, %convert_element_type3A_179, %cond3A_180 : i32
      scf.if %cond3A_181 {
        %add3A_182 = arith.constant 0 : i32
        %add3A_183 = arith.addi %mul3A_102, %add3A_182 : i32
        %dma_wait3A_184 = arith.constant 0 : i32
        %dma_wait3A_185 = arith.constant 0 : i32
        %dma_wait3A_186 = arith.constant 0 : i32
        %dma_wait3A_187 = tpu.memref_slice %arg9[%dma_wait3A_184, %dma_wait3A_185, %dma_wait3A_186] : memref<2x120x128xf32, #tpu.memory_space<vmem>> -> memref<1x120x128xf32, #tpu.memory_space<vmem>>
        %dma_wait3A_188 = tpu.memref_squeeze %dma_wait3A_187 : memref<1x120x128xf32, #tpu.memory_space<vmem>> -> memref<120x128xf32, #tpu.memory_space<vmem>>
        %dma_wait3A_189 = arith.constant 0 : i32
        %dma_wait3A_190 = tpu.memref_slice %arg8[%rem3A_98, %add3A_183, %dma_wait3A_189] : memref<2x4x120xi32, #tpu.memory_space<vmem>> -> memref<1x1x120xi32, #tpu.memory_space<vmem>>
        %dma_wait3A_191 = tpu.memref_squeeze %dma_wait3A_190 : memref<1x1x120xi32, #tpu.memory_space<vmem>> -> memref<120xi32, #tpu.memory_space<vmem>>
        %dma_wait3A_192 = arith.constant 0 : i32
        %dma_wait3A_193 = arith.constant 0 : i32
        %dma_wait3A_194 = tpu.memref_slice %arg10[%dma_wait3A_192, %dma_wait3A_193] : memref<10112x128xf32, #tpu.memory_space<vmem_shared>> -> memref<10112x128xf32, #tpu.memory_space<vmem_shared>>
        tpu.wait_indirect_dma semaphore(%arg12 : memref<!tpu.dma_semaphore, #tpu.memory_space<semaphore_mem>>) src(%dma_wait3A_188 : memref<120x128xf32, #tpu.memory_space<vmem>>) dst(%dma_wait3A_194 : memref<10112x128xf32, #tpu.memory_space<vmem_shared>>)
        %add3A_195 = arith.constant 1 : i32
        %add3A_196 = arith.addi %mul3A_102, %add3A_195 : i32
        %dma_wait3A_197 = arith.constant 1 : i32
        %dma_wait3A_198 = arith.constant 0 : i32
        %dma_wait3A_199 = arith.constant 0 : i32
        %dma_wait3A_200 = tpu.memref_slice %arg9[%dma_wait3A_197, %dma_wait3A_198, %dma_wait3A_199] : memref<2x120x128xf32, #tpu.memory_space<vmem>> -> memref<1x120x128xf32, #tpu.memory_space<vmem>>
        %dma_wait3A_201 = tpu.memref_squeeze %dma_wait3A_200 : memref<1x120x128xf32, #tpu.memory_space<vmem>> -> memref<120x128xf32, #tpu.memory_space<vmem>>
        %dma_wait3A_202 = arith.constant 0 : i32
        %dma_wait3A_203 = tpu.memref_slice %arg8[%rem3A_98, %add3A_196, %dma_wait3A_202] : memref<2x4x120xi32, #tpu.memory_space<vmem>> -> memref<1x1x120xi32, #tpu.memory_space<vmem>>
        %dma_wait3A_204 = tpu.memref_squeeze %dma_wait3A_203 : memref<1x1x120xi32, #tpu.memory_space<vmem>> -> memref<120xi32, #tpu.memory_space<vmem>>
        %dma_wait3A_205 = arith.constant 0 : i32
        %dma_wait3A_206 = arith.constant 0 : i32
        %dma_wait3A_207 = tpu.memref_slice %arg10[%dma_wait3A_205, %dma_wait3A_206] : memref<10112x128xf32, #tpu.memory_space<vmem_shared>> -> memref<10112x128xf32, #tpu.memory_space<vmem_shared>>
        tpu.wait_indirect_dma semaphore(%arg12 : memref<!tpu.dma_semaphore, #tpu.memory_space<semaphore_mem>>) src(%dma_wait3A_201 : memref<120x128xf32, #tpu.memory_space<vmem>>) dst(%dma_wait3A_207 : memref<10112x128xf32, #tpu.memory_space<vmem_shared>>)
      } else {
      }
    }
    %scan3A_74 = arith.constant 42 : i32
    %barrier3A_75 = arith.constant 0 : index
    tpu.barrier barrier_id(%barrier3A_75)
    %mul3A_76 = arith.constant 632 : i32
    %mul3A_77 = arith.muli %arg1, %mul3A_76 : i32
    %mul3A_78 = arith.constant 632 : i32
    %mul3A_79 = arith.muli %arg1, %mul3A_78 : i32
    "tpu.region"() ({
      %run_scoped3A_80 = tpu.sem_alloc : memref<!tpu.dma_semaphore, #tpu.memory_space<semaphore_mem>>
      %dma_start3A_81 = arith.constant 0 : i32
      %dma_start3A_82 = tpu.memref_slice %arg6[%arg0, %mul3A_79, %dma_start3A_81] : memref<2x10112x128xf32, #tpu.memory_space<hbm>> -> memref<1x632x128xf32, #tpu.memory_space<hbm>>
      %dma_start3A_83 = tpu.memref_squeeze %dma_start3A_82 : memref<1x632x128xf32, #tpu.memory_space<hbm>> -> memref<632x128xf32, #tpu.memory_space<hbm>>
      %dma_start3A_84 = arith.constant 0 : i32
      %dma_start3A_85 = tpu.memref_slice %arg10[%mul3A_77, %dma_start3A_84] : memref<10112x128xf32, #tpu.memory_space<vmem_shared>> -> memref<632x128xf32, #tpu.memory_space<vmem_shared>>
      tpu.enqueue_dma source(%dma_start3A_85 : memref<632x128xf32, #tpu.memory_space<vmem_shared>>) target(%dma_start3A_83 : memref<632x128xf32, #tpu.memory_space<hbm>>) target_semaphore(%run_scoped3A_80 : memref<!tpu.dma_semaphore, #tpu.memory_space<semaphore_mem>>)
      %dma_wait3A_86 = arith.constant 0 : i32
      %dma_wait3A_87 = tpu.memref_slice %arg6[%arg0, %mul3A_79, %dma_wait3A_86] : memref<2x10112x128xf32, #tpu.memory_space<hbm>> -> memref<1x632x128xf32, #tpu.memory_space<hbm>>
      %dma_wait3A_88 = tpu.memref_squeeze %dma_wait3A_87 : memref<1x632x128xf32, #tpu.memory_space<hbm>> -> memref<632x128xf32, #tpu.memory_space<hbm>>
      %dma_wait3A_89 = arith.constant 0 : i32
      %dma_wait3A_90 = tpu.memref_slice %arg10[%mul3A_77, %dma_wait3A_89] : memref<10112x128xf32, #tpu.memory_space<vmem_shared>> -> memref<632x128xf32, #tpu.memory_space<vmem_shared>>
      tpu.wait_dma2 semaphore(%run_scoped3A_80 : memref<!tpu.dma_semaphore, #tpu.memory_space<semaphore_mem>>) src(%dma_wait3A_90 : memref<632x128xf32, #tpu.memory_space<vmem_shared>>) dst(%dma_wait3A_88 : memref<632x128xf32, #tpu.memory_space<hbm>>)
      tpu.yield
    }) : () -> ()
    return
  }
}

#map = affine_map<(d0, d1) -> (0, 0)>
#map1 = affine_map<(d0, d1) -> (0, 0, 0, 0)>
#map2 = affine_map<(d0, d1) -> (0, 0, 0)>
module attributes {stable_mosaic.version = 14 : i64} {
  func.func @seg_sum(%arg0: i32, %arg1: i32, %arg2: memref<10000x128xf32, #tpu.memory_space<hbm>>, %arg3: memref<32x21x4x120xi32, #tpu.memory_space<hbm>>, %arg4: memref<32x21x4x120xi32, #tpu.memory_space<hbm>>, %arg5: memref<632x128xf32, #tpu.memory_space<hbm>>, %arg6: memref<2x10112x128xf32, #tpu.memory_space<hbm>>, %arg7: memref<2x4x120xi32, #tpu.memory_space<vmem>>, %arg8: memref<2x4x120xi32, #tpu.memory_space<vmem>>, %arg9: memref<2x120x128xf32, #tpu.memory_space<vmem>>, %arg10: memref<10112x128xf32, #tpu.memory_space<vmem_shared>>, %arg11: memref<!tpu.dma_semaphore, #tpu.memory_space<semaphore_mem>>, %arg12: memref<!tpu.dma_semaphore, #tpu.memory_space<semaphore_mem>>, %arg13: memref<!tpu.dma_semaphore, #tpu.memory_space<semaphore_mem>>) attributes {dimension_semantics = [#tpu.dimension_semantics<core_parallel>, #tpu.dimension_semantics<subcore_parallel>], iteration_bounds = array<i64: 2, 16>, scalar_prefetch = 0 : i64, scratch_operands = 7 : i64, tpu.core_type = #tpu.core_type<sc_vector_subcore>, window_params = [{transform_indices = #map}, {transform_indices = #map1}, {transform_indices = #map1}, {transform_indices = #map}, {transform_indices = #map2}]} {
    %mul3A = arith.constant 2 : i32
    %mul3A_0 = arith.muli %arg1, %mul3A : i32
    %add3A = arith.addi %mul3A_0, %arg0 : i32
    %mul3A_1 = arith.constant 632 : i32
    %mul3A_2 = arith.muli %arg1, %mul3A_1 : i32
    %dma_start3A = arith.constant 0 : i32
    %dma_start3A_3 = tpu.memref_slice %arg10[%mul3A_2, %dma_start3A] : memref<10112x128xf32, #tpu.memory_space<vmem_shared>> -> memref<632x128xf32, #tpu.memory_space<vmem_shared>>
    tpu.enqueue_dma source(%arg5 : memref<632x128xf32, #tpu.memory_space<hbm>>) target(%dma_start3A_3 : memref<632x128xf32, #tpu.memory_space<vmem_shared>>) target_semaphore(%arg12 : memref<!tpu.dma_semaphore, #tpu.memory_space<semaphore_mem>>)
    %run_scoped3A = arith.constant 0 : i32
    %run_scoped3A_4 = arith.constant 0 : i32
    "tpu.region"() ({
      %run_scoped3A_80 = tpu.sem_alloc : memref<!tpu.dma_semaphore, #tpu.memory_space<semaphore_mem>>
      %dma_start3A_81 = arith.constant 0 : i32
      %dma_start3A_82 = arith.constant 0 : i32
      %dma_start3A_83 = tpu.memref_slice %arg7[%run_scoped3A_4, %dma_start3A_81, %dma_start3A_82] : memref<2x4x120xi32, #tpu.memory_space<vmem>> -> memref<1x4x120xi32, #tpu.memory_space<vmem>>
      %dma_start3A_84 = tpu.memref_squeeze %dma_start3A_83 : memref<1x4x120xi32, #tpu.memory_space<vmem>> -> memref<4x120xi32, #tpu.memory_space<vmem>>
      %dma_start3A_85 = arith.constant 0 : i32
      %dma_start3A_86 = arith.constant 0 : i32
      %dma_start3A_87 = tpu.memref_slice %arg3[%add3A, %run_scoped3A, %dma_start3A_85, %dma_start3A_86] : memref<32x21x4x120xi32, #tpu.memory_space<hbm>> -> memref<1x1x4x120xi32, #tpu.memory_space<hbm>>
      %dma_start3A_88 = tpu.memref_squeeze %dma_start3A_87 : memref<1x1x4x120xi32, #tpu.memory_space<hbm>> -> memref<4x120xi32, #tpu.memory_space<hbm>>
      %dma_start3A_89 = arith.constant 0 : i32
      %dma_start3A_90 = arith.constant 0 : i32
      %dma_start3A_91 = tpu.memref_slice %arg7[%run_scoped3A_4, %dma_start3A_89, %dma_start3A_90] : memref<2x4x120xi32, #tpu.memory_space<vmem>> -> memref<1x4x120xi32, #tpu.memory_space<vmem>>
      %dma_start3A_92 = tpu.memref_squeeze %dma_start3A_91 : memref<1x4x120xi32, #tpu.memory_space<vmem>> -> memref<4x120xi32, #tpu.memory_space<vmem>>
      %dma_start3A_93 = arith.constant 0 : i32
      %dma_start3A_94 = arith.constant 0 : i32
      %dma_start3A_95 = tpu.memref_slice %arg3[%add3A, %run_scoped3A, %dma_start3A_93, %dma_start3A_94] : memref<32x21x4x120xi32, #tpu.memory_space<hbm>> -> memref<1x1x4x120xi32, #tpu.memory_space<hbm>>
      %dma_start3A_96 = tpu.memref_squeeze %dma_start3A_95 : memref<1x1x4x120xi32, #tpu.memory_space<hbm>> -> memref<4x120xi32, #tpu.memory_space<hbm>>
      tpu.enqueue_dma source(%dma_start3A_96 : memref<4x120xi32, #tpu.memory_space<hbm>>) target(%dma_start3A_92 : memref<4x120xi32, #tpu.memory_space<vmem>>) target_semaphore(%run_scoped3A_80 : memref<!tpu.dma_semaphore, #tpu.memory_space<semaphore_mem>>)
      %dma_wait3A_97 = arith.constant 0 : i32
      %dma_wait3A_98 = arith.constant 0 : i32
      %dma_wait3A_99 = tpu.memref_slice %arg7[%run_scoped3A_4, %dma_wait3A_97, %dma_wait3A_98] : memref<2x4x120xi32, #tpu.memory_space<vmem>> -> memref<1x4x120xi32, #tpu.memory_space<vmem>>
      %dma_wait3A_100 = tpu.memref_squeeze %dma_wait3A_99 : memref<1x4x120xi32, #tpu.memory_space<vmem>> -> memref<4x120xi32, #tpu.memory_space<vmem>>
      %dma_wait3A_101 = arith.constant 0 : i32
      %dma_wait3A_102 = arith.constant 0 : i32
      %dma_wait3A_103 = tpu.memref_slice %arg3[%add3A, %run_scoped3A, %dma_wait3A_101, %dma_wait3A_102] : memref<32x21x4x120xi32, #tpu.memory_space<hbm>> -> memref<1x1x4x120xi32, #tpu.memory_space<hbm>>
      %dma_wait3A_104 = tpu.memref_squeeze %dma_wait3A_103 : memref<1x1x4x120xi32, #tpu.memory_space<hbm>> -> memref<4x120xi32, #tpu.memory_space<hbm>>
      %dma_wait3A_105 = arith.constant 0 : i32
      %dma_wait3A_106 = arith.constant 0 : i32
      %dma_wait3A_107 = tpu.memref_slice %arg7[%run_scoped3A_4, %dma_wait3A_105, %dma_wait3A_106] : memref<2x4x120xi32, #tpu.memory_space<vmem>> -> memref<1x4x120xi32, #tpu.memory_space<vmem>>
      %dma_wait3A_108 = tpu.memref_squeeze %dma_wait3A_107 : memref<1x4x120xi32, #tpu.memory_space<vmem>> -> memref<4x120xi32, #tpu.memory_space<vmem>>
      %dma_wait3A_109 = arith.constant 0 : i32
      %dma_wait3A_110 = arith.constant 0 : i32
      %dma_wait3A_111 = tpu.memref_slice %arg3[%add3A, %run_scoped3A, %dma_wait3A_109, %dma_wait3A_110] : memref<32x21x4x120xi32, #tpu.memory_space<hbm>> -> memref<1x1x4x120xi32, #tpu.memory_space<hbm>>
      %dma_wait3A_112 = tpu.memref_squeeze %dma_wait3A_111 : memref<1x1x4x120xi32, #tpu.memory_space<hbm>> -> memref<4x120xi32, #tpu.memory_space<hbm>>
      tpu.wait_dma2 semaphore(%run_scoped3A_80 : memref<!tpu.dma_semaphore, #tpu.memory_space<semaphore_mem>>) src(%dma_wait3A_112 : memref<4x120xi32, #tpu.memory_space<hbm>>) dst(%dma_wait3A_108 : memref<4x120xi32, #tpu.memory_space<vmem>>)
      tpu.yield
    }) : () -> ()
    %run_scoped3A_5 = arith.constant 0 : i32
    %run_scoped3A_6 = arith.constant 0 : i32
    "tpu.region"() ({
      %run_scoped3A_80 = tpu.sem_alloc : memref<!tpu.dma_semaphore, #tpu.memory_space<semaphore_mem>>
      %dma_start3A_81 = arith.constant 0 : i32
      %dma_start3A_82 = arith.constant 0 : i32
      %dma_start3A_83 = tpu.memref_slice %arg8[%run_scoped3A_6, %dma_start3A_81, %dma_start3A_82] : memref<2x4x120xi32, #tpu.memory_space<vmem>> -> memref<1x4x120xi32, #tpu.memory_space<vmem>>
      %dma_start3A_84 = tpu.memref_squeeze %dma_start3A_83 : memref<1x4x120xi32, #tpu.memory_space<vmem>> -> memref<4x120xi32, #tpu.memory_space<vmem>>
      %dma_start3A_85 = arith.constant 0 : i32
      %dma_start3A_86 = arith.constant 0 : i32
      %dma_start3A_87 = tpu.memref_slice %arg4[%add3A, %run_scoped3A_5, %dma_start3A_85, %dma_start3A_86] : memref<32x21x4x120xi32, #tpu.memory_space<hbm>> -> memref<1x1x4x120xi32, #tpu.memory_space<hbm>>
      %dma_start3A_88 = tpu.memref_squeeze %dma_start3A_87 : memref<1x1x4x120xi32, #tpu.memory_space<hbm>> -> memref<4x120xi32, #tpu.memory_space<hbm>>
      %dma_start3A_89 = arith.constant 0 : i32
      %dma_start3A_90 = arith.constant 0 : i32
      %dma_start3A_91 = tpu.memref_slice %arg8[%run_scoped3A_6, %dma_start3A_89, %dma_start3A_90] : memref<2x4x120xi32, #tpu.memory_space<vmem>> -> memref<1x4x120xi32, #tpu.memory_space<vmem>>
      %dma_start3A_92 = tpu.memref_squeeze %dma_start3A_91 : memref<1x4x120xi32, #tpu.memory_space<vmem>> -> memref<4x120xi32, #tpu.memory_space<vmem>>
      %dma_start3A_93 = arith.constant 0 : i32
      %dma_start3A_94 = arith.constant 0 : i32
      %dma_start3A_95 = tpu.memref_slice %arg4[%add3A, %run_scoped3A_5, %dma_start3A_93, %dma_start3A_94] : memref<32x21x4x120xi32, #tpu.memory_space<hbm>> -> memref<1x1x4x120xi32, #tpu.memory_space<hbm>>
      %dma_start3A_96 = tpu.memref_squeeze %dma_start3A_95 : memref<1x1x4x120xi32, #tpu.memory_space<hbm>> -> memref<4x120xi32, #tpu.memory_space<hbm>>
      tpu.enqueue_dma source(%dma_start3A_96 : memref<4x120xi32, #tpu.memory_space<hbm>>) target(%dma_start3A_92 : memref<4x120xi32, #tpu.memory_space<vmem>>) target_semaphore(%run_scoped3A_80 : memref<!tpu.dma_semaphore, #tpu.memory_space<semaphore_mem>>)
      %dma_wait3A_97 = arith.constant 0 : i32
      %dma_wait3A_98 = arith.constant 0 : i32
      %dma_wait3A_99 = tpu.memref_slice %arg8[%run_scoped3A_6, %dma_wait3A_97, %dma_wait3A_98] : memref<2x4x120xi32, #tpu.memory_space<vmem>> -> memref<1x4x120xi32, #tpu.memory_space<vmem>>
      %dma_wait3A_100 = tpu.memref_squeeze %dma_wait3A_99 : memref<1x4x120xi32, #tpu.memory_space<vmem>> -> memref<4x120xi32, #tpu.memory_space<vmem>>
      %dma_wait3A_101 = arith.constant 0 : i32
      %dma_wait3A_102 = arith.constant 0 : i32
      %dma_wait3A_103 = tpu.memref_slice %arg4[%add3A, %run_scoped3A_5, %dma_wait3A_101, %dma_wait3A_102] : memref<32x21x4x120xi32, #tpu.memory_space<hbm>> -> memref<1x1x4x120xi32, #tpu.memory_space<hbm>>
      %dma_wait3A_104 = tpu.memref_squeeze %dma_wait3A_103 : memref<1x1x4x120xi32, #tpu.memory_space<hbm>> -> memref<4x120xi32, #tpu.memory_space<hbm>>
      %dma_wait3A_105 = arith.constant 0 : i32
      %dma_wait3A_106 = arith.constant 0 : i32
      %dma_wait3A_107 = tpu.memref_slice %arg8[%run_scoped3A_6, %dma_wait3A_105, %dma_wait3A_106] : memref<2x4x120xi32, #tpu.memory_space<vmem>> -> memref<1x4x120xi32, #tpu.memory_space<vmem>>
      %dma_wait3A_108 = tpu.memref_squeeze %dma_wait3A_107 : memref<1x4x120xi32, #tpu.memory_space<vmem>> -> memref<4x120xi32, #tpu.memory_space<vmem>>
      %dma_wait3A_109 = arith.constant 0 : i32
      %dma_wait3A_110 = arith.constant 0 : i32
      %dma_wait3A_111 = tpu.memref_slice %arg4[%add3A, %run_scoped3A_5, %dma_wait3A_109, %dma_wait3A_110] : memref<32x21x4x120xi32, #tpu.memory_space<hbm>> -> memref<1x1x4x120xi32, #tpu.memory_space<hbm>>
      %dma_wait3A_112 = tpu.memref_squeeze %dma_wait3A_111 : memref<1x1x4x120xi32, #tpu.memory_space<hbm>> -> memref<4x120xi32, #tpu.memory_space<hbm>>
      tpu.wait_dma2 semaphore(%run_scoped3A_80 : memref<!tpu.dma_semaphore, #tpu.memory_space<semaphore_mem>>) src(%dma_wait3A_112 : memref<4x120xi32, #tpu.memory_space<hbm>>) dst(%dma_wait3A_108 : memref<4x120xi32, #tpu.memory_space<vmem>>)
      tpu.yield
    }) : () -> ()
    %dma_start3A_7 = arith.constant 1 : i32
    %dma_start3A_8 = arith.constant 1 : i32
    %dma_start3A_9 = arith.constant 0 : i32
    %dma_start3A_10 = arith.constant 0 : i32
    %dma_start3A_11 = tpu.memref_slice %arg7[%dma_start3A_8, %dma_start3A_9, %dma_start3A_10] : memref<2x4x120xi32, #tpu.memory_space<vmem>> -> memref<1x4x120xi32, #tpu.memory_space<vmem>>
    %dma_start3A_12 = tpu.memref_squeeze %dma_start3A_11 : memref<1x4x120xi32, #tpu.memory_space<vmem>> -> memref<4x120xi32, #tpu.memory_space<vmem>>
    %dma_start3A_13 = arith.constant 0 : i32
    %dma_start3A_14 = arith.constant 0 : i32
    %dma_start3A_15 = tpu.memref_slice %arg3[%add3A, %dma_start3A_7, %dma_start3A_13, %dma_start3A_14] : memref<32x21x4x120xi32, #tpu.memory_space<hbm>> -> memref<1x1x4x120xi32, #tpu.memory_space<hbm>>
    %dma_start3A_16 = tpu.memref_squeeze %dma_start3A_15 : memref<1x1x4x120xi32, #tpu.memory_space<hbm>> -> memref<4x120xi32, #tpu.memory_space<hbm>>
    %dma_start3A_17 = arith.constant 0 : i32
    %dma_start3A_18 = arith.constant 0 : i32
    %dma_start3A_19 = tpu.memref_slice %arg7[%dma_start3A_8, %dma_start3A_17, %dma_start3A_18] : memref<2x4x120xi32, #tpu.memory_space<vmem>> -> memref<1x4x120xi32, #tpu.memory_space<vmem>>
    %dma_start3A_20 = tpu.memref_squeeze %dma_start3A_19 : memref<1x4x120xi32, #tpu.memory_space<vmem>> -> memref<4x120xi32, #tpu.memory_space<vmem>>
    %dma_start3A_21 = arith.constant 0 : i32
    %dma_start3A_22 = arith.constant 0 : i32
    %dma_start3A_23 = tpu.memref_slice %arg3[%add3A, %dma_start3A_7, %dma_start3A_21, %dma_start3A_22] : memref<32x21x4x120xi32, #tpu.memory_space<hbm>> -> memref<1x1x4x120xi32, #tpu.memory_space<hbm>>
    %dma_start3A_24 = tpu.memref_squeeze %dma_start3A_23 : memref<1x1x4x120xi32, #tpu.memory_space<hbm>> -> memref<4x120xi32, #tpu.memory_space<hbm>>
    tpu.enqueue_dma source(%dma_start3A_24 : memref<4x120xi32, #tpu.memory_space<hbm>>) target(%dma_start3A_20 : memref<4x120xi32, #tpu.memory_space<vmem>>) target_semaphore(%arg13 : memref<!tpu.dma_semaphore, #tpu.memory_space<semaphore_mem>>)
    %dma_start3A_25 = arith.constant 1 : i32
    %dma_start3A_26 = arith.constant 1 : i32
    %dma_start3A_27 = arith.constant 0 : i32
    %dma_start3A_28 = arith.constant 0 : i32
    %dma_start3A_29 = tpu.memref_slice %arg8[%dma_start3A_26, %dma_start3A_27, %dma_start3A_28] : memref<2x4x120xi32, #tpu.memory_space<vmem>> -> memref<1x4x120xi32, #tpu.memory_space<vmem>>
    %dma_start3A_30 = tpu.memref_squeeze %dma_start3A_29 : memref<1x4x120xi32, #tpu.memory_space<vmem>> -> memref<4x120xi32, #tpu.memory_space<vmem>>
    %dma_start3A_31 = arith.constant 0 : i32
    %dma_start3A_32 = arith.constant 0 : i32
    %dma_start3A_33 = tpu.memref_slice %arg4[%add3A, %dma_start3A_25, %dma_start3A_31, %dma_start3A_32] : memref<32x21x4x120xi32, #tpu.memory_space<hbm>> -> memref<1x1x4x120xi32, #tpu.memory_space<hbm>>
    %dma_start3A_34 = tpu.memref_squeeze %dma_start3A_33 : memref<1x1x4x120xi32, #tpu.memory_space<hbm>> -> memref<4x120xi32, #tpu.memory_space<hbm>>
    %dma_start3A_35 = arith.constant 0 : i32
    %dma_start3A_36 = arith.constant 0 : i32
    %dma_start3A_37 = tpu.memref_slice %arg8[%dma_start3A_26, %dma_start3A_35, %dma_start3A_36] : memref<2x4x120xi32, #tpu.memory_space<vmem>> -> memref<1x4x120xi32, #tpu.memory_space<vmem>>
    %dma_start3A_38 = tpu.memref_squeeze %dma_start3A_37 : memref<1x4x120xi32, #tpu.memory_space<vmem>> -> memref<4x120xi32, #tpu.memory_space<vmem>>
    %dma_start3A_39 = arith.constant 0 : i32
    %dma_start3A_40 = arith.constant 0 : i32
    %dma_start3A_41 = tpu.memref_slice %arg4[%add3A, %dma_start3A_25, %dma_start3A_39, %dma_start3A_40] : memref<32x21x4x120xi32, #tpu.memory_space<hbm>> -> memref<1x1x4x120xi32, #tpu.memory_space<hbm>>
    %dma_start3A_42 = tpu.memref_squeeze %dma_start3A_41 : memref<1x1x4x120xi32, #tpu.memory_space<hbm>> -> memref<4x120xi32, #tpu.memory_space<hbm>>
    tpu.enqueue_dma source(%dma_start3A_42 : memref<4x120xi32, #tpu.memory_space<hbm>>) target(%dma_start3A_38 : memref<4x120xi32, #tpu.memory_space<vmem>>) target_semaphore(%arg13 : memref<!tpu.dma_semaphore, #tpu.memory_space<semaphore_mem>>)
    %dma_start3A_43 = arith.constant 0 : i32
    %dma_start3A_44 = arith.constant 0 : i32
    %dma_start3A_45 = arith.constant 0 : i32
    %dma_start3A_46 = arith.constant 0 : i32
    %dma_start3A_47 = arith.constant 0 : i32
    %dma_start3A_48 = tpu.memref_slice %arg9[%dma_start3A_45, %dma_start3A_46, %dma_start3A_47] : memref<2x120x128xf32, #tpu.memory_space<vmem>> -> memref<1x120x128xf32, #tpu.memory_space<vmem>>
    %dma_start3A_49 = tpu.memref_squeeze %dma_start3A_48 : memref<1x120x128xf32, #tpu.memory_space<vmem>> -> memref<120x128xf32, #tpu.memory_space<vmem>>
    %dma_start3A_50 = arith.constant 0 : i32
    %dma_start3A_51 = tpu.memref_slice %arg7[%dma_start3A_43, %dma_start3A_44, %dma_start3A_50] : memref<2x4x120xi32, #tpu.memory_space<vmem>> -> memref<1x1x120xi32, #tpu.memory_space<vmem>>
    %dma_start3A_52 = tpu.memref_squeeze %dma_start3A_51 : memref<1x1x120xi32, #tpu.memory_space<vmem>> -> memref<120xi32, #tpu.memory_space<vmem>>
    %dma_start3A_53 = arith.constant 0 : i32
    %dma_start3A_54 = arith.constant 0 : i32
    %dma_start3A_55 = tpu.memref_slice %arg2[%dma_start3A_53, %dma_start3A_54] : memref<10000x128xf32, #tpu.memory_space<hbm>> -> memref<10000x128xf32, #tpu.memory_space<hbm>>
    tpu.enqueue_indirect_dma source(%dma_start3A_55 : memref<10000x128xf32, #tpu.memory_space<hbm>>) target(%dma_start3A_49 : memref<120x128xf32, #tpu.memory_space<vmem>>) offsets(%dma_start3A_52 : memref<120xi32, #tpu.memory_space<vmem>>) semaphore(%arg11 : memref<!tpu.dma_semaphore, #tpu.memory_space<semaphore_mem>>)
    %dma_start3A_56 = arith.constant 0 : i32
    %dma_start3A_57 = arith.constant 1 : i32
    %dma_start3A_58 = arith.constant 1 : i32
    %dma_start3A_59 = arith.constant 0 : i32
    %dma_start3A_60 = arith.constant 0 : i32
    %dma_start3A_61 = tpu.memref_slice %arg9[%dma_start3A_58, %dma_start3A_59, %dma_start3A_60] : memref<2x120x128xf32, #tpu.memory_space<vmem>> -> memref<1x120x128xf32, #tpu.memory_space<vmem>>
    %dma_start3A_62 = tpu.memref_squeeze %dma_start3A_61 : memref<1x120x128xf32, #tpu.memory_space<vmem>> -> memref<120x128xf32, #tpu.memory_space<vmem>>
    %dma_start3A_63 = arith.constant 0 : i32
    %dma_start3A_64 = tpu.memref_slice %arg7[%dma_start3A_56, %dma_start3A_57, %dma_start3A_63] : memref<2x4x120xi32, #tpu.memory_space<vmem>> -> memref<1x1x120xi32, #tpu.memory_space<vmem>>
    %dma_start3A_65 = tpu.memref_squeeze %dma_start3A_64 : memref<1x1x120xi32, #tpu.memory_space<vmem>> -> memref<120xi32, #tpu.memory_space<vmem>>
    %dma_start3A_66 = arith.constant 0 : i32
    %dma_start3A_67 = arith.constant 0 : i32
    %dma_start3A_68 = tpu.memref_slice %arg2[%dma_start3A_66, %dma_start3A_67] : memref<10000x128xf32, #tpu.memory_space<hbm>> -> memref<10000x128xf32, #tpu.memory_space<hbm>>
    tpu.enqueue_indirect_dma source(%dma_start3A_68 : memref<10000x128xf32, #tpu.memory_space<hbm>>) target(%dma_start3A_62 : memref<120x128xf32, #tpu.memory_space<vmem>>) offsets(%dma_start3A_65 : memref<120xi32, #tpu.memory_space<vmem>>) semaphore(%arg11 : memref<!tpu.dma_semaphore, #tpu.memory_space<semaphore_mem>>)
    %dma_wait3A = arith.constant 0 : i32
    %dma_wait3A_69 = tpu.memref_slice %arg10[%mul3A_2, %dma_wait3A] : memref<10112x128xf32, #tpu.memory_space<vmem_shared>> -> memref<632x128xf32, #tpu.memory_space<vmem_shared>>
    tpu.wait_dma2 semaphore(%arg12 : memref<!tpu.dma_semaphore, #tpu.memory_space<semaphore_mem>>) src(%arg5 : memref<632x128xf32, #tpu.memory_space<hbm>>) dst(%dma_wait3A_69 : memref<632x128xf32, #tpu.memory_space<vmem_shared>>)
    %barrier3A = arith.constant 0 : index
    tpu.barrier barrier_id(%barrier3A)
    %scan3A = arith.constant 0 : i32
    %scan3A_70 = arith.constant 0 : i32
    %scan3A_71 = arith.constant 42 : i32
    %scan3A_72 = arith.addi %scan3A_70, %scan3A_71 : i32
    %scan3A_73 = arith.constant 1 : i32
    scf.for %scan3A_80 = %scan3A_70 to %scan3A_72 step %scan3A_73  : i32 {
      %jit3A = arith.constant 2 : i32
      %div3A = arith.divsi %scan3A_80, %jit3A : i32
      %sign3A = arith.constant 0 : i32
      %sign3A_81 = arith.cmpi sgt, %scan3A_80, %sign3A : i32
      %sign3A_82 = arith.extui %sign3A_81 : i1 to i32
      %sign3A_83 = arith.constant 0 : i32
      %sign3A_84 = arith.cmpi slt, %scan3A_80, %sign3A_83 : i32
      %sign3A_85 = arith.extui %sign3A_84 : i1 to i32
      %sign3A_86 = arith.subi %sign3A_82, %sign3A_85 : i32
      %sign3A_87 = arith.constant 0 : i32
      %sign3A_88 = arith.cmpi sgt, %jit3A, %sign3A_87 : i32
      %sign3A_89 = arith.extui %sign3A_88 : i1 to i32
      %sign3A_90 = arith.constant 0 : i32
      %sign3A_91 = arith.cmpi slt, %jit3A, %sign3A_90 : i32
      %sign3A_92 = arith.extui %sign3A_91 : i1 to i32
      %sign3A_93 = arith.subi %sign3A_89, %sign3A_92 : i32
      %ne3A = arith.cmpi ne, %sign3A_86, %sign3A_93 : i32
      %rem3A = arith.remsi %scan3A_80, %jit3A : i32
      %ne3A_94 = arith.constant 0 : i32
      %ne3A_95 = arith.cmpi ne, %rem3A, %ne3A_94 : i32
      %and3A = arith.andi %ne3A, %ne3A_95 : i1
      %sub3A = arith.constant 1 : i32
      %sub3A_96 = arith.subi %div3A, %sub3A : i32
      %select_n3A = arith.select %and3A, %sub3A_96, %div3A : i32
      %rem3A_97 = arith.constant 2 : i32
      %rem3A_98 = arith.remsi %select_n3A, %rem3A_97 : i32
      %rem3A_99 = arith.constant 2 : i32
      %rem3A_100 = arith.remsi %scan3A_80, %rem3A_99 : i32
      %mul3A_101 = arith.constant 2 : i32
      %mul3A_102 = arith.muli %rem3A_100, %mul3A_101 : i32
      %add3A_103 = arith.constant 0 : i32
      %add3A_104 = arith.addi %mul3A_102, %add3A_103 : i32
      %dma_wait3A_105 = arith.constant 0 : i32
      %dma_wait3A_106 = arith.constant 0 : i32
      %dma_wait3A_107 = arith.constant 0 : i32
      %dma_wait3A_108 = tpu.memref_slice %arg9[%dma_wait3A_105, %dma_wait3A_106, %dma_wait3A_107] : memref<2x120x128xf32, #tpu.memory_space<vmem>> -> memref<1x120x128xf32, #tpu.memory_space<vmem>>
      %dma_wait3A_109 = tpu.memref_squeeze %dma_wait3A_108 : memref<1x120x128xf32, #tpu.memory_space<vmem>> -> memref<120x128xf32, #tpu.memory_space<vmem>>
      %dma_wait3A_110 = arith.constant 0 : i32
      %dma_wait3A_111 = tpu.memref_slice %arg7[%rem3A_98, %add3A_104, %dma_wait3A_110] : memref<2x4x120xi32, #tpu.memory_space<vmem>> -> memref<1x1x120xi32, #tpu.memory_space<vmem>>
      %dma_wait3A_112 = tpu.memref_squeeze %dma_wait3A_111 : memref<1x1x120xi32, #tpu.memory_space<vmem>> -> memref<120xi32, #tpu.memory_space<vmem>>
      %dma_wait3A_113 = arith.constant 0 : i32
      %dma_wait3A_114 = arith.constant 0 : i32
      %dma_wait3A_115 = tpu.memref_slice %arg2[%dma_wait3A_113, %dma_wait3A_114] : memref<10000x128xf32, #tpu.memory_space<hbm>> -> memref<10000x128xf32, #tpu.memory_space<hbm>>
      tpu.wait_indirect_dma semaphore(%arg11 : memref<!tpu.dma_semaphore, #tpu.memory_space<semaphore_mem>>) src(%dma_wait3A_115 : memref<10000x128xf32, #tpu.memory_space<hbm>>) dst(%dma_wait3A_109 : memref<120x128xf32, #tpu.memory_space<vmem>>)
      %add3A_116 = arith.constant 0 : i32
      %add3A_117 = arith.addi %mul3A_102, %add3A_116 : i32
      %dma_start3A_118 = arith.constant 0 : i32
      %dma_start3A_119 = arith.constant 0 : i32
      %dma_start3A_120 = arith.constant 0 : i32
      %dma_start3A_121 = tpu.memref_slice %arg9[%dma_start3A_118, %dma_start3A_119, %dma_start3A_120] : memref<2x120x128xf32, #tpu.memory_space<vmem>> -> memref<1x120x128xf32, #tpu.memory_space<vmem>>
      %dma_start3A_122 = tpu.memref_squeeze %dma_start3A_121 : memref<1x120x128xf32, #tpu.memory_space<vmem>> -> memref<120x128xf32, #tpu.memory_space<vmem>>
      %dma_start3A_123 = arith.constant 0 : i32
      %dma_start3A_124 = tpu.memref_slice %arg8[%rem3A_98, %add3A_117, %dma_start3A_123] : memref<2x4x120xi32, #tpu.memory_space<vmem>> -> memref<1x1x120xi32, #tpu.memory_space<vmem>>
      %dma_start3A_125 = tpu.memref_squeeze %dma_start3A_124 : memref<1x1x120xi32, #tpu.memory_space<vmem>> -> memref<120xi32, #tpu.memory_space<vmem>>
      %dma_start3A_126 = arith.constant 0 : i32
      %dma_start3A_127 = arith.constant 0 : i32
      %dma_start3A_128 = tpu.memref_slice %arg10[%dma_start3A_126, %dma_start3A_127] : memref<10112x128xf32, #tpu.memory_space<vmem_shared>> -> memref<10112x128xf32, #tpu.memory_space<vmem_shared>>
      tpu.enqueue_indirect_dma source(%dma_start3A_122 : memref<120x128xf32, #tpu.memory_space<vmem>>) target(%dma_start3A_128 : memref<10112x128xf32, #tpu.memory_space<vmem_shared>>) offsets(%dma_start3A_125 : memref<120xi32, #tpu.memory_space<vmem>>) semaphore(%arg12 : memref<!tpu.dma_semaphore, #tpu.memory_space<semaphore_mem>>) {add = true}
      %add3A_129 = arith.constant 1 : i32
      %add3A_130 = arith.addi %mul3A_102, %add3A_129 : i32
      %dma_wait3A_131 = arith.constant 1 : i32
      %dma_wait3A_132 = arith.constant 0 : i32
      %dma_wait3A_133 = arith.constant 0 : i32
      %dma_wait3A_134 = tpu.memref_slice %arg9[%dma_wait3A_131, %dma_wait3A_132, %dma_wait3A_133] : memref<2x120x128xf32, #tpu.memory_space<vmem>> -> memref<1x120x128xf32, #tpu.memory_space<vmem>>
      %dma_wait3A_135 = tpu.memref_squeeze %dma_wait3A_134 : memref<1x120x128xf32, #tpu.memory_space<vmem>> -> memref<120x128xf32, #tpu.memory_space<vmem>>
      %dma_wait3A_136 = arith.constant 0 : i32
      %dma_wait3A_137 = tpu.memref_slice %arg7[%rem3A_98, %add3A_130, %dma_wait3A_136] : memref<2x4x120xi32, #tpu.memory_space<vmem>> -> memref<1x1x120xi32, #tpu.memory_space<vmem>>
      %dma_wait3A_138 = tpu.memref_squeeze %dma_wait3A_137 : memref<1x1x120xi32, #tpu.memory_space<vmem>> -> memref<120xi32, #tpu.memory_space<vmem>>
      %dma_wait3A_139 = arith.constant 0 : i32
      %dma_wait3A_140 = arith.constant 0 : i32
      %dma_wait3A_141 = tpu.memref_slice %arg2[%dma_wait3A_139, %dma_wait3A_140] : memref<10000x128xf32, #tpu.memory_space<hbm>> -> memref<10000x128xf32, #tpu.memory_space<hbm>>
      tpu.wait_indirect_dma semaphore(%arg11 : memref<!tpu.dma_semaphore, #tpu.memory_space<semaphore_mem>>) src(%dma_wait3A_141 : memref<10000x128xf32, #tpu.memory_space<hbm>>) dst(%dma_wait3A_135 : memref<120x128xf32, #tpu.memory_space<vmem>>)
      %add3A_142 = arith.constant 1 : i32
      %add3A_143 = arith.addi %mul3A_102, %add3A_142 : i32
      %dma_start3A_144 = arith.constant 1 : i32
      %dma_start3A_145 = arith.constant 0 : i32
      %dma_start3A_146 = arith.constant 0 : i32
      %dma_start3A_147 = tpu.memref_slice %arg9[%dma_start3A_144, %dma_start3A_145, %dma_start3A_146] : memref<2x120x128xf32, #tpu.memory_space<vmem>> -> memref<1x120x128xf32, #tpu.memory_space<vmem>>
      %dma_start3A_148 = tpu.memref_squeeze %dma_start3A_147 : memref<1x120x128xf32, #tpu.memory_space<vmem>> -> memref<120x128xf32, #tpu.memory_space<vmem>>
      %dma_start3A_149 = arith.constant 0 : i32
      %dma_start3A_150 = tpu.memref_slice %arg8[%rem3A_98, %add3A_143, %dma_start3A_149] : memref<2x4x120xi32, #tpu.memory_space<vmem>> -> memref<1x1x120xi32, #tpu.memory_space<vmem>>
      %dma_start3A_151 = tpu.memref_squeeze %dma_start3A_150 : memref<1x1x120xi32, #tpu.memory_space<vmem>> -> memref<120xi32, #tpu.memory_space<vmem>>
      %dma_start3A_152 = arith.constant 0 : i32
      %dma_start3A_153 = arith.constant 0 : i32
      %dma_start3A_154 = tpu.memref_slice %arg10[%dma_start3A_152, %dma_start3A_153] : memref<10112x128xf32, #tpu.memory_space<vmem_shared>> -> memref<10112x128xf32, #tpu.memory_space<vmem_shared>>
      tpu.enqueue_indirect_dma source(%dma_start3A_148 : memref<120x128xf32, #tpu.memory_space<vmem>>) target(%dma_start3A_154 : memref<10112x128xf32, #tpu.memory_space<vmem_shared>>) offsets(%dma_start3A_151 : memref<120xi32, #tpu.memory_space<vmem>>) semaphore(%arg12 : memref<!tpu.dma_semaphore, #tpu.memory_space<semaphore_mem>>) {add = true}
      %add3A_155 = arith.constant 2 : i32
      %add3A_156 = arith.addi %mul3A_102, %add3A_155 : i32
      %lt3A = arith.constant 4 : i32
      %lt3A_157 = arith.cmpi slt, %add3A_156, %lt3A : i32
      %add3A_158 = arith.constant 1 : i32
      %add3A_159 = arith.addi %scan3A_80, %add3A_158 : i32
      %lt3A_160 = arith.constant 42 : i32
      %lt3A_161 = arith.cmpi slt, %add3A_159, %lt3A_160 : i32
      %and3A_162 = arith.andi %lt3A_157, %lt3A_161 : i1
      %convert_element_type3A = arith.extui %and3A_162 : i1 to i32
      %cond3A = arith.constant 0 : i32
      %cond3A_163 = arith.cmpi ne, %convert_element_type3A, %cond3A : i32
      scf.if %cond3A_163 {
        %add3A_182 = arith.constant 0 : i32
        %add3A_183 = arith.addi %mul3A_102, %add3A_182 : i32
        %dma_wait3A_184 = arith.constant 0 : i32
        %dma_wait3A_185 = arith.constant 0 : i32
        %dma_wait3A_186 = arith.constant 0 : i32
        %dma_wait3A_187 = tpu.memref_slice %arg9[%dma_wait3A_184, %dma_wait3A_185, %dma_wait3A_186] : memref<2x120x128xf32, #tpu.memory_space<vmem>> -> memref<1x120x128xf32, #tpu.memory_space<vmem>>
        %dma_wait3A_188 = tpu.memref_squeeze %dma_wait3A_187 : memref<1x120x128xf32, #tpu.memory_space<vmem>> -> memref<120x128xf32, #tpu.memory_space<vmem>>
        %dma_wait3A_189 = arith.constant 0 : i32
        %dma_wait3A_190 = tpu.memref_slice %arg8[%rem3A_98, %add3A_183, %dma_wait3A_189] : memref<2x4x120xi32, #tpu.memory_space<vmem>> -> memref<1x1x120xi32, #tpu.memory_space<vmem>>
        %dma_wait3A_191 = tpu.memref_squeeze %dma_wait3A_190 : memref<1x1x120xi32, #tpu.memory_space<vmem>> -> memref<120xi32, #tpu.memory_space<vmem>>
        %dma_wait3A_192 = arith.constant 0 : i32
        %dma_wait3A_193 = arith.constant 0 : i32
        %dma_wait3A_194 = tpu.memref_slice %arg10[%dma_wait3A_192, %dma_wait3A_193] : memref<10112x128xf32, #tpu.memory_space<vmem_shared>> -> memref<10112x128xf32, #tpu.memory_space<vmem_shared>>
        tpu.wait_indirect_dma semaphore(%arg12 : memref<!tpu.dma_semaphore, #tpu.memory_space<semaphore_mem>>) src(%dma_wait3A_188 : memref<120x128xf32, #tpu.memory_space<vmem>>) dst(%dma_wait3A_194 : memref<10112x128xf32, #tpu.memory_space<vmem_shared>>)
        %add3A_195 = arith.constant 2 : i32
        %add3A_196 = arith.addi %mul3A_102, %add3A_195 : i32
        %add3A_197 = arith.constant 0 : i32
        %add3A_198 = arith.addi %add3A_196, %add3A_197 : i32
        %dma_start3A_199 = arith.constant 0 : i32
        %dma_start3A_200 = arith.constant 0 : i32
        %dma_start3A_201 = arith.constant 0 : i32
        %dma_start3A_202 = tpu.memref_slice %arg9[%dma_start3A_199, %dma_start3A_200, %dma_start3A_201] : memref<2x120x128xf32, #tpu.memory_space<vmem>> -> memref<1x120x128xf32, #tpu.memory_space<vmem>>
        %dma_start3A_203 = tpu.memref_squeeze %dma_start3A_202 : memref<1x120x128xf32, #tpu.memory_space<vmem>> -> memref<120x128xf32, #tpu.memory_space<vmem>>
        %dma_start3A_204 = arith.constant 0 : i32
        %dma_start3A_205 = tpu.memref_slice %arg7[%rem3A_98, %add3A_198, %dma_start3A_204] : memref<2x4x120xi32, #tpu.memory_space<vmem>> -> memref<1x1x120xi32, #tpu.memory_space<vmem>>
        %dma_start3A_206 = tpu.memref_squeeze %dma_start3A_205 : memref<1x1x120xi32, #tpu.memory_space<vmem>> -> memref<120xi32, #tpu.memory_space<vmem>>
        %dma_start3A_207 = arith.constant 0 : i32
        %dma_start3A_208 = arith.constant 0 : i32
        %dma_start3A_209 = tpu.memref_slice %arg2[%dma_start3A_207, %dma_start3A_208] : memref<10000x128xf32, #tpu.memory_space<hbm>> -> memref<10000x128xf32, #tpu.memory_space<hbm>>
        tpu.enqueue_indirect_dma source(%dma_start3A_209 : memref<10000x128xf32, #tpu.memory_space<hbm>>) target(%dma_start3A_203 : memref<120x128xf32, #tpu.memory_space<vmem>>) offsets(%dma_start3A_206 : memref<120xi32, #tpu.memory_space<vmem>>) semaphore(%arg11 : memref<!tpu.dma_semaphore, #tpu.memory_space<semaphore_mem>>)
        %add3A_210 = arith.constant 1 : i32
        %add3A_211 = arith.addi %mul3A_102, %add3A_210 : i32
        %dma_wait3A_212 = arith.constant 1 : i32
        %dma_wait3A_213 = arith.constant 0 : i32
        %dma_wait3A_214 = arith.constant 0 : i32
        %dma_wait3A_215 = tpu.memref_slice %arg9[%dma_wait3A_212, %dma_wait3A_213, %dma_wait3A_214] : memref<2x120x128xf32, #tpu.memory_space<vmem>> -> memref<1x120x128xf32, #tpu.memory_space<vmem>>
        %dma_wait3A_216 = tpu.memref_squeeze %dma_wait3A_215 : memref<1x120x128xf32, #tpu.memory_space<vmem>> -> memref<120x128xf32, #tpu.memory_space<vmem>>
        %dma_wait3A_217 = arith.constant 0 : i32
        %dma_wait3A_218 = tpu.memref_slice %arg8[%rem3A_98, %add3A_211, %dma_wait3A_217] : memref<2x4x120xi32, #tpu.memory_space<vmem>> -> memref<1x1x120xi32, #tpu.memory_space<vmem>>
        %dma_wait3A_219 = tpu.memref_squeeze %dma_wait3A_218 : memref<1x1x120xi32, #tpu.memory_space<vmem>> -> memref<120xi32, #tpu.memory_space<vmem>>
        %dma_wait3A_220 = arith.constant 0 : i32
        %dma_wait3A_221 = arith.constant 0 : i32
        %dma_wait3A_222 = tpu.memref_slice %arg10[%dma_wait3A_220, %dma_wait3A_221] : memref<10112x128xf32, #tpu.memory_space<vmem_shared>> -> memref<10112x128xf32, #tpu.memory_space<vmem_shared>>
        tpu.wait_indirect_dma semaphore(%arg12 : memref<!tpu.dma_semaphore, #tpu.memory_space<semaphore_mem>>) src(%dma_wait3A_216 : memref<120x128xf32, #tpu.memory_space<vmem>>) dst(%dma_wait3A_222 : memref<10112x128xf32, #tpu.memory_space<vmem_shared>>)
        %add3A_223 = arith.constant 2 : i32
        %add3A_224 = arith.addi %mul3A_102, %add3A_223 : i32
        %add3A_225 = arith.constant 1 : i32
        %add3A_226 = arith.addi %add3A_224, %add3A_225 : i32
        %dma_start3A_227 = arith.constant 1 : i32
        %dma_start3A_228 = arith.constant 0 : i32
        %dma_start3A_229 = arith.constant 0 : i32
        %dma_start3A_230 = tpu.memref_slice %arg9[%dma_start3A_227, %dma_start3A_228, %dma_start3A_229] : memref<2x120x128xf32, #tpu.memory_space<vmem>> -> memref<1x120x128xf32, #tpu.memory_space<vmem>>
        %dma_start3A_231 = tpu.memref_squeeze %dma_start3A_230 : memref<1x120x128xf32, #tpu.memory_space<vmem>> -> memref<120x128xf32, #tpu.memory_space<vmem>>
        %dma_start3A_232 = arith.constant 0 : i32
        %dma_start3A_233 = tpu.memref_slice %arg7[%rem3A_98, %add3A_226, %dma_start3A_232] : memref<2x4x120xi32, #tpu.memory_space<vmem>> -> memref<1x1x120xi32, #tpu.memory_space<vmem>>
        %dma_start3A_234 = tpu.memref_squeeze %dma_start3A_233 : memref<1x1x120xi32, #tpu.memory_space<vmem>> -> memref<120xi32, #tpu.memory_space<vmem>>
        %dma_start3A_235 = arith.constant 0 : i32
        %dma_start3A_236 = arith.constant 0 : i32
        %dma_start3A_237 = tpu.memref_slice %arg2[%dma_start3A_235, %dma_start3A_236] : memref<10000x128xf32, #tpu.memory_space<hbm>> -> memref<10000x128xf32, #tpu.memory_space<hbm>>
        tpu.enqueue_indirect_dma source(%dma_start3A_237 : memref<10000x128xf32, #tpu.memory_space<hbm>>) target(%dma_start3A_231 : memref<120x128xf32, #tpu.memory_space<vmem>>) offsets(%dma_start3A_234 : memref<120xi32, #tpu.memory_space<vmem>>) semaphore(%arg11 : memref<!tpu.dma_semaphore, #tpu.memory_space<semaphore_mem>>)
      } else {
      }
      %add3A_164 = arith.constant 2 : i32
      %add3A_165 = arith.addi %mul3A_102, %add3A_164 : i32
      %ge3A = arith.constant 4 : i32
      %ge3A_166 = arith.cmpi sge, %add3A_165, %ge3A : i32
      %add3A_167 = arith.constant 1 : i32
      %add3A_168 = arith.addi %scan3A_80, %add3A_167 : i32
      %lt3A_169 = arith.constant 42 : i32
      %lt3A_170 = arith.cmpi slt, %add3A_168, %lt3A_169 : i32
      %and3A_171 = arith.andi %ge3A_166, %lt3A_170 : i1
      %convert_element_type3A_172 = arith.extui %and3A_171 : i1 to i32
      %cond3A_173 = arith.constant 0 : i32
      %cond3A_174 = arith.cmpi ne, %convert_element_type3A_172, %cond3A_173 : i32
      scf.if %cond3A_174 {
        %add3A_182 = arith.constant 0 : i32
        %add3A_183 = arith.addi %mul3A_102, %add3A_182 : i32
        %dma_wait3A_184 = arith.constant 0 : i32
        %dma_wait3A_185 = arith.constant 0 : i32
        %dma_wait3A_186 = arith.constant 0 : i32
        %dma_wait3A_187 = tpu.memref_slice %arg9[%dma_wait3A_184, %dma_wait3A_185, %dma_wait3A_186] : memref<2x120x128xf32, #tpu.memory_space<vmem>> -> memref<1x120x128xf32, #tpu.memory_space<vmem>>
        %dma_wait3A_188 = tpu.memref_squeeze %dma_wait3A_187 : memref<1x120x128xf32, #tpu.memory_space<vmem>> -> memref<120x128xf32, #tpu.memory_space<vmem>>
        %dma_wait3A_189 = arith.constant 0 : i32
        %dma_wait3A_190 = tpu.memref_slice %arg8[%rem3A_98, %add3A_183, %dma_wait3A_189] : memref<2x4x120xi32, #tpu.memory_space<vmem>> -> memref<1x1x120xi32, #tpu.memory_space<vmem>>
        %dma_wait3A_191 = tpu.memref_squeeze %dma_wait3A_190 : memref<1x1x120xi32, #tpu.memory_space<vmem>> -> memref<120xi32, #tpu.memory_space<vmem>>
        %dma_wait3A_192 = arith.constant 0 : i32
        %dma_wait3A_193 = arith.constant 0 : i32
        %dma_wait3A_194 = tpu.memref_slice %arg10[%dma_wait3A_192, %dma_wait3A_193] : memref<10112x128xf32, #tpu.memory_space<vmem_shared>> -> memref<10112x128xf32, #tpu.memory_space<vmem_shared>>
        tpu.wait_indirect_dma semaphore(%arg12 : memref<!tpu.dma_semaphore, #tpu.memory_space<semaphore_mem>>) src(%dma_wait3A_188 : memref<120x128xf32, #tpu.memory_space<vmem>>) dst(%dma_wait3A_194 : memref<10112x128xf32, #tpu.memory_space<vmem_shared>>)
        %add3A_195 = arith.constant 1 : i32
        %add3A_196 = arith.addi %mul3A_102, %add3A_195 : i32
        %dma_wait3A_197 = arith.constant 1 : i32
        %dma_wait3A_198 = arith.constant 0 : i32
        %dma_wait3A_199 = arith.constant 0 : i32
        %dma_wait3A_200 = tpu.memref_slice %arg9[%dma_wait3A_197, %dma_wait3A_198, %dma_wait3A_199] : memref<2x120x128xf32, #tpu.memory_space<vmem>> -> memref<1x120x128xf32, #tpu.memory_space<vmem>>
        %dma_wait3A_201 = tpu.memref_squeeze %dma_wait3A_200 : memref<1x120x128xf32, #tpu.memory_space<vmem>> -> memref<120x128xf32, #tpu.memory_space<vmem>>
        %dma_wait3A_202 = arith.constant 0 : i32
        %dma_wait3A_203 = tpu.memref_slice %arg8[%rem3A_98, %add3A_196, %dma_wait3A_202] : memref<2x4x120xi32, #tpu.memory_space<vmem>> -> memref<1x1x120xi32, #tpu.memory_space<vmem>>
        %dma_wait3A_204 = tpu.memref_squeeze %dma_wait3A_203 : memref<1x1x120xi32, #tpu.memory_space<vmem>> -> memref<120xi32, #tpu.memory_space<vmem>>
        %dma_wait3A_205 = arith.constant 0 : i32
        %dma_wait3A_206 = arith.constant 0 : i32
        %dma_wait3A_207 = tpu.memref_slice %arg10[%dma_wait3A_205, %dma_wait3A_206] : memref<10112x128xf32, #tpu.memory_space<vmem_shared>> -> memref<10112x128xf32, #tpu.memory_space<vmem_shared>>
        tpu.wait_indirect_dma semaphore(%arg12 : memref<!tpu.dma_semaphore, #tpu.memory_space<semaphore_mem>>) src(%dma_wait3A_201 : memref<120x128xf32, #tpu.memory_space<vmem>>) dst(%dma_wait3A_207 : memref<10112x128xf32, #tpu.memory_space<vmem_shared>>)
        %add3A_208 = arith.constant 2 : i32
        %add3A_209 = arith.addi %select_n3A, %add3A_208 : i32
        %lt3A_210 = arith.constant 21 : i32
        %lt3A_211 = arith.cmpi slt, %add3A_209, %lt3A_210 : i32
        %convert_element_type3A_212 = arith.extui %lt3A_211 : i1 to i32
        %cond3A_213 = arith.constant 0 : i32
        %cond3A_214 = arith.cmpi ne, %convert_element_type3A_212, %cond3A_213 : i32
        scf.if %cond3A_214 {
          %add3A_279 = arith.constant 2 : i32
          %add3A_280 = arith.addi %select_n3A, %add3A_279 : i32
          %dma_start3A_281 = arith.constant 0 : i32
          %dma_start3A_282 = arith.constant 0 : i32
          %dma_start3A_283 = tpu.memref_slice %arg7[%rem3A_98, %dma_start3A_281, %dma_start3A_282] : memref<2x4x120xi32, #tpu.memory_space<vmem>> -> memref<1x4x120xi32, #tpu.memory_space<vmem>>
          %dma_start3A_284 = tpu.memref_squeeze %dma_start3A_283 : memref<1x4x120xi32, #tpu.memory_space<vmem>> -> memref<4x120xi32, #tpu.memory_space<vmem>>
          %dma_start3A_285 = arith.constant 0 : i32
          %dma_start3A_286 = arith.constant 0 : i32
          %dma_start3A_287 = tpu.memref_slice %arg3[%add3A, %add3A_280, %dma_start3A_285, %dma_start3A_286] : memref<32x21x4x120xi32, #tpu.memory_space<hbm>> -> memref<1x1x4x120xi32, #tpu.memory_space<hbm>>
          %dma_start3A_288 = tpu.memref_squeeze %dma_start3A_287 : memref<1x1x4x120xi32, #tpu.memory_space<hbm>> -> memref<4x120xi32, #tpu.memory_space<hbm>>
          %dma_start3A_289 = arith.constant 0 : i32
          %dma_start3A_290 = arith.constant 0 : i32
          %dma_start3A_291 = tpu.memref_slice %arg7[%rem3A_98, %dma_start3A_289, %dma_start3A_290] : memref<2x4x120xi32, #tpu.memory_space<vmem>> -> memref<1x4x120xi32, #tpu.memory_space<vmem>>
          %dma_start3A_292 = tpu.memref_squeeze %dma_start3A_291 : memref<1x4x120xi32, #tpu.memory_space<vmem>> -> memref<4x120xi32, #tpu.memory_space<vmem>>
          %dma_start3A_293 = arith.constant 0 : i32
          %dma_start3A_294 = arith.constant 0 : i32
          %dma_start3A_295 = tpu.memref_slice %arg3[%add3A, %add3A_280, %dma_start3A_293, %dma_start3A_294] : memref<32x21x4x120xi32, #tpu.memory_space<hbm>> -> memref<1x1x4x120xi32, #tpu.memory_space<hbm>>
          %dma_start3A_296 = tpu.memref_squeeze %dma_start3A_295 : memref<1x1x4x120xi32, #tpu.memory_space<hbm>> -> memref<4x120xi32, #tpu.memory_space<hbm>>
          tpu.enqueue_dma source(%dma_start3A_296 : memref<4x120xi32, #tpu.memory_space<hbm>>) target(%dma_start3A_292 : memref<4x120xi32, #tpu.memory_space<vmem>>) target_semaphore(%arg13 : memref<!tpu.dma_semaphore, #tpu.memory_space<semaphore_mem>>)
          %dma_start3A_297 = arith.constant 0 : i32
          %dma_start3A_298 = arith.constant 0 : i32
          %dma_start3A_299 = tpu.memref_slice %arg8[%rem3A_98, %dma_start3A_297, %dma_start3A_298] : memref<2x4x120xi32, #tpu.memory_space<vmem>> -> memref<1x4x120xi32, #tpu.memory_space<vmem>>
          %dma_start3A_300 = tpu.memref_squeeze %dma_start3A_299 : memref<1x4x120xi32, #tpu.memory_space<vmem>> -> memref<4x120xi32, #tpu.memory_space<vmem>>
          %dma_start3A_301 = arith.constant 0 : i32
          %dma_start3A_302 = arith.constant 0 : i32
          %dma_start3A_303 = tpu.memref_slice %arg4[%add3A, %add3A_280, %dma_start3A_301, %dma_start3A_302] : memref<32x21x4x120xi32, #tpu.memory_space<hbm>> -> memref<1x1x4x120xi32, #tpu.memory_space<hbm>>
          %dma_start3A_304 = tpu.memref_squeeze %dma_start3A_303 : memref<1x1x4x120xi32, #tpu.memory_space<hbm>> -> memref<4x120xi32, #tpu.memory_space<hbm>>
          %dma_start3A_305 = arith.constant 0 : i32
          %dma_start3A_306 = arith.constant 0 : i32
          %dma_start3A_307 = tpu.memref_slice %arg8[%rem3A_98, %dma_start3A_305, %dma_start3A_306] : memref<2x4x120xi32, #tpu.memory_space<vmem>> -> memref<1x4x120xi32, #tpu.memory_space<vmem>>
          %dma_start3A_308 = tpu.memref_squeeze %dma_start3A_307 : memref<1x4x120xi32, #tpu.memory_space<vmem>> -> memref<4x120xi32, #tpu.memory_space<vmem>>
          %dma_start3A_309 = arith.constant 0 : i32
          %dma_start3A_310 = arith.constant 0 : i32
          %dma_start3A_311 = tpu.memref_slice %arg4[%add3A, %add3A_280, %dma_start3A_309, %dma_start3A_310] : memref<32x21x4x120xi32, #tpu.memory_space<hbm>> -> memref<1x1x4x120xi32, #tpu.memory_space<hbm>>
          %dma_start3A_312 = tpu.memref_squeeze %dma_start3A_311 : memref<1x1x4x120xi32, #tpu.memory_space<hbm>> -> memref<4x120xi32, #tpu.memory_space<hbm>>
          tpu.enqueue_dma source(%dma_start3A_312 : memref<4x120xi32, #tpu.memory_space<hbm>>) target(%dma_start3A_308 : memref<4x120xi32, #tpu.memory_space<vmem>>) target_semaphore(%arg13 : memref<!tpu.dma_semaphore, #tpu.memory_space<semaphore_mem>>)
        } else {
        }
        %add3A_215 = arith.constant 1 : i32
        %add3A_216 = arith.addi %select_n3A, %add3A_215 : i32
        %sub3A_217 = arith.constant 1 : i32
        %sub3A_218 = arith.subi %sub3A_217, %rem3A_98 : i32
        %dma_wait3A_219 = arith.constant 0 : i32
        %dma_wait3A_220 = arith.constant 0 : i32
        %dma_wait3A_221 = tpu.memref_slice %arg7[%sub3A_218, %dma_wait3A_219, %dma_wait3A_220] : memref<2x4x120xi32, #tpu.memory_space<vmem>> -> memref<1x4x120xi32, #tpu.memory_space<vmem>>
        %dma_wait3A_222 = tpu.memref_squeeze %dma_wait3A_221 : memref<1x4x120xi32, #tpu.memory_space<vmem>> -> memref<4x120xi32, #tpu.memory_space<vmem>>
        %dma_wait3A_223 = arith.constant 0 : i32
        %dma_wait3A_224 = arith.constant 0 : i32
        %dma_wait3A_225 = tpu.memref_slice %arg3[%add3A, %add3A_216, %dma_wait3A_223, %dma_wait3A_224] : memref<32x21x4x120xi32, #tpu.memory_space<hbm>> -> memref<1x1x4x120xi32, #tpu.memory_space<hbm>>
        %dma_wait3A_226 = tpu.memref_squeeze %dma_wait3A_225 : memref<1x1x4x120xi32, #tpu.memory_space<hbm>> -> memref<4x120xi32, #tpu.memory_space<hbm>>
        %dma_wait3A_227 = arith.constant 0 : i32
        %dma_wait3A_228 = arith.constant 0 : i32
        %dma_wait3A_229 = tpu.memref_slice %arg7[%sub3A_218, %dma_wait3A_227, %dma_wait3A_228] : memref<2x4x120xi32, #tpu.memory_space<vmem>> -> memref<1x4x120xi32, #tpu.memory_space<vmem>>
        %dma_wait3A_230 = tpu.memref_squeeze %dma_wait3A_229 : memref<1x4x120xi32, #tpu.memory_space<vmem>> -> memref<4x120xi32, #tpu.memory_space<vmem>>
        %dma_wait3A_231 = arith.constant 0 : i32
        %dma_wait3A_232 = arith.constant 0 : i32
        %dma_wait3A_233 = tpu.memref_slice %arg3[%add3A, %add3A_216, %dma_wait3A_231, %dma_wait3A_232] : memref<32x21x4x120xi32, #tpu.memory_space<hbm>> -> memref<1x1x4x120xi32, #tpu.memory_space<hbm>>
        %dma_wait3A_234 = tpu.memref_squeeze %dma_wait3A_233 : memref<1x1x4x120xi32, #tpu.memory_space<hbm>> -> memref<4x120xi32, #tpu.memory_space<hbm>>
        tpu.wait_dma2 semaphore(%arg13 : memref<!tpu.dma_semaphore, #tpu.memory_space<semaphore_mem>>) src(%dma_wait3A_234 : memref<4x120xi32, #tpu.memory_space<hbm>>) dst(%dma_wait3A_230 : memref<4x120xi32, #tpu.memory_space<vmem>>)
        %dma_wait3A_235 = arith.constant 0 : i32
        %dma_wait3A_236 = arith.constant 0 : i32
        %dma_wait3A_237 = tpu.memref_slice %arg8[%sub3A_218, %dma_wait3A_235, %dma_wait3A_236] : memref<2x4x120xi32, #tpu.memory_space<vmem>> -> memref<1x4x120xi32, #tpu.memory_space<vmem>>
        %dma_wait3A_238 = tpu.memref_squeeze %dma_wait3A_237 : memref<1x4x120xi32, #tpu.memory_space<vmem>> -> memref<4x120xi32, #tpu.memory_space<vmem>>
        %dma_wait3A_239 = arith.constant 0 : i32
        %dma_wait3A_240 = arith.constant 0 : i32
        %dma_wait3A_241 = tpu.memref_slice %arg4[%add3A, %add3A_216, %dma_wait3A_239, %dma_wait3A_240] : memref<32x21x4x120xi32, #tpu.memory_space<hbm>> -> memref<1x1x4x120xi32, #tpu.memory_space<hbm>>
        %dma_wait3A_242 = tpu.memref_squeeze %dma_wait3A_241 : memref<1x1x4x120xi32, #tpu.memory_space<hbm>> -> memref<4x120xi32, #tpu.memory_space<hbm>>
        %dma_wait3A_243 = arith.constant 0 : i32
        %dma_wait3A_244 = arith.constant 0 : i32
        %dma_wait3A_245 = tpu.memref_slice %arg8[%sub3A_218, %dma_wait3A_243, %dma_wait3A_244] : memref<2x4x120xi32, #tpu.memory_space<vmem>> -> memref<1x4x120xi32, #tpu.memory_space<vmem>>
        %dma_wait3A_246 = tpu.memref_squeeze %dma_wait3A_245 : memref<1x4x120xi32, #tpu.memory_space<vmem>> -> memref<4x120xi32, #tpu.memory_space<vmem>>
        %dma_wait3A_247 = arith.constant 0 : i32
        %dma_wait3A_248 = arith.constant 0 : i32
        %dma_wait3A_249 = tpu.memref_slice %arg4[%add3A, %add3A_216, %dma_wait3A_247, %dma_wait3A_248] : memref<32x21x4x120xi32, #tpu.memory_space<hbm>> -> memref<1x1x4x120xi32, #tpu.memory_space<hbm>>
        %dma_wait3A_250 = tpu.memref_squeeze %dma_wait3A_249 : memref<1x1x4x120xi32, #tpu.memory_space<hbm>> -> memref<4x120xi32, #tpu.memory_space<hbm>>
        tpu.wait_dma2 semaphore(%arg13 : memref<!tpu.dma_semaphore, #tpu.memory_space<semaphore_mem>>) src(%dma_wait3A_250 : memref<4x120xi32, #tpu.memory_space<hbm>>) dst(%dma_wait3A_246 : memref<4x120xi32, #tpu.memory_space<vmem>>)
        %sub3A_251 = arith.constant 1 : i32
        %sub3A_252 = arith.subi %sub3A_251, %rem3A_98 : i32
        %dma_start3A_253 = arith.constant 0 : i32
        %dma_start3A_254 = arith.constant 0 : i32
        %dma_start3A_255 = arith.constant 0 : i32
        %dma_start3A_256 = arith.constant 0 : i32
        %dma_start3A_257 = tpu.memref_slice %arg9[%dma_start3A_254, %dma_start3A_255, %dma_start3A_256] : memref<2x120x128xf32, #tpu.memory_space<vmem>> -> memref<1x120x128xf32, #tpu.memory_space<vmem>>
        %dma_start3A_258 = tpu.memref_squeeze %dma_start3A_257 : memref<1x120x128xf32, #tpu.memory_space<vmem>> -> memref<120x128xf32, #tpu.memory_space<vmem>>
        %dma_start3A_259 = arith.constant 0 : i32
        %dma_start3A_260 = tpu.memref_slice %arg7[%sub3A_252, %dma_start3A_253, %dma_start3A_259] : memref<2x4x120xi32, #tpu.memory_space<vmem>> -> memref<1x1x120xi32, #tpu.memory_space<vmem>>
        %dma_start3A_261 = tpu.memref_squeeze %dma_start3A_260 : memref<1x1x120xi32, #tpu.memory_space<vmem>> -> memref<120xi32, #tpu.memory_space<vmem>>
        %dma_start3A_262 = arith.constant 0 : i32
        %dma_start3A_263 = arith.constant 0 : i32
        %dma_start3A_264 = tpu.memref_slice %arg2[%dma_start3A_262, %dma_start3A_263] : memref<10000x128xf32, #tpu.memory_space<hbm>> -> memref<10000x128xf32, #tpu.memory_space<hbm>>
        tpu.enqueue_indirect_dma source(%dma_start3A_264 : memref<10000x128xf32, #tpu.memory_space<hbm>>) target(%dma_start3A_258 : memref<120x128xf32, #tpu.memory_space<vmem>>) offsets(%dma_start3A_261 : memref<120xi32, #tpu.memory_space<vmem>>) semaphore(%arg11 : memref<!tpu.dma_semaphore, #tpu.memory_space<semaphore_mem>>)
        %sub3A_265 = arith.constant 1 : i32
        %sub3A_266 = arith.subi %sub3A_265, %rem3A_98 : i32
        %dma_start3A_267 = arith.constant 1 : i32
        %dma_start3A_268 = arith.constant 1 : i32
        %dma_start3A_269 = arith.constant 0 : i32
        %dma_start3A_270 = arith.constant 0 : i32
        %dma_start3A_271 = tpu.memref_slice %arg9[%dma_start3A_268, %dma_start3A_269, %dma_start3A_270] : memref<2x120x128xf32, #tpu.memory_space<vmem>> -> memref<1x120x128xf32, #tpu.memory_space<vmem>>
        %dma_start3A_272 = tpu.memref_squeeze %dma_start3A_271 : memref<1x120x128xf32, #tpu.memory_space<vmem>> -> memref<120x128xf32, #tpu.memory_space<vmem>>
        %dma_start3A_273 = arith.constant 0 : i32
        %dma_start3A_274 = tpu.memref_slice %arg7[%sub3A_266, %dma_start3A_267, %dma_start3A_273] : memref<2x4x120xi32, #tpu.memory_space<vmem>> -> memref<1x1x120xi32, #tpu.memory_space<vmem>>
        %dma_start3A_275 = tpu.memref_squeeze %dma_start3A_274 : memref<1x1x120xi32, #tpu.memory_space<vmem>> -> memref<120xi32, #tpu.memory_space<vmem>>
        %dma_start3A_276 = arith.constant 0 : i32
        %dma_start3A_277 = arith.constant 0 : i32
        %dma_start3A_278 = tpu.memref_slice %arg2[%dma_start3A_276, %dma_start3A_277] : memref<10000x128xf32, #tpu.memory_space<hbm>> -> memref<10000x128xf32, #tpu.memory_space<hbm>>
        tpu.enqueue_indirect_dma source(%dma_start3A_278 : memref<10000x128xf32, #tpu.memory_space<hbm>>) target(%dma_start3A_272 : memref<120x128xf32, #tpu.memory_space<vmem>>) offsets(%dma_start3A_275 : memref<120xi32, #tpu.memory_space<vmem>>) semaphore(%arg11 : memref<!tpu.dma_semaphore, #tpu.memory_space<semaphore_mem>>)
      } else {
      }
      %add3A_175 = arith.constant 1 : i32
      %add3A_176 = arith.addi %scan3A_80, %add3A_175 : i32
      %ge3A_177 = arith.constant 42 : i32
      %ge3A_178 = arith.cmpi sge, %add3A_176, %ge3A_177 : i32
      %convert_element_type3A_179 = arith.extui %ge3A_178 : i1 to i32
      %cond3A_180 = arith.constant 0 : i32
      %cond3A_181 = arith.cmpi ne, %convert_element_type3A_179, %cond3A_180 : i32
      scf.if %cond3A_181 {
        %add3A_182 = arith.constant 0 : i32
        %add3A_183 = arith.addi %mul3A_102, %add3A_182 : i32
        %dma_wait3A_184 = arith.constant 0 : i32
        %dma_wait3A_185 = arith.constant 0 : i32
        %dma_wait3A_186 = arith.constant 0 : i32
        %dma_wait3A_187 = tpu.memref_slice %arg9[%dma_wait3A_184, %dma_wait3A_185, %dma_wait3A_186] : memref<2x120x128xf32, #tpu.memory_space<vmem>> -> memref<1x120x128xf32, #tpu.memory_space<vmem>>
        %dma_wait3A_188 = tpu.memref_squeeze %dma_wait3A_187 : memref<1x120x128xf32, #tpu.memory_space<vmem>> -> memref<120x128xf32, #tpu.memory_space<vmem>>
        %dma_wait3A_189 = arith.constant 0 : i32
        %dma_wait3A_190 = tpu.memref_slice %arg8[%rem3A_98, %add3A_183, %dma_wait3A_189] : memref<2x4x120xi32, #tpu.memory_space<vmem>> -> memref<1x1x120xi32, #tpu.memory_space<vmem>>
        %dma_wait3A_191 = tpu.memref_squeeze %dma_wait3A_190 : memref<1x1x120xi32, #tpu.memory_space<vmem>> -> memref<120xi32, #tpu.memory_space<vmem>>
        %dma_wait3A_192 = arith.constant 0 : i32
        %dma_wait3A_193 = arith.constant 0 : i32
        %dma_wait3A_194 = tpu.memref_slice %arg10[%dma_wait3A_192, %dma_wait3A_193] : memref<10112x128xf32, #tpu.memory_space<vmem_shared>> -> memref<10112x128xf32, #tpu.memory_space<vmem_shared>>
        tpu.wait_indirect_dma semaphore(%arg12 : memref<!tpu.dma_semaphore, #tpu.memory_space<semaphore_mem>>) src(%dma_wait3A_188 : memref<120x128xf32, #tpu.memory_space<vmem>>) dst(%dma_wait3A_194 : memref<10112x128xf32, #tpu.memory_space<vmem_shared>>)
        %add3A_195 = arith.constant 1 : i32
        %add3A_196 = arith.addi %mul3A_102, %add3A_195 : i32
        %dma_wait3A_197 = arith.constant 1 : i32
        %dma_wait3A_198 = arith.constant 0 : i32
        %dma_wait3A_199 = arith.constant 0 : i32
        %dma_wait3A_200 = tpu.memref_slice %arg9[%dma_wait3A_197, %dma_wait3A_198, %dma_wait3A_199] : memref<2x120x128xf32, #tpu.memory_space<vmem>> -> memref<1x120x128xf32, #tpu.memory_space<vmem>>
        %dma_wait3A_201 = tpu.memref_squeeze %dma_wait3A_200 : memref<1x120x128xf32, #tpu.memory_space<vmem>> -> memref<120x128xf32, #tpu.memory_space<vmem>>
        %dma_wait3A_202 = arith.constant 0 : i32
        %dma_wait3A_203 = tpu.memref_slice %arg8[%rem3A_98, %add3A_196, %dma_wait3A_202] : memref<2x4x120xi32, #tpu.memory_space<vmem>> -> memref<1x1x120xi32, #tpu.memory_space<vmem>>
        %dma_wait3A_204 = tpu.memref_squeeze %dma_wait3A_203 : memref<1x1x120xi32, #tpu.memory_space<vmem>> -> memref<120xi32, #tpu.memory_space<vmem>>
        %dma_wait3A_205 = arith.constant 0 : i32
        %dma_wait3A_206 = arith.constant 0 : i32
        %dma_wait3A_207 = tpu.memref_slice %arg10[%dma_wait3A_205, %dma_wait3A_206] : memref<10112x128xf32, #tpu.memory_space<vmem_shared>> -> memref<10112x128xf32, #tpu.memory_space<vmem_shared>>
        tpu.wait_indirect_dma semaphore(%arg12 : memref<!tpu.dma_semaphore, #tpu.memory_space<semaphore_mem>>) src(%dma_wait3A_201 : memref<120x128xf32, #tpu.memory_space<vmem>>) dst(%dma_wait3A_207 : memref<10112x128xf32, #tpu.memory_space<vmem_shared>>)
      } else {
      }
    }
    %scan3A_74 = arith.constant 42 : i32
    %barrier3A_75 = arith.constant 0 : index
    tpu.barrier barrier_id(%barrier3A_75)
    %mul3A_76 = arith.constant 632 : i32
    %mul3A_77 = arith.muli %arg1, %mul3A_76 : i32
    %mul3A_78 = arith.constant 632 : i32
    %mul3A_79 = arith.muli %arg1, %mul3A_78 : i32
    "tpu.region"() ({
      %run_scoped3A_80 = tpu.sem_alloc : memref<!tpu.dma_semaphore, #tpu.memory_space<semaphore_mem>>
      %dma_start3A_81 = arith.constant 0 : i32
      %dma_start3A_82 = tpu.memref_slice %arg6[%arg0, %mul3A_79, %dma_start3A_81] : memref<2x10112x128xf32, #tpu.memory_space<hbm>> -> memref<1x632x128xf32, #tpu.memory_space<hbm>>
      %dma_start3A_83 = tpu.memref_squeeze %dma_start3A_82 : memref<1x632x128xf32, #tpu.memory_space<hbm>> -> memref<632x128xf32, #tpu.memory_space<hbm>>
      %dma_start3A_84 = arith.constant 0 : i32
      %dma_start3A_85 = tpu.memref_slice %arg10[%mul3A_77, %dma_start3A_84] : memref<10112x128xf32, #tpu.memory_space<vmem_shared>> -> memref<632x128xf32, #tpu.memory_space<vmem_shared>>
      tpu.enqueue_dma source(%dma_start3A_85 : memref<632x128xf32, #tpu.memory_space<vmem_shared>>) target(%dma_start3A_83 : memref<632x128xf32, #tpu.memory_space<hbm>>) target_semaphore(%run_scoped3A_80 : memref<!tpu.dma_semaphore, #tpu.memory_space<semaphore_mem>>)
      %dma_wait3A_86 = arith.constant 0 : i32
      %dma_wait3A_87 = tpu.memref_slice %arg6[%arg0, %mul3A_79, %dma_wait3A_86] : memref<2x10112x128xf32, #tpu.memory_space<hbm>> -> memref<1x632x128xf32, #tpu.memory_space<hbm>>
      %dma_wait3A_88 = tpu.memref_squeeze %dma_wait3A_87 : memref<1x632x128xf32, #tpu.memory_space<hbm>> -> memref<632x128xf32, #tpu.memory_space<hbm>>
      %dma_wait3A_89 = arith.constant 0 : i32
      %dma_wait3A_90 = tpu.memref_slice %arg10[%mul3A_77, %dma_wait3A_89] : memref<10112x128xf32, #tpu.memory_space<vmem_shared>> -> memref<632x128xf32, #tpu.memory_space<vmem_shared>>
      tpu.wait_dma2 semaphore(%run_scoped3A_80 : memref<!tpu.dma_semaphore, #tpu.memory_space<semaphore_mem>>) src(%dma_wait3A_90 : memref<632x128xf32, #tpu.memory_space<vmem_shared>>) dst(%dma_wait3A_88 : memref<632x128xf32, #tpu.memory_space<hbm>>)
      tpu.yield
    }) : () -> ()
    return
  }
}

module attributes {stable_mosaic.version = 14 : i64} {
  func.func @_mlp_body(%arg0: i32, %arg1: memref<1x1xf32, #tpu.memory_space<vmem>>, %arg2: memref<10000x128xf32, #tpu.memory_space<vmem>>, %arg3: memref<1x10000x128xf32, #tpu.memory_space<vmem>>, %arg4: memref<1x10000x128xf32, #tpu.memory_space<vmem>>, %arg5: memref<128x128xf32, #tpu.memory_space<vmem>>, %arg6: memref<1x128xf32, #tpu.memory_space<vmem>>, %arg7: memref<128x128xf32, #tpu.memory_space<vmem>>, %arg8: memref<1x128xf32, #tpu.memory_space<vmem>>, %arg9: memref<10000x128xf32, #tpu.memory_space<vmem>>) attributes {dimension_semantics = [#tpu.dimension_semantics<arbitrary>], iteration_bounds = array<i64: 1>, scalar_prefetch = 0 : i64, scratch_operands = 0 : i64, tpu.core_type = #tpu.core_type<tc>, window_params = [{pipeline_mode = #tpu.pipeline_mode<synchronous>, transform_indices = @transform_0, window_bounds = array<i64: 1, 1>}, {transform_indices = @transform_1, window_bounds = array<i64: 10000, 128>}, {transform_indices = @transform_2, window_bounds = array<i64: 1, 10000, 128>}, {transform_indices = @transform_3, window_bounds = array<i64: 1, 10000, 128>}, {pipeline_mode = #tpu.pipeline_mode<synchronous>, transform_indices = @transform_4, window_bounds = array<i64: 128, 128>}, {pipeline_mode = #tpu.pipeline_mode<synchronous>, transform_indices = @transform_5, window_bounds = array<i64: 1, 128>}, {pipeline_mode = #tpu.pipeline_mode<synchronous>, transform_indices = @transform_6, window_bounds = array<i64: 128, 128>}, {pipeline_mode = #tpu.pipeline_mode<synchronous>, transform_indices = @transform_7, window_bounds = array<i64: 1, 128>}, {transform_indices = @transform_8, window_bounds = array<i64: 10000, 128>}]} {
    %get3A = arith.constant 0 : index
    %get3A_0 = arith.constant 0 : index
    %get3A_1 = vector.load %arg1[%get3A, %get3A_0] : memref<1x1xf32, #tpu.memory_space<vmem>>, vector<1x1xf32>
    %get3A_2 = vector.extract %get3A_1[0, 0] : f32 from vector<1x1xf32>
    %add3A = arith.constant 1.000000e+00 : f32
    %add3A_3 = arith.addf %add3A, %get3A_2 : f32
    %get3A_4 = arith.constant 0 : index
    %get3A_5 = arith.constant 0 : index
    %get3A_6 = vector.load %arg2[%get3A_4, %get3A_5] : memref<10000x128xf32, #tpu.memory_space<vmem>>, vector<10000x128xf32>
    %mul3A = vector.broadcast %add3A_3 : f32 to vector<10000x128xf32>
    %mul3A_7 = arith.mulf %mul3A, %get3A_6 : vector<10000x128xf32>
    %get3A_8 = arith.constant 0 : index
    %get3A_9 = arith.constant 0 : index
    %get3A_10 = arith.constant 0 : index
    %get3A_11 = vector.load %arg3[%get3A_8, %get3A_9, %get3A_10] : memref<1x10000x128xf32, #tpu.memory_space<vmem>>, vector<1x10000x128xf32>
    %get3A_12 = vector.shape_cast %get3A_11 : vector<1x10000x128xf32> to vector<10000x128xf32>
    %add3A_13 = arith.addf %mul3A_7, %get3A_12 : vector<10000x128xf32>
    %get3A_14 = arith.constant 0 : index
    %get3A_15 = arith.constant 0 : index
    %get3A_16 = arith.constant 0 : index
    %get3A_17 = vector.load %arg4[%get3A_14, %get3A_15, %get3A_16] : memref<1x10000x128xf32, #tpu.memory_space<vmem>>, vector<1x10000x128xf32>
    %get3A_18 = vector.shape_cast %get3A_17 : vector<1x10000x128xf32> to vector<10000x128xf32>
    %add3A_19 = arith.addf %add3A_13, %get3A_18 : vector<10000x128xf32>
    %get3A_20 = arith.constant 0 : index
    %get3A_21 = arith.constant 0 : index
    %get3A_22 = vector.load %arg5[%get3A_20, %get3A_21] : memref<128x128xf32, #tpu.memory_space<vmem>>, vector<128x128xf32>
    %dot_general3A = arith.constant dense<0.000000e+00> : vector<10000x128xf32>
    %dot_general3A_23 = tpu.matmul %add3A_19, %get3A_22, %dot_general3A {dimension_numbers = #tpu.dot_dimension_numbers<[1], [0], [0], [1], [0, 0, 1, 1], [], []>, transpose_lhs_hint = false} : vector<10000x128xf32>, vector<128x128xf32>, vector<10000x128xf32> -> vector<10000x128xf32>
    %get3A_24 = arith.constant 0 : index
    %get3A_25 = arith.constant 0 : index
    %get3A_26 = vector.load %arg6[%get3A_24, %get3A_25] : memref<1x128xf32, #tpu.memory_space<vmem>>, vector<1x128xf32>
    %add3A_27 = vector.broadcast %get3A_26 : vector<1x128xf32> to vector<10000x128xf32>
    %add3A_28 = arith.addf %dot_general3A_23, %add3A_27 : vector<10000x128xf32>
    %max3A = arith.constant 0.000000e+00 : f32
    %max3A_29 = vector.broadcast %max3A : f32 to vector<10000x128xf32>
    %max3A_30 = arith.maximumf %add3A_28, %max3A_29 : vector<10000x128xf32>
    %get3A_31 = arith.constant 0 : index
    %get3A_32 = arith.constant 0 : index
    %get3A_33 = vector.load %arg7[%get3A_31, %get3A_32] : memref<128x128xf32, #tpu.memory_space<vmem>>, vector<128x128xf32>
    %dot_general3A_34 = arith.constant dense<0.000000e+00> : vector<10000x128xf32>
    %dot_general3A_35 = tpu.matmul %max3A_30, %get3A_33, %dot_general3A_34 {dimension_numbers = #tpu.dot_dimension_numbers<[1], [0], [0], [1], [0, 0, 1, 1], [], []>, transpose_lhs_hint = false} : vector<10000x128xf32>, vector<128x128xf32>, vector<10000x128xf32> -> vector<10000x128xf32>
    %get3A_36 = arith.constant 0 : index
    %get3A_37 = arith.constant 0 : index
    %get3A_38 = vector.load %arg8[%get3A_36, %get3A_37] : memref<1x128xf32, #tpu.memory_space<vmem>>, vector<1x128xf32>
    %add3A_39 = vector.broadcast %get3A_38 : vector<1x128xf32> to vector<10000x128xf32>
    %add3A_40 = arith.addf %dot_general3A_35, %add3A_39 : vector<10000x128xf32>
    %swap3A = arith.constant 0 : index
    %swap3A_41 = arith.constant 0 : index
    %swap3A_42 = vector.load %arg9[%swap3A, %swap3A_41] : memref<10000x128xf32, #tpu.memory_space<vmem>>, vector<10000x128xf32>
    tpu.vector_store %arg9[%swap3A, %swap3A_41], %add3A_40 {strides = array<i32>} : memref<10000x128xf32, #tpu.memory_space<vmem>>, vector<10000x128xf32>,
    return
  }
  func.func @transform_0(%arg0: i32) -> (i32, i32) {
    %c0_i32 = arith.constant 0 : i32
    %c0_i32_0 = arith.constant 0 : i32
    %c0_i32_1 = arith.constant 0 : i32
    return %c0_i32, %c0_i32_0 : i32, i32
  }
  func.func @transform_1(%arg0: i32) -> (i32, i32) {
    %c0_i32 = arith.constant 0 : i32
    %c0_i32_0 = arith.constant 0 : i32
    return %arg0, %c0_i32 : i32, i32
  }
  func.func @transform_2(%arg0: i32) -> (i32, i32, i32) {
    %c0_i32 = arith.constant 0 : i32
    %c0_i32_0 = arith.constant 0 : i32
    %c0_i32_1 = arith.constant 0 : i32
    return %c0_i32, %arg0, %c0_i32_0 : i32, i32, i32
  }
  func.func @transform_3(%arg0: i32) -> (i32, i32, i32) {
    %c1_i32 = arith.constant 1 : i32
    %c0_i32 = arith.constant 0 : i32
    %c0_i32_0 = arith.constant 0 : i32
    return %c1_i32, %arg0, %c0_i32 : i32, i32, i32
  }
  func.func @transform_4(%arg0: i32) -> (i32, i32) {
    %c0_i32 = arith.constant 0 : i32
    %c0_i32_0 = arith.constant 0 : i32
    %c0_i32_1 = arith.constant 0 : i32
    return %c0_i32, %c0_i32_0 : i32, i32
  }
  func.func @transform_5(%arg0: i32) -> (i32, i32) {
    %c0_i32 = arith.constant 0 : i32
    %c0_i32_0 = arith.constant 0 : i32
    %c0_i32_1 = arith.constant 0 : i32
    return %c0_i32, %c0_i32_0 : i32, i32
  }
  func.func @transform_6(%arg0: i32) -> (i32, i32) {
    %c0_i32 = arith.constant 0 : i32
    %c0_i32_0 = arith.constant 0 : i32
    %c0_i32_1 = arith.constant 0 : i32
    return %c0_i32, %c0_i32_0 : i32, i32
  }
  func.func @transform_7(%arg0: i32) -> (i32, i32) {
    %c0_i32 = arith.constant 0 : i32
    %c0_i32_0 = arith.constant 0 : i32
    %c0_i32_1 = arith.constant 0 : i32
    return %c0_i32, %c0_i32_0 : i32, i32
  }
  func.func @transform_8(%arg0: i32) -> (i32, i32) {
    %c0_i32 = arith.constant 0 : i32
    %c0_i32_0 = arith.constant 0 : i32
    return %arg0, %c0_i32 : i32, i32
  }
}

module attributes {stable_mosaic.version = 14 : i64} {
  func.func @body(%arg0: i32, %arg1: memref<1x1xf32, #tpu.memory_space<vmem>>, %arg2: memref<10000x128xf32, #tpu.memory_space<vmem>>, %arg3: memref<1x10000x128xf32, #tpu.memory_space<vmem>>, %arg4: memref<1x10000x128xf32, #tpu.memory_space<vmem>>, %arg5: memref<1x1x10000xi32, #tpu.memory_space<vmem>>, %arg6: memref<128x128xf32, #tpu.memory_space<vmem>>, %arg7: memref<1x128xf32, #tpu.memory_space<vmem>>, %arg8: memref<128x128xf32, #tpu.memory_space<vmem>>, %arg9: memref<1x128xf32, #tpu.memory_space<vmem>>, %arg10: memref<128x64xf32, #tpu.memory_space<vmem>>, %arg11: memref<1x64xf32, #tpu.memory_space<vmem>>, %arg12: memref<64x10xf32, #tpu.memory_space<vmem>>, %arg13: memref<1x10xf32, #tpu.memory_space<vmem>>, %arg14: memref<32x10xf32, #tpu.memory_space<vmem>>, %arg15: memref<32x128xf32, #tpu.memory_space<vmem>>, %arg16: memref<32x128xf32, #tpu.memory_space<vmem>>) attributes {dimension_semantics = [#tpu.dimension_semantics<arbitrary>], iteration_bounds = array<i64: 1>, scalar_prefetch = 0 : i64, scratch_operands = 2 : i64, tpu.core_type = #tpu.core_type<tc>, window_params = [{pipeline_mode = #tpu.pipeline_mode<synchronous>, transform_indices = @transform_0, window_bounds = array<i64: 1, 1>}, {transform_indices = @transform_1, window_bounds = array<i64: 10000, 128>}, {transform_indices = @transform_2, window_bounds = array<i64: 1, 10000, 128>}, {transform_indices = @transform_3, window_bounds = array<i64: 1, 10000, 128>}, {transform_indices = @transform_4, window_bounds = array<i64: 1, 1, 10000>}, {pipeline_mode = #tpu.pipeline_mode<synchronous>, transform_indices = @transform_5, window_bounds = array<i64: 128, 128>}, {pipeline_mode = #tpu.pipeline_mode<synchronous>, transform_indices = @transform_6, window_bounds = array<i64: 1, 128>}, {pipeline_mode = #tpu.pipeline_mode<synchronous>, transform_indices = @transform_7, window_bounds = array<i64: 128, 128>}, {pipeline_mode = #tpu.pipeline_mode<synchronous>, transform_indices = @transform_8, window_bounds = array<i64: 1, 128>}, {pipeline_mode = #tpu.pipeline_mode<synchronous>, transform_indices = @transform_9, window_bounds = array<i64: 128, 64>}, {pipeline_mode = #tpu.pipeline_mode<synchronous>, transform_indices = @transform_10, window_bounds = array<i64: 1, 64>}, {pipeline_mode = #tpu.pipeline_mode<synchronous>, transform_indices = @transform_11, window_bounds = array<i64: 64, 10>}, {pipeline_mode = #tpu.pipeline_mode<synchronous>, transform_indices = @transform_12, window_bounds = array<i64: 1, 10>}, {pipeline_mode = #tpu.pipeline_mode<synchronous>, transform_indices = @transform_13, window_bounds = array<i64: 32, 10>}]} {
    %eq3A = arith.constant 0 : i32
    %eq3A_0 = arith.cmpi eq, %arg0, %eq3A : i32
    %convert_element_type3A = arith.extui %eq3A_0 : i1 to i32
    %cond3A = arith.constant 0 : i32
    %cond3A_1 = arith.cmpi ne, %convert_element_type3A, %cond3A : i32
    scf.if %cond3A_1 {
      %broadcast_in_dim3A_66 = arith.constant 0.000000e+00 : f32
      %broadcast_in_dim3A_67 = vector.broadcast %broadcast_in_dim3A_66 : f32 to vector<32x128xf32>
      %swap3A_68 = arith.constant 0 : index
      %swap3A_69 = arith.constant 0 : index
      %swap3A_70 = vector.load %arg15[%swap3A_68, %swap3A_69] : memref<32x128xf32, #tpu.memory_space<vmem>>, vector<32x128xf32>
      tpu.vector_store %arg15[%swap3A_68, %swap3A_69], %broadcast_in_dim3A_67 {strides = array<i32>} : memref<32x128xf32, #tpu.memory_space<vmem>>, vector<32x128xf32>,
      %broadcast_in_dim3A_71 = arith.constant 0.000000e+00 : f32
      %broadcast_in_dim3A_72 = vector.broadcast %broadcast_in_dim3A_71 : f32 to vector<32x128xf32>
      %swap3A_73 = arith.constant 0 : index
      %swap3A_74 = arith.constant 0 : index
      %swap3A_75 = vector.load %arg16[%swap3A_73, %swap3A_74] : memref<32x128xf32, #tpu.memory_space<vmem>>, vector<32x128xf32>
      tpu.vector_store %arg16[%swap3A_73, %swap3A_74], %broadcast_in_dim3A_72 {strides = array<i32>} : memref<32x128xf32, #tpu.memory_space<vmem>>, vector<32x128xf32>,
    } else {
    }
    %get3A = arith.constant 0 : index
    %get3A_2 = arith.constant 0 : index
    %get3A_3 = vector.load %arg1[%get3A, %get3A_2] : memref<1x1xf32, #tpu.memory_space<vmem>>, vector<1x1xf32>
    %get3A_4 = vector.extract %get3A_3[0, 0] : f32 from vector<1x1xf32>
    %add3A = arith.constant 1.000000e+00 : f32
    %add3A_5 = arith.addf %add3A, %get3A_4 : f32
    %get3A_6 = arith.constant 0 : index
    %get3A_7 = arith.constant 0 : index
    %get3A_8 = vector.load %arg2[%get3A_6, %get3A_7] : memref<10000x128xf32, #tpu.memory_space<vmem>>, vector<10000x128xf32>
    %mul3A = vector.broadcast %add3A_5 : f32 to vector<10000x128xf32>
    %mul3A_9 = arith.mulf %mul3A, %get3A_8 : vector<10000x128xf32>
    %get3A_10 = arith.constant 0 : index
    %get3A_11 = arith.constant 0 : index
    %get3A_12 = arith.constant 0 : index
    %get3A_13 = vector.load %arg3[%get3A_10, %get3A_11, %get3A_12] : memref<1x10000x128xf32, #tpu.memory_space<vmem>>, vector<1x10000x128xf32>
    %get3A_14 = vector.shape_cast %get3A_13 : vector<1x10000x128xf32> to vector<10000x128xf32>
    %add3A_15 = arith.addf %mul3A_9, %get3A_14 : vector<10000x128xf32>
    %get3A_16 = arith.constant 0 : index
    %get3A_17 = arith.constant 0 : index
    %get3A_18 = arith.constant 0 : index
    %get3A_19 = vector.load %arg4[%get3A_16, %get3A_17, %get3A_18] : memref<1x10000x128xf32, #tpu.memory_space<vmem>>, vector<1x10000x128xf32>
    %get3A_20 = vector.shape_cast %get3A_19 : vector<1x10000x128xf32> to vector<10000x128xf32>
    %add3A_21 = arith.addf %add3A_15, %get3A_20 : vector<10000x128xf32>
    %get3A_22 = arith.constant 0 : index
    %get3A_23 = arith.constant 0 : index
    %get3A_24 = vector.load %arg6[%get3A_22, %get3A_23] : memref<128x128xf32, #tpu.memory_space<vmem>>, vector<128x128xf32>
    %dot_general3A = arith.constant dense<0.000000e+00> : vector<10000x128xf32>
    %dot_general3A_25 = tpu.matmul %add3A_21, %get3A_24, %dot_general3A {dimension_numbers = #tpu.dot_dimension_numbers<[1], [0], [0], [1], [0, 0, 1, 1], [], []>, transpose_lhs_hint = false} : vector<10000x128xf32>, vector<128x128xf32>, vector<10000x128xf32> -> vector<10000x128xf32>
    %get3A_26 = arith.constant 0 : index
    %get3A_27 = arith.constant 0 : index
    %get3A_28 = vector.load %arg7[%get3A_26, %get3A_27] : memref<1x128xf32, #tpu.memory_space<vmem>>, vector<1x128xf32>
    %add3A_29 = vector.broadcast %get3A_28 : vector<1x128xf32> to vector<10000x128xf32>
    %add3A_30 = arith.addf %dot_general3A_25, %add3A_29 : vector<10000x128xf32>
    %max3A = arith.constant 0.000000e+00 : f32
    %max3A_31 = vector.broadcast %max3A : f32 to vector<10000x128xf32>
    %max3A_32 = arith.maximumf %add3A_30, %max3A_31 : vector<10000x128xf32>
    %iota3A = tpu.iota {dimensions = array<i32: 0>} : vector<32x10000xi32>
    %get3A_33 = arith.constant 0 : index
    %get3A_34 = arith.constant 0 : index
    %get3A_35 = arith.constant 0 : index
    %get3A_36 = vector.load %arg5[%get3A_33, %get3A_34, %get3A_35] : memref<1x1x10000xi32, #tpu.memory_space<vmem>>, vector<1x1x10000xi32>
    %get3A_37 = vector.shape_cast %get3A_36 : vector<1x1x10000xi32> to vector<10000xi32>
    %broadcast_in_dim3A = vector.shape_cast %get3A_37 : vector<10000xi32> to vector<1x10000xi32>
    %eq3A_38 = vector.broadcast %broadcast_in_dim3A : vector<1x10000xi32> to vector<32x10000xi32>
    %eq3A_39 = arith.cmpi eq, %iota3A, %eq3A_38 : vector<32x10000xi32>
    %convert_element_type3A_40 = arith.extui %eq3A_39 : vector<32x10000xi1> to vector<32x10000xi32>
    %convert_element_type3A_41 = arith.sitofp %convert_element_type3A_40 : vector<32x10000xi32> to vector<32x10000xf32>
    %get3A_42 = arith.constant 0 : index
    %get3A_43 = arith.constant 0 : index
    %get3A_44 = vector.load %arg15[%get3A_42, %get3A_43] : memref<32x128xf32, #tpu.memory_space<vmem>>, vector<32x128xf32>
    %dot_general3A_45 = arith.constant dense<0.000000e+00> : vector<32x128xf32>
    %dot_general3A_46 = tpu.matmul %convert_element_type3A_41, %max3A_32, %dot_general3A_45 {dimension_numbers = #tpu.dot_dimension_numbers<[1], [0], [0], [1], [0, 0, 1, 1], [], []>, transpose_lhs_hint = false} : vector<32x10000xf32>, vector<10000x128xf32>, vector<32x128xf32> -> vector<32x128xf32>
    %add3A_47 = arith.addf %get3A_44, %dot_general3A_46 : vector<32x128xf32>
    %swap3A = arith.constant 0 : index
    %swap3A_48 = arith.constant 0 : index
    %swap3A_49 = vector.load %arg15[%swap3A, %swap3A_48] : memref<32x128xf32, #tpu.memory_space<vmem>>, vector<32x128xf32>
    tpu.vector_store %arg15[%swap3A, %swap3A_48], %add3A_47 {strides = array<i32>} : memref<32x128xf32, #tpu.memory_space<vmem>>, vector<32x128xf32>,
    %get3A_50 = arith.constant 0 : index
    %get3A_51 = arith.constant 0 : index
    %get3A_52 = vector.load %arg16[%get3A_50, %get3A_51] : memref<32x128xf32, #tpu.memory_space<vmem>>, vector<32x128xf32>
    %reduce_sum3A = arith.constant dense<0.000000e+00> : vector<32xf32>
    %reduce_sum3A_53 = vector.multi_reduction <add>, %convert_element_type3A_41, %reduce_sum3A [1] : vector<32x10000xf32> to vector<32xf32>
    %broadcast_in_dim3A_54 = vector.shape_cast %reduce_sum3A_53 : vector<32xf32> to vector<32x1xf32>
    %broadcast_in_dim3A_55 = vector.shape_cast %broadcast_in_dim3A_54 : vector<32x1xf32> to vector<32x1xf32>
    %broadcast_in_dim3A_56 = vector.broadcast %broadcast_in_dim3A_55 : vector<32x1xf32> to vector<32x128xf32>
    %add3A_57 = arith.addf %get3A_52, %broadcast_in_dim3A_56 : vector<32x128xf32>
    %swap3A_58 = arith.constant 0 : index
    %swap3A_59 = arith.constant 0 : index
    %swap3A_60 = vector.load %arg16[%swap3A_58, %swap3A_59] : memref<32x128xf32, #tpu.memory_space<vmem>>, vector<32x128xf32>
    tpu.vector_store %arg16[%swap3A_58, %swap3A_59], %add3A_57 {strides = array<i32>} : memref<32x128xf32, #tpu.memory_space<vmem>>, vector<32x128xf32>,
    %eq3A_61 = arith.constant 0 : i32
    %eq3A_62 = arith.cmpi eq, %arg0, %eq3A_61 : i32
    %convert_element_type3A_63 = arith.extui %eq3A_62 : i1 to i32
    %cond3A_64 = arith.constant 0 : i32
    %cond3A_65 = arith.cmpi ne, %convert_element_type3A_63, %cond3A_64 : i32
    scf.if %cond3A_65 {
      %get3A_66 = arith.constant 0 : index
      %get3A_67 = arith.constant 0 : index
      %get3A_68 = vector.load %arg15[%get3A_66, %get3A_67] : memref<32x128xf32, #tpu.memory_space<vmem>>, vector<32x128xf32>
      %get3A_69 = arith.constant 0 : index
      %get3A_70 = arith.constant 0 : index
      %get3A_71 = vector.load %arg8[%get3A_69, %get3A_70] : memref<128x128xf32, #tpu.memory_space<vmem>>, vector<128x128xf32>
      %dot_general3A_72 = arith.constant dense<0.000000e+00> : vector<32x128xf32>
      %dot_general3A_73 = tpu.matmul %get3A_68, %get3A_71, %dot_general3A_72 {dimension_numbers = #tpu.dot_dimension_numbers<[1], [0], [0], [1], [0, 0, 1, 1], [], []>, transpose_lhs_hint = false} : vector<32x128xf32>, vector<128x128xf32>, vector<32x128xf32> -> vector<32x128xf32>
      %get3A_74 = arith.constant 0 : index
      %get3A_75 = arith.constant 0 : index
      %get3A_76 = vector.load %arg16[%get3A_74, %get3A_75] : memref<32x128xf32, #tpu.memory_space<vmem>>, vector<32x128xf32>
      %get3A_77 = arith.constant 0 : index
      %get3A_78 = arith.constant 0 : index
      %get3A_79 = vector.load %arg9[%get3A_77, %get3A_78] : memref<1x128xf32, #tpu.memory_space<vmem>>, vector<1x128xf32>
      %mul3A_80 = vector.broadcast %get3A_79 : vector<1x128xf32> to vector<32x128xf32>
      %mul3A_81 = arith.mulf %get3A_76, %mul3A_80 : vector<32x128xf32>
      %add3A_82 = arith.addf %dot_general3A_73, %mul3A_81 : vector<32x128xf32>
      %get3A_83 = arith.constant 0 : index
      %get3A_84 = arith.constant 0 : index
      %get3A_85 = vector.load %arg10[%get3A_83, %get3A_84] : memref<128x64xf32, #tpu.memory_space<vmem>>, vector<128x64xf32>
      %dot_general3A_86 = arith.constant dense<0.000000e+00> : vector<32x64xf32>
      %dot_general3A_87 = tpu.matmul %add3A_82, %get3A_85, %dot_general3A_86 {dimension_numbers = #tpu.dot_dimension_numbers<[1], [0], [0], [1], [0, 0, 1, 1], [], []>, transpose_lhs_hint = false} : vector<32x128xf32>, vector<128x64xf32>, vector<32x64xf32> -> vector<32x64xf32>
      %get3A_88 = arith.constant 0 : index
      %get3A_89 = arith.constant 0 : index
      %get3A_90 = vector.load %arg11[%get3A_88, %get3A_89] : memref<1x64xf32, #tpu.memory_space<vmem>>, vector<1x64xf32>
      %add3A_91 = vector.broadcast %get3A_90 : vector<1x64xf32> to vector<32x64xf32>
      %add3A_92 = arith.addf %dot_general3A_87, %add3A_91 : vector<32x64xf32>
      %max3A_93 = arith.constant 0.000000e+00 : f32
      %max3A_94 = vector.broadcast %max3A_93 : f32 to vector<32x64xf32>
      %max3A_95 = arith.maximumf %add3A_92, %max3A_94 : vector<32x64xf32>
      %get3A_96 = arith.constant 0 : index
      %get3A_97 = arith.constant 0 : index
      %get3A_98 = vector.load %arg12[%get3A_96, %get3A_97] : memref<64x10xf32, #tpu.memory_space<vmem>>, vector<64x10xf32>
      %dot_general3A_99 = arith.constant dense<0.000000e+00> : vector<32x10xf32>
      %dot_general3A_100 = tpu.matmul %max3A_95, %get3A_98, %dot_general3A_99 {dimension_numbers = #tpu.dot_dimension_numbers<[1], [0], [0], [1], [0, 0, 1, 1], [], []>, transpose_lhs_hint = false} : vector<32x64xf32>, vector<64x10xf32>, vector<32x10xf32> -> vector<32x10xf32>
      %get3A_101 = arith.constant 0 : index
      %get3A_102 = arith.constant 0 : index
      %get3A_103 = vector.load %arg13[%get3A_101, %get3A_102] : memref<1x10xf32, #tpu.memory_space<vmem>>, vector<1x10xf32>
      %add3A_104 = vector.broadcast %get3A_103 : vector<1x10xf32> to vector<32x10xf32>
      %add3A_105 = arith.addf %dot_general3A_100, %add3A_104 : vector<32x10xf32>
      %swap3A_106 = arith.constant 0 : index
      %swap3A_107 = arith.constant 0 : index
      %swap3A_108 = vector.load %arg14[%swap3A_106, %swap3A_107] : memref<32x10xf32, #tpu.memory_space<vmem>>, vector<32x10xf32>
      tpu.vector_store %arg14[%swap3A_106, %swap3A_107], %add3A_105 {strides = array<i32>} : memref<32x10xf32, #tpu.memory_space<vmem>>, vector<32x10xf32>,
    } else {
    }
    return
  }
  func.func @transform_0(%arg0: i32) -> (i32, i32) {
    %c0_i32 = arith.constant 0 : i32
    %c0_i32_0 = arith.constant 0 : i32
    %c0_i32_1 = arith.constant 0 : i32
    return %c0_i32, %c0_i32_0 : i32, i32
  }
  func.func @transform_1(%arg0: i32) -> (i32, i32) {
    %c0_i32 = arith.constant 0 : i32
    %c0_i32_0 = arith.constant 0 : i32
    return %arg0, %c0_i32 : i32, i32
  }
  func.func @transform_2(%arg0: i32) -> (i32, i32, i32) {
    %c0_i32 = arith.constant 0 : i32
    %c0_i32_0 = arith.constant 0 : i32
    %c0_i32_1 = arith.constant 0 : i32
    return %c0_i32, %arg0, %c0_i32_0 : i32, i32, i32
  }
  func.func @transform_3(%arg0: i32) -> (i32, i32, i32) {
    %c1_i32 = arith.constant 1 : i32
    %c0_i32 = arith.constant 0 : i32
    %c0_i32_0 = arith.constant 0 : i32
    return %c1_i32, %arg0, %c0_i32 : i32, i32, i32
  }
  func.func @transform_4(%arg0: i32) -> (i32, i32, i32) {
    %c0_i32 = arith.constant 0 : i32
    %c0_i32_0 = arith.constant 0 : i32
    %c0_i32_1 = arith.constant 0 : i32
    return %arg0, %c0_i32, %c0_i32_0 : i32, i32, i32
  }
  func.func @transform_5(%arg0: i32) -> (i32, i32) {
    %c0_i32 = arith.constant 0 : i32
    %c0_i32_0 = arith.constant 0 : i32
    %c0_i32_1 = arith.constant 0 : i32
    return %c0_i32, %c0_i32_0 : i32, i32
  }
  func.func @transform_6(%arg0: i32) -> (i32, i32) {
    %c0_i32 = arith.constant 0 : i32
    %c0_i32_0 = arith.constant 0 : i32
    %c0_i32_1 = arith.constant 0 : i32
    return %c0_i32, %c0_i32_0 : i32, i32
  }
  func.func @transform_7(%arg0: i32) -> (i32, i32) {
    %c0_i32 = arith.constant 0 : i32
    %c0_i32_0 = arith.constant 0 : i32
    %c0_i32_1 = arith.constant 0 : i32
    return %c0_i32, %c0_i32_0 : i32, i32
  }
  func.func @transform_8(%arg0: i32) -> (i32, i32) {
    %c0_i32 = arith.constant 0 : i32
    %c0_i32_0 = arith.constant 0 : i32
    %c0_i32_1 = arith.constant 0 : i32
    return %c0_i32, %c0_i32_0 : i32, i32
  }
  func.func @transform_9(%arg0: i32) -> (i32, i32) {
    %c0_i32 = arith.constant 0 : i32
    %c0_i32_0 = arith.constant 0 : i32
    %c0_i32_1 = arith.constant 0 : i32
    return %c0_i32, %c0_i32_0 : i32, i32
  }
  func.func @transform_10(%arg0: i32) -> (i32, i32) {
    %c0_i32 = arith.constant 0 : i32
    %c0_i32_0 = arith.constant 0 : i32
    %c0_i32_1 = arith.constant 0 : i32
    return %c0_i32, %c0_i32_0 : i32, i32
  }
  func.func @transform_11(%arg0: i32) -> (i32, i32) {
    %c0_i32 = arith.constant 0 : i32
    %c0_i32_0 = arith.constant 0 : i32
    %c0_i32_1 = arith.constant 0 : i32
    return %c0_i32, %c0_i32_0 : i32, i32
  }
  func.func @transform_12(%arg0: i32) -> (i32, i32) {
    %c0_i32 = arith.constant 0 : i32
    %c0_i32_0 = arith.constant 0 : i32
    %c0_i32_1 = arith.constant 0 : i32
    return %c0_i32, %c0_i32_0 : i32, i32
  }
  func.func @transform_13(%arg0: i32) -> (i32, i32) {
    %c0_i32 = arith.constant 0 : i32
    %c0_i32_0 = arith.constant 0 : i32
    %c0_i32_1 = arith.constant 0 : i32
    return %c0_i32, %c0_i32_0 : i32, i32
  }
}

</mosaic_0001>

<sc_bundles>
// kernel: kernel.11.cloned.1.call-start
scs
__scs_entry_jumppad:
0x0: {  	(pc) =	sbr.rel $0x88, $3  }
0x1: {  	(tag) =	ssettag $0x0;
	lr =	simm.s32 $0x1  }
0x2: {  	[smem:$0x3F8B] =	sst lr;
	_ =	strace $0xD0000000  }
0x3: {  	_ = 	snop  }
0x4: {  	_ = 	snop  }
0x5: {  	_ = 	snop  }
0x6: {  	_ = 	snop  }
0x7: {  	_ = 	snop  }
__scs_overlays_trampoline_lowered:
0x8: {  	[smem:$0x3F9A] =	sst s0  }
0x9: {  	[smem:$0x3F9B] =	sst s1  }
0xa: {  	[smem:$0x3F9C] =	sst s2  }
0xb: {  	[smem:$0x3F9D] =	sst s3  }
0xc: {  	[smem:$0x3F9E] =	sst s4  }
0xd: {  	[smem:$0x3F9F] =	sst s5  }
0xe: {  	[smem:$0x3FA0] =	sst s6  }
0xf: {  	[smem:$0x3FA1] =	sst s7  }
0x10: {  	[smem:$0x3FA2] =	sst s8  }
0x11: {  	[smem:$0x3FA3] =	sst s9;
	s0 =	simm.s32 @!p0 $0x0  }
0x12: {  	s1 =	sld [smem:$0x3F89];
	s0 =	simm.s32 @p0 $0x1  }
0x13: {  	[smem:$0x3FA4] =	sst s0;
	s0 =	simm.s32 @!p1 $0x0  }
0x14: {  	s2 =	sld [smem:$0x3F88];
	s0 =	simm.s32 @p1 $0x1  }
0x15: {  	[smem:$0x3FA5] =	sst s0;
	s0 =	simm.s32 @!p2 $0x0  }
0x16: {  	s3 =	sld [smem:$0x3FDB];
	s0 =	simm.s32 @p2 $0x1  }
0x17: {  	s4 =	simm.s32 $0x1BF5;
	[smem:$0x3FA7] =	sst s0  }
0x18: {  	s0 =	sld [smem:$0x3F8A];
	_ =	swait.ge [sflag:s4], $0x0  }
0x19: {  	s7 =	sld [smem:$0x3F8B]  }
0x1a: {  	s8 =	sadd.s32 $0xFFFFE003, lr  }
0x1b: {  	s9 =	sadd.s32 $0xFFFFFEF7, lr;
	s5 =	simm.s32 $0xFFFFFFFF;
	p2 =	slt.u32 s8, $0xFFFFF086  }
0x1c: {  	p1 =	slt.u32 s9, $0xF7A;
	s5 =	simm.s32 @!p2 $0x0  }
0x1d: {  	s5 =	simm.s32 @p1 $0x1;
	p0 =	seq.s32 s7, s2  }
0x1e: {  	s7 =	smul.u32 @!p0 $0xF7A, s2;
	p2 =	seq.s32 @!p0 s5, $0x0  }
0x1f: {  	s9 =	smul.u32 $0xF7A, s1;
	s8 =	simm.s32 @!p0 $0x1BF5;
	p2 =	por !p2, p0  }
0x20: {  	[sflag:s8] =	ssyncset.s32 @!p0 $0xFFFFF086;
	s6 =	sadd.s32 @!p0 s3, s7;
	s7 =	simm.s32 @!p0 $0x108  }
0x21: {  	s3 =	sadd.s32 s3, s9;
	s6 =	sadd.s32 @!p0 $0x88, s6;
	s7 =	simm.s32 @p2 $0x1082  }
0x22: {  	[simem:s7], [sflag:s8] =	dma.local @!p0 [hbm:s6], $0xF7A  }
0x23: {  	s9 =	sor.u32 $0xD0000000, s2;
	s6 =	simm.s32 $0x108;
	_ =	swait.ge @!p0 [sflag:s8], $0x0  }
0x24: {  	s3 =	sadd.s32 $0x88, s3;
	s6 =	simm.s32 @!p1 $0x1082;
	[sflag:s4] =	ssyncset.s32 $0xFFFFF086  }
0x25: {  	[simem:s6], [sflag:s4] =	dma.local [hbm:s3], $0xF7A  }
0x26: {  	[smem:$0x3F8B] =	sst s1;
	(tag) =	ssettag s2;
	_ =	strace s9  }
0x27: {  	s1 =	sld [smem:$0x3F9B]  }
0x28: {  	s2 =	sld [smem:$0x3F9C]  }
0x29: {  	s4 =	sld [smem:$0x3F9E]  }
0x2a: {  	p0 =	seq.s32 s5, $0x0;
	s5 =	sld [smem:$0x3F9F]  }
0x2b: {  	s6 =	sld [smem:$0x3FA0]  }
0x2c: {  	s7 =	sld [smem:$0x3FA1]  }
0x2d: {  	s3 =	simm.s32 $0x108;
	s8 =	sld [smem:$0x3FA2]  }
0x2e: {  	s3 =	simm.s32 @!p0 $0x1082;
	s9 =	sld [smem:$0x3FA3]  }
0x2f: {  	lr =	sadd.s32 s0, s3;
	s0 =	sld [smem:$0x3F9A]  }
0x30: {  	s3 =	sld [smem:$0x3F9D]  }
0x31: {  	[smem:$0x3FA6] =	sst s10  }
0x32: {  	s10 =	sld [smem:$0x3FA4];
	_ =	sdelay $0x3  }
0x33: {  	p0 =	seq.s32 s10, $0x1;
	s10 =	sld [smem:$0x3FA6];
	_ =	sdelay $0x3  }
0x34: {  	[smem:$0x3FA6] =	sst s10  }
0x35: {  	s10 =	sld [smem:$0x3FA5];
	_ =	sdelay $0x3  }
0x36: {  	p1 =	seq.s32 s10, $0x1;
	s10 =	sld [smem:$0x3FA6];
	_ =	sdelay $0x3  }
0x37: {  	[smem:$0x3FA6] =	sst s10  }
0x38: {  	s10 =	sld [smem:$0x3FA7]  }
0x39: {  	_ = 	snop;
	(pc) =	sbr.ind lr, $3  }
0x3a: {  	_ = 	snop  }
0x3b: {  	_ = 	snop  }
0x3c: {  	p2 =	seq.s32 s10, $0x1;
	s10 =	sld [smem:$0x3FA6]  }
0x3d: {  	_ =	shalt  }
0x3e: {  	_ =	shalt  }
0x3f: {  	_ =	shalt  }
0x40: {  	_ =	shalt  }
0x41: {  	_ =	shalt  }
0x42: {  	_ =	shalt  }
0x43: {  	_ =	shalt  }
0x44: {  	_ =	shalt  }
0x45: {  	_ =	shalt  }
0x46: {  	_ =	shalt  }
0x47: {  	_ =	shalt  }
0x48: {  	_ =	shalt  }
0x49: {  	_ =	shalt  }
0x4a: {  	_ =	shalt  }
0x4b: {  	_ =	shalt  }
0x4c: {  	_ =	shalt  }
0x4d: {  	_ =	shalt  }
0x4e: {  	_ =	shalt  }
0x4f: {  	_ =	shalt  }
0x50: {  	_ =	shalt  }
0x51: {  	_ =	shalt  }
0x52: {  	_ =	shalt  }
0x53: {  	_ =	shalt  }
0x54: {  	_ =	shalt  }
0x55: {  	_ =	shalt  }
0x56: {  	_ =	shalt  }
0x57: {  	_ =	shalt  }
0x58: {  	_ =	shalt  }
0x59: {  	_ =	shalt  }
0x5a: {  	_ =	shalt  }
0x5b: {  	_ =	shalt  }
0x5c: {  	_ =	shalt  }
0x5d: {  	_ =	shalt  }
0x5e: {  	_ =	shalt  }
0x5f: {  	_ =	shalt  }
0x60: {  	_ =	shalt  }
0x61: {  	_ =	shalt  }
0x62: {  	_ =	shalt  }
0x63: {  	_ =	shalt  }
0x64: {  	_ =	shalt  }
0x65: {  	_ =	shalt  }
0x66: {  	_ =	shalt  }
0x67: {  	_ =	shalt  }
0x68: {  	_ =	shalt  }
0x69: {  	_ =	shalt  }
0x6a: {  	_ =	shalt  }
0x6b: {  	_ =	shalt  }
0x6c: {  	_ =	shalt  }
0x6d: {  	_ =	shalt  }
0x6e: {  	_ =	shalt  }
0x6f: {  	_ =	shalt  }
0x70: {  	_ =	shalt  }
0x71: {  	_ =	shalt  }
0x72: {  	_ =	shalt  }
0x73: {  	_ =	shalt  }
0x74: {  	_ =	shalt  }
0x75: {  	_ =	shalt  }
0x76: {  	_ =	shalt  }
0x77: {  	_ =	shalt  }
0x78: {  	_ =	shalt  }
0x79: {  	_ =	shalt  }
0x7a: {  	_ =	shalt  }
0x7b: {  	_ =	shalt  }
0x7c: {  	_ =	shalt  }
0x7d: {  	_ =	shalt  }
0x7e: {  	_ =	shalt  }
0x7f: {  	_ =	shalt  }
0x80: {  	_ =	shalt  }
0x81: {  	_ =	shalt  }
0x82: {  	_ =	shalt  }
0x83: {  	_ =	shalt  }
0x84: {  	_ =	shalt  }
0x85: {  	_ =	shalt  }
0x86: {  	_ =	shalt  }
0x87: {  	_ =	shalt  }
.Lfunc_end0:
.L_simem_size_0:
called_computation.1_lowered:
.L_overlay_start_0:
0x88: {  	s2 =	sld [smem:$0x3FD9]  }
0x89: {  	s3 =	sld [smem:$0x3FFE];
	_ =	sdelay $0x1  }
0x8a: {  	s1 =	srdreg.scid  }
0x8b: {  	s0 =	sand.u32 $0x1, s1  }
0x8c: {  	s16 =	sshll.u32 s0, $0xA;
	s2 =	sadd.s32 s3, s2  }
0x8d: {  	s2 =	sadd.s32 s2, s16  }
0x8e: {  	[smem:$0x3FB2] =	sst s2  }
0x8f: {  	_ = 	snop  }
0x90: {  	(tm) =	ssettm $0x1  }
0x91: {  	s17 =	sld [smem:$0x3FFB];
	_ =	sdelay $0x3  }
0x92: {  	_ =	strace s17  }
0x93: {  	s2 =	sld [smem:$0x3FFC];
	_ =	sdelay $0x3  }
0x94: {  	_ =	strace s2  }
0x95: {  	s2 =	sld [smem:$0x3FFD];
	_ =	sdelay $0x3  }
0x96: {  	_ =	strace s2  }
0x97: {  	_ =	strace $0x8FFFFFFF  }
0x98: {  	s18 =	sld [smem:$0x3FDB];
	_ =	sdelay $0x1  }
0x99: {  	s19 =	simm.s32 $_scs_section_size  }
0x9a: {  	s4 =	simm.s32 $_size__tile_overlayer_lowered;
	s5 =	simm.s32 $_tile_overlayer_lowered  }
0x9b: {  	s22 =	simm.s32 $0x1BFF;
	s21 =	sshll.u32 s5, $0x1;
	s2 =	sadd.s32 s19, s18  }
0x9c: {  	s6 =	simm.s32 $0x0;
	s20 =	sshll.u32 s4, $0x1;
	s4 =	sadd.s32 s21, s2  }
0x9d: {  	[timem:s6], [sflag:s22] =	dma.local [hbm:s4], s20  }
0x9e: {  	_ =	swait.ge [sflag:s22], s20  }
0x9f: {  	s3 =	ssub.s32 $0x0, s20;
	[sflag:s22] =	ssyncset.done $0x0  }
0xa0: {  	[sflag:s22] =	ssyncadd.s32 s3;
	_ =	sdelay $0x1  }
0xa1: {  	s23 =	simm.s32 $0x1B8B  }
0xa2: {  	_ =	swait.ge [sflag:s23], $0x1  }
0xa3: {  	[sflag:s23] =	ssyncset.done $0x0  }
0xa4: {  	s25 =	simm.s32 $0x1B8E;
	s24 =	sld [smem:$0x3FFE];
	[sflag:s23] =	ssyncadd.s32 $0xFFFFFFFF  }
0xa5: {  	s26 =	simm.s32 $execute0_lowered;
	[smem:$0x3FD2] =	sst s25  }
0xa6: {  	s4 =	sshll.u32 s26, $0x1;
	_ =	strace $0x80000049;
	[dreg:$0x1] =	wrdreg $0xFFFFFFFF  }
0xa7: {  	s28 =	simm.s32 $_size_execute0_lowered;
	s2 =	sadd.s32 s2, s4;
	[dreg:$0x0] =	wrdreg $0x0  }
0xa8: {  	s4 =	sshll.u32 s28, $0x1;
	[dreg:$0x2] =	wrdreg s2  }
0xa9: {  	[dreg:$0x3] =	wrdreg s4  }
0xaa: {  	[dreg:$0x4] =	wrdreg $0xC0  }
0xab: {  	_ =	task [dreg:s6], $0x5FFFF  }
0xac: {  	[dreg:$0x1] =	wrdreg $0xFFFFFFFF  }
0xad: {  	[dreg:$0x0] =	wrdreg $0x60  }
0xae: {  	[dreg:$0x2] =	wrdreg s24  }
0xaf: {  	[dreg:$0x3] =	wrdreg $0x80000  }
0xb0: {  	[dreg:$0x4] =	wrdreg $0x9  }
0xb1: {  	_ =	task.clear_ibuf [dreg:s6], $0x5FFFF;
	_ =	strace $0x90000049  }
0xb2: {  	s29 =	simm.s32 $0x9;
	_ =	strace $0x8000004B  }
0xb3: {  	_ =	swait.ge [sflag:s29], $0x1  }
0xb4: {  	[sflag:s29] =	ssyncadd.s32 $0xFFFFFFFF  }
0xb5: {  	_ =	strace $0x9000004B  }
0xb6: {  	_ =	sfence  }
0xb7: {  	s30 =	sld [smem:$0x0];
	_ =	sdelay $0x2  }
0xb8: {  	s31 =	sshll.u32 s1, $0xD;
	s1 =	sshrl.u32 s1, $0x2  }
0xb9: {  	s3 =	sand.u32 $0x4000, s31;
	s1 =	sadd.s32 s1, s30  }
0xba: {  	s0 =	sor.u32 s3, s0;
	s1 =	sshll.u32 s1, $0x11  }
0xbb: {  	s0 =	sor.u32 s1, s0  }
0xbc: {  	s0 =	sadd.s32 $0x8F2B, s0  }
0xbd: {  	[sflag:s0] =	ssyncadd.remote.s32 $0x1  }
0xbe: {  	_ =	sfence.sel $0xFFFF  }
0xbf: {  	[dreg:$0x0] =	wrdreg $0xFFFFFFFF;
	(pc) =	sbr.abs _section_cstart, $3  }
0xc0: {  	[dreg:$0x1] =	wrdreg $0xFFFFFFFF  }
0xc1: {  	_ =	task.clear_ibuf [dreg:s6], $0x2FFFF;
	_ =	strace $0x9FFFFFFF  }
0xc2: {  	(tm) =	ssettm $0x7FFFFFFF  }
0xc3: {  	_ =	shalt  }
tec
execute0_lowered:
.L_overlay_start_1:
0x0: {  	(tag) =	ssettag $0x1  }
0x1: {  	s8 =	rddreg [dreg:$0x0]  }
0x2: {  	s1 =	rddreg [dreg:$0x1];
	s3 =	simm.s32 $0x0;
	s2 =	srdreg.scid  }
0x3: {  	s0 =	stileid.u32;
	s18 =	simm.s32 $0x4;
	s22 =	simm.s32 $0x78  }
0x4: {  	s23 =	simm.s32 $0x800;
	s28 =	simm.s32 $0x1;
	s29 =	simm.s32 $0x0  }
0x5: {  	[smem:$0x7FF] =	sst s3;
	s9 =	sand.u32 $0x1, s2;
	s11 =	smul.u32 $0x13C00, s0  }
0x6: {  	s4 =	sadd.s32 $0x1B600, s8;
	s5 =	sadd.s32 $0x3E00, s8;
	s6 =	sadd.s32 $0xE600, s8  }
0x7: {  	s7 =	sadd.s32 $0x18E00, s8;
	s24 =	sshll.u32 s0, $0x1;
	s25 =	smul.u32 $0x4F000, s0  }
0x8: {  	s10 =	smul.u32 $0x13C000, s9;
	s12 =	ssub.s32 $0x2, s9;
	s9 =	sor.u32 s9, s24  }
0x9: {  	_ =	strace $0x8000004A;
	s13 =	sshrl.u32 s12, $0x1;
	s14 =	smul.u32 $0x2A00, s9  }
0xa: {  	s26 =	sshrl.u32 s25, $0x2;
	s25 =	simm.s32 $0x4400;
	s10 =	sadd.s32 s11, s10  }
0xb: {  	s16 =	ssub.s32 s12, s13;
	s17 =	sadd.s32 s26, s1;
	s26 =	simm.s32 $0x2  }
.Ltmp0:
0xc: {  	s10 =	sshrl.u32 s10, $0x3;
	s30 =	sshrl.u32 s14, $0x3;
	(pc) =	sbr.rel .LBB2_1-.Ltmp0, $4  }
0xd: {  	s14 =	sadd.s32 $0x400, s14;
	s16 =	smax.u32 s16, $0x1;
	s17 =	sshrl.u32 s17, $0x3  }
0xe: {  	s15 =	sadd.s32 s10, s8;
	s8 =	sshll.u32 s0, $0x6;
	s10 =	sadd.s32 s5, s30  }
0xf: {  	s31 =	sadd.s32 $0x40, s30;
	s11 =	sadd.s32 s6, s30;
	s9 =	sor.u32 $0x1C02, s8  }
0x10: {  	s12 =	sadd.s32 s5, s31;
	s13 =	sadd.s32 s6, s31;
	s15 =	sadd.s32 $0x42800, s15  }
.LBB2_3:
0x11: {  	_ =	swait.ge [sflag:s26], $0x3C00  }
0x12: {  	[sflag:s26] =	ssyncset.done $0x0  }
0x13: {  	[sflag:s26] =	ssyncadd.s32 $0xFFFFC400  }
0x14: {  	_ =	swait.ge [sflag:s26], $0x3C00  }
0x15: {  	[sflag:s26] =	ssyncset.done $0x0  }
0x16: {  	[sflag:s26] =	ssyncadd.s32 $0xFFFFC400  }
.LBB2_5:
0x17: {  	s29 =	sadd.s32 $0x1, s29  }
0x18: {  	p0 =	sne.s32 s29, s16  }
.Ltmp1:
0x19: {  	[bflag:$0x0] =	sbarrier.arrive $0xFFFF;
	s0 =	sor.u32 $0x1C04, s8;
	(pc) =	sbr.rel @!p0 .LBB2_6-.Ltmp1, $4  }
0x1a: {  	[hbm:s15], [sflag:s0] =	dma.local [spmem:s17], $0x2780  }
0x1b: {  	_ =	swait.ge [sflag:s18], $0x2780  }
0x1c: {  	[sflag:s18] =	ssyncset.done $0x0  }
0x1d: {  	[sflag:s18] =	ssyncadd.s32 $0xFFFFD880  }
.LBB2_1:
0x1e: {  	[spmem:s17], [sflag:s9] =	dma.local [hbm:s7], $0x2780  }
0x1f: {  	[tilespmem:s3], [sflag:$0x4] =	stream.linear.gather [hbm4b:s10+s3], $0x200, $0x38;
	[tilespmem:$0x1BC00] =	vst v63  }
0x20: {  	_ =	swait.ge [sflag:s18], $0x200  }
0x21: {  	[sflag:s18] =	ssyncset.done $0x0  }
0x22: {  	s0 =	simm.s32 $0x400;
	[sflag:s18] =	ssyncadd.s32 $0xFFFFFE00  }
0x23: {  	[tilespmem:s0], [sflag:$0x4] =	stream.linear.gather [hbm4b:s11+s3], $0x200, $0x38;
	[tilespmem:$0x1BC00] =	vst v63  }
0x24: {  	_ =	swait.ge [sflag:s18], $0x200  }
0x25: {  	[sflag:s18] =	ssyncset.done $0x0  }
0x26: {  	s20 =	simm.s32 $0x200;
	[sflag:s18] =	ssyncadd.s32 $0xFFFFFE00  }
0x27: {  	[tilespmem:s20], [sflag:$0x3] =	stream.linear.gather [hbm4b:s12+s3], $0x200, $0x38;
	[tilespmem:$0x1BC00] =	vst v63  }
0x28: {  	s21 =	simm.s32 $0x600  }
0x29: {  	[tilespmem:s21], [sflag:$0x3] =	stream.linear.gather [hbm4b:s13+s3], $0x200, $0x38;
	[tilespmem:$0x1BC00] =	vst v63  }
0x2a: {  	_ = 	snop  }
0x2b: {  	[tilespmem:s23], [sflag:$0x1] =	stream.indirect.gather [hbm4b:s4+s22], $0x80, s3, s22, $0xb8;
	[tilespmem:$0x1BC00] =	vst v63  }
0x2c: {  	s24 =	simm.s32 $0x80  }
0x2d: {  	[tilespmem:s25], [sflag:$0x1] =	stream.indirect.gather [hbm4b:s4+s22], $0x80, s24, s22, $0xb8;
	[tilespmem:$0x1BC00] =	vst v63  }
0x2e: {  	_ =	swait.ge [sflag:s26], $0x2780  }
0x2f: {  	[sflag:s26] =	ssyncset.done $0x0  }
0x30: {  	[sflag:s26] =	ssyncadd.s32 $0xFFFFD880  }
0x31: {  	s30 =	simm.s32 $0x0;
	s31 =	simm.s32 $0x0;
	[bflag:$0x0] =	sbarrier.arrive $0xFFFF  }
.LBB2_2:
0x32: {  	s0 =	sand.u32 $0x1, s31;
	_ =	swait.ge [sflag:s28], $0x3C00;
	s2 =	sand.u32 $0x200, s30  }
0x33: {  	[sflag:s28] =	ssyncset.done $0x0;
	s19 =	sor.u32 $0x400, s2;
	s20 =	sshll.u32 s0, $0x8  }
0x34: {  	[sflag:s28] =	ssyncadd.s32 $0xFFFFC400;
	s20 =	sor.u32 s20, s19  }
0x35: {  	[spmem:s1] =	stream.indirect.scatter.add.f32 [tilespmem:s23], [sflag:$0x2], $0x80, s20, s22, $0xb8;
	[tilespmem:$0x1BC00] =	vst v63  }
0x36: {  	_ =	swait.ge [sflag:s28], $0x3C00  }
0x37: {  	p1 =	seq.s32 s0, $0x1;
	[sflag:s28] =	ssyncset.done $0x0  }
0x38: {  	s0 =	simm.s32 @!p1 $0x2;
	s20 =	sor.u32 $0x80, s20;
	[sflag:s28] =	ssyncadd.s32 $0xFFFFC400  }
0x39: {  	[spmem:s1] =	stream.indirect.scatter.add.f32 [tilespmem:s25], [sflag:$0x2], $0x80, s20, s22, $0xb8;
	[tilespmem:$0x1BC00] =	vst v63  }
0x3a: {  	_ =	swait.ge @!p1 [sflag:s0], $0x3C00  }
0x3b: {  	s21 =	simm.s32 @!p1 $0x78;
	[sflag:s0] =	ssyncset.done @!p1 $0x0  }
0x3c: {  	s24 =	simm.s32 @!p1 $0x800;
	s20 =	sadd.s32 @!p1 $0x100, s2;
	[sflag:s0] =	ssyncadd.s32 @!p1 $0xFFFFC400  }
0x3d: {  	[tilespmem:s24], [sflag:$0x1] =	stream.indirect.gather @!p1 [hbm4b:s4+s21], $0x80, s20, s21, $0xb8;
	[tilespmem:$0x1BC00] =	vst v63  }
0x3e: {  	p2 =	seq.s32 s31, $0x29;
	_ =	swait.ge @!p1 [sflag:s0], $0x3C00  }
0x3f: {  	p0 =	por !p1, p2;
	[sflag:s0] =	ssyncset.done @!p1 $0x0  }
0x40: {  	s20 =	simm.s32 @!p1 $0x4400;
	[sflag:s0] =	ssyncadd.s32 @!p1 $0xFFFFC400;
	s0 =	sadd.s32 @!p1 $0x180, s2  }
0x41: {  	[tilespmem:s20], [sflag:$0x1] =	stream.indirect.gather @!p1 [hbm4b:s4+s21], $0x80, s0, s21, $0xb8;
	[tilespmem:$0x1BC00] =	vst v63  }
0x42: {  	s0 =	simm.s32 @!p0 $0x2  }
0x43: {  	p3 =	sgt.u32 @!p0 s31, $0x25;
	_ =	swait.ge @!p0 [sflag:s0], $0x3C00  }
0x44: {  	p1 =	por @!p2 p3, !p1;
	[sflag:s0] =	ssyncset.done @!p0 $0x0  }
0x45: {  	s20 =	sand.u32 $0x3E00, s30;
	p1 =	por p1, p2;
	[sflag:s0] =	ssyncadd.s32 @!p0 $0xFFFFC400  }
0x46: {  	s20 =	sadd.s32 @!p1 s20, s14;
	_ =	swait.ge @!p0 [sflag:s0], $0x3C00  }
0x47: {  	s20 =	sshrl.u32 @!p1 s20, $0x3;
	[sflag:s0] =	ssyncset.done @!p0 $0x0  }
0x48: {  	s21 =	simm.s32 @!p1 $0x0;
	[sflag:s0] =	ssyncadd.s32 @!p0 $0xFFFFC400;
	s0 =	sadd.s32 @!p1 s5, s20  }
0x49: {  	[tilespmem:s2], [sflag:$0x3] =	stream.linear.gather @!p1 [hbm4b:s0+s21], $0x200, $0x38;
	[tilespmem:$0x1BC00] =	vst v63  }
0x4a: {  	s0 =	sadd.s32 @!p1 s6, s20  }
0x4b: {  	[tilespmem:s19], [sflag:$0x3] =	stream.linear.gather @!p1 [hbm4b:s0+s21], $0x200, $0x38;
	[tilespmem:$0x1BC00] =	vst v63  }
0x4c: {  	s0 =	simm.s32 @!p0 $0x3  }
0x4d: {  	_ =	swait.ge @!p0 [sflag:s0], $0x200  }
0x4e: {  	[sflag:s0] =	ssyncset.done @!p0 $0x0  }
0x4f: {  	[sflag:s0] =	ssyncadd.s32 @!p0 $0xFFFFFE00  }
0x50: {  	_ =	swait.ge @!p0 [sflag:s0], $0x200  }
0x51: {  	s20 =	simm.s32 @!p0 $0x800;
	[sflag:s0] =	ssyncset.done @!p0 $0x0  }
0x52: {  	s19 =	simm.s32 @!p0 $0x78;
	[sflag:s0] =	ssyncadd.s32 @!p0 $0xFFFFFE00;
	s0 =	ssub.s32 @!p0 $0x200, s2  }
0x53: {  	[tilespmem:s20], [sflag:$0x1] =	stream.indirect.gather @!p0 [hbm4b:s4+s19], $0x80, s0, s19, $0xb8;
	[tilespmem:$0x1BC00] =	vst v63  }
0x54: {  	s0 =	ssub.s32 @!p0 $0x280, s2;
	s2 =	simm.s32 @!p0 $0x4400  }
0x55: {  	[tilespmem:s2], [sflag:$0x1] =	stream.indirect.gather @!p0 [hbm4b:s4+s19], $0x80, s0, s19, $0xb8;
	[tilespmem:$0x1BC00] =	vst v63  }
0x56: {  	p0 =	sne.s32 s31, $0x29  }
.Ltmp2:
0x57: {  	_ = 	snop;
	(pc) =	sbr.rel @!p0 .LBB2_3-.Ltmp2, $1  }
0x58: {  	_ =	sdelay $0x3  }
0x59: {  	s31 =	sadd.s32 $0x1, s31  }
0x5a: {  	p0 =	sne.s32 s31, $0x2A  }
.Ltmp3:
0x5b: {  	_ = 	snop;
	(pc) =	sbr.rel @p0 .LBB2_2-.Ltmp3, $4  }
.Ltmp4:
0x5c: {  	_ = 	snop;
	(pc) =	sbr.rel @!p0 .LBB2_5-.Ltmp4, $4  }
0x5d: {  	_ = 	snop  }
0x5e: {  	_ = 	snop  }
0x5f: {  	s30 =	sadd.s32 $0x100, s30  }
0x60: {  	_ = 	snop  }
.LBB2_6:
0x61: {  	_ =	sfence.sel $0x180000  }
0x62: {  	[bflag:$0x0] =	sbarrier.arrive $0xFFFF  }
0x63: {  	_ =	strace $0x9000004A  }
0x64: {  	s0 =	stileid.u32;
	[bflag:$0x2] =	sbarrier.arrive $0xFFFF  }
0x65: {  	p0 =	sne.s32 s0, $0x0;
	s0 =	rddreg [dreg:$0x2]  }
0x66: {  	s0 =	sadd.s32 @!p0 $0x100000, s0  }
0x67: {  	[sflag:s0] =	ssyncadd.tile.s32 @!p0 $0x1;
	_ =	shalt  }
.Lfunc_end2:
_tile_overlayer_lowered:
.L_overlay_start_2:
0x68: {  	(tag) =	ssettag $0x2  }
0x69: {  	s0 =	rddreg [dreg:$0x0];
	s2 =	stileid.u32  }
0x6a: {  	s1 =	rddreg [dreg:$0x1];
	p0 =	sne.s32 s2, $0x0  }
0x6b: {  	s3 =	rddreg [dreg:$0x2];
	[bflag:$0x3] =	sbarrier.arrive $0xFFFF;
	s2 =	simm.s32 @!p0 $0x1C04  }
0x6c: {  	[timem:s3], [sflag:s2] =	dma.local @!p0 [hbm:s0], s1  }
0x6d: {  	s0 =	simm.s32 @!p0 $0x4  }
0x6e: {  	_ =	swait.ge @!p0 [sflag:s0], s1  }
0x6f: {  	s1 =	ssub.s32 @!p0 $0x0, s1;
	[sflag:s0] =	ssyncset.done @!p0 $0x0  }
0x70: {  	[sflag:s0] =	ssyncadd.s32 @!p0 s1  }
0x71: {  	[bflag:$0x3] =	sbarrier.arrive $0xFFFF  }
0x72: {  	_ =	shalt  }

// kernel: kernel.14.cloned.1.call-start
scs
__scs_entry_jumppad:
0x0: {  	(pc) =	sbr.rel $0x88, $3  }
0x1: {  	(tag) =	ssettag $0x0;
	lr =	simm.s32 $0x1  }
0x2: {  	[smem:$0x3F8B] =	sst lr;
	_ =	strace $0xD0000000  }
0x3: {  	_ = 	snop  }
0x4: {  	_ = 	snop  }
0x5: {  	_ = 	snop  }
0x6: {  	_ = 	snop  }
0x7: {  	_ = 	snop  }
__scs_overlays_trampoline_lowered:
0x8: {  	[smem:$0x3F9A] =	sst s0  }
0x9: {  	[smem:$0x3F9B] =	sst s1  }
0xa: {  	[smem:$0x3F9C] =	sst s2  }
0xb: {  	[smem:$0x3F9D] =	sst s3  }
0xc: {  	[smem:$0x3F9E] =	sst s4  }
0xd: {  	[smem:$0x3F9F] =	sst s5  }
0xe: {  	[smem:$0x3FA0] =	sst s6  }
0xf: {  	[smem:$0x3FA1] =	sst s7  }
0x10: {  	[smem:$0x3FA2] =	sst s8  }
0x11: {  	[smem:$0x3FA3] =	sst s9;
	s0 =	simm.s32 @!p0 $0x0  }
0x12: {  	s1 =	sld [smem:$0x3F89];
	s0 =	simm.s32 @p0 $0x1  }
0x13: {  	[smem:$0x3FA4] =	sst s0;
	s0 =	simm.s32 @!p1 $0x0  }
0x14: {  	s2 =	sld [smem:$0x3F88];
	s0 =	simm.s32 @p1 $0x1  }
0x15: {  	[smem:$0x3FA5] =	sst s0;
	s0 =	simm.s32 @!p2 $0x0  }
0x16: {  	s3 =	sld [smem:$0x3FDB];
	s0 =	simm.s32 @p2 $0x1  }
0x17: {  	s4 =	simm.s32 $0x1BF5;
	[smem:$0x3FA7] =	sst s0  }
0x18: {  	s0 =	sld [smem:$0x3F8A];
	_ =	swait.ge [sflag:s4], $0x0  }
0x19: {  	s7 =	sld [smem:$0x3F8B]  }
0x1a: {  	s8 =	sadd.s32 $0xFFFFE003, lr  }
0x1b: {  	s9 =	sadd.s32 $0xFFFFFEF7, lr;
	s5 =	simm.s32 $0xFFFFFFFF;
	p2 =	slt.u32 s8, $0xFFFFF086  }
0x1c: {  	p1 =	slt.u32 s9, $0xF7A;
	s5 =	simm.s32 @!p2 $0x0  }
0x1d: {  	s5 =	simm.s32 @p1 $0x1;
	p0 =	seq.s32 s7, s2  }
0x1e: {  	s7 =	smul.u32 @!p0 $0xF7A, s2;
	p2 =	seq.s32 @!p0 s5, $0x0  }
0x1f: {  	s9 =	smul.u32 $0xF7A, s1;
	s8 =	simm.s32 @!p0 $0x1BF5;
	p2 =	por !p2, p0  }
0x20: {  	[sflag:s8] =	ssyncset.s32 @!p0 $0xFFFFF086;
	s6 =	sadd.s32 @!p0 s3, s7;
	s7 =	simm.s32 @!p0 $0x108  }
0x21: {  	s3 =	sadd.s32 s3, s9;
	s6 =	sadd.s32 @!p0 $0x88, s6;
	s7 =	simm.s32 @p2 $0x1082  }
0x22: {  	[simem:s7], [sflag:s8] =	dma.local @!p0 [hbm:s6], $0xF7A  }
0x23: {  	s9 =	sor.u32 $0xD0000000, s2;
	s6 =	simm.s32 $0x108;
	_ =	swait.ge @!p0 [sflag:s8], $0x0  }
0x24: {  	s3 =	sadd.s32 $0x88, s3;
	s6 =	simm.s32 @!p1 $0x1082;
	[sflag:s4] =	ssyncset.s32 $0xFFFFF086  }
0x25: {  	[simem:s6], [sflag:s4] =	dma.local [hbm:s3], $0xF7A  }
0x26: {  	[smem:$0x3F8B] =	sst s1;
	(tag) =	ssettag s2;
	_ =	strace s9  }
0x27: {  	s1 =	sld [smem:$0x3F9B]  }
0x28: {  	s2 =	sld [smem:$0x3F9C]  }
0x29: {  	s4 =	sld [smem:$0x3F9E]  }
0x2a: {  	p0 =	seq.s32 s5, $0x0;
	s5 =	sld [smem:$0x3F9F]  }
0x2b: {  	s6 =	sld [smem:$0x3FA0]  }
0x2c: {  	s7 =	sld [smem:$0x3FA1]  }
0x2d: {  	s3 =	simm.s32 $0x108;
	s8 =	sld [smem:$0x3FA2]  }
0x2e: {  	s3 =	simm.s32 @!p0 $0x1082;
	s9 =	sld [smem:$0x3FA3]  }
0x2f: {  	lr =	sadd.s32 s0, s3;
	s0 =	sld [smem:$0x3F9A]  }
0x30: {  	s3 =	sld [smem:$0x3F9D]  }
0x31: {  	[smem:$0x3FA6] =	sst s10  }
0x32: {  	s10 =	sld [smem:$0x3FA4];
	_ =	sdelay $0x3  }
0x33: {  	p0 =	seq.s32 s10, $0x1;
	s10 =	sld [smem:$0x3FA6];
	_ =	sdelay $0x3  }
0x34: {  	[smem:$0x3FA6] =	sst s10  }
0x35: {  	s10 =	sld [smem:$0x3FA5];
	_ =	sdelay $0x3  }
0x36: {  	p1 =	seq.s32 s10, $0x1;
	s10 =	sld [smem:$0x3FA6];
	_ =	sdelay $0x3  }
0x37: {  	[smem:$0x3FA6] =	sst s10  }
0x38: {  	s10 =	sld [smem:$0x3FA7]  }
0x39: {  	_ = 	snop;
	(pc) =	sbr.ind lr, $3  }
0x3a: {  	_ = 	snop  }
0x3b: {  	_ = 	snop  }
0x3c: {  	p2 =	seq.s32 s10, $0x1;
	s10 =	sld [smem:$0x3FA6]  }
0x3d: {  	_ =	shalt  }
0x3e: {  	_ =	shalt  }
0x3f: {  	_ =	shalt  }
0x40: {  	_ =	shalt  }
0x41: {  	_ =	shalt  }
0x42: {  	_ =	shalt  }
0x43: {  	_ =	shalt  }
0x44: {  	_ =	shalt  }
0x45: {  	_ =	shalt  }
0x46: {  	_ =	shalt  }
0x47: {  	_ =	shalt  }
0x48: {  	_ =	shalt  }
0x49: {  	_ =	shalt  }
0x4a: {  	_ =	shalt  }
0x4b: {  	_ =	shalt  }
0x4c: {  	_ =	shalt  }
0x4d: {  	_ =	shalt  }
0x4e: {  	_ =	shalt  }
0x4f: {  	_ =	shalt  }
0x50: {  	_ =	shalt  }
0x51: {  	_ =	shalt  }
0x52: {  	_ =	shalt  }
0x53: {  	_ =	shalt  }
0x54: {  	_ =	shalt  }
0x55: {  	_ =	shalt  }
0x56: {  	_ =	shalt  }
0x57: {  	_ =	shalt  }
0x58: {  	_ =	shalt  }
0x59: {  	_ =	shalt  }
0x5a: {  	_ =	shalt  }
0x5b: {  	_ =	shalt  }
0x5c: {  	_ =	shalt  }
0x5d: {  	_ =	shalt  }
0x5e: {  	_ =	shalt  }
0x5f: {  	_ =	shalt  }
0x60: {  	_ =	shalt  }
0x61: {  	_ =	shalt  }
0x62: {  	_ =	shalt  }
0x63: {  	_ =	shalt  }
0x64: {  	_ =	shalt  }
0x65: {  	_ =	shalt  }
0x66: {  	_ =	shalt  }
0x67: {  	_ =	shalt  }
0x68: {  	_ =	shalt  }
0x69: {  	_ =	shalt  }
0x6a: {  	_ =	shalt  }
0x6b: {  	_ =	shalt  }
0x6c: {  	_ =	shalt  }
0x6d: {  	_ =	shalt  }
0x6e: {  	_ =	shalt  }
0x6f: {  	_ =	shalt  }
0x70: {  	_ =	shalt  }
0x71: {  	_ =	shalt  }
0x72: {  	_ =	shalt  }
0x73: {  	_ =	shalt  }
0x74: {  	_ =	shalt  }
0x75: {  	_ =	shalt  }
0x76: {  	_ =	shalt  }
0x77: {  	_ =	shalt  }
0x78: {  	_ =	shalt  }
0x79: {  	_ =	shalt  }
0x7a: {  	_ =	shalt  }
0x7b: {  	_ =	shalt  }
0x7c: {  	_ =	shalt  }
0x7d: {  	_ =	shalt  }
0x7e: {  	_ =	shalt  }
0x7f: {  	_ =	shalt  }
0x80: {  	_ =	shalt  }
0x81: {  	_ =	shalt  }
0x82: {  	_ =	shalt  }
0x83: {  	_ =	shalt  }
0x84: {  	_ =	shalt  }
0x85: {  	_ =	shalt  }
0x86: {  	_ =	shalt  }
0x87: {  	_ =	shalt  }
.Lfunc_end0:
.L_simem_size_0:
called_computation.2_lowered:
.L_overlay_start_0:
0x88: {  	s2 =	sld [smem:$0x3FD9]  }
0x89: {  	s3 =	sld [smem:$0x3FFE];
	_ =	sdelay $0x1  }
0x8a: {  	s1 =	srdreg.scid  }
0x8b: {  	s0 =	sand.u32 $0x1, s1  }
0x8c: {  	s16 =	sshll.u32 s0, $0xA;
	s2 =	sadd.s32 s3, s2  }
0x8d: {  	s2 =	sadd.s32 s2, s16  }
0x8e: {  	[smem:$0x3FB2] =	sst s2  }
0x8f: {  	_ = 	snop  }
0x90: {  	(tm) =	ssettm $0x1  }
0x91: {  	s17 =	sld [smem:$0x3FFB];
	_ =	sdelay $0x3  }
0x92: {  	_ =	strace s17  }
0x93: {  	s2 =	sld [smem:$0x3FFC];
	_ =	sdelay $0x3  }
0x94: {  	_ =	strace s2  }
0x95: {  	s2 =	sld [smem:$0x3FFD];
	_ =	sdelay $0x3  }
0x96: {  	_ =	strace s2  }
0x97: {  	_ =	strace $0x8FFFFFFF  }
0x98: {  	s18 =	sld [smem:$0x3FDB];
	_ =	sdelay $0x1  }
0x99: {  	s19 =	simm.s32 $_scs_section_size  }
0x9a: {  	s4 =	simm.s32 $_size__tile_overlayer_lowered;
	s5 =	simm.s32 $_tile_overlayer_lowered  }
0x9b: {  	s22 =	simm.s32 $0x1BFF;
	s21 =	sshll.u32 s5, $0x1;
	s2 =	sadd.s32 s19, s18  }
0x9c: {  	s6 =	simm.s32 $0x0;
	s20 =	sshll.u32 s4, $0x1;
	s4 =	sadd.s32 s21, s2  }
0x9d: {  	[timem:s6], [sflag:s22] =	dma.local [hbm:s4], s20  }
0x9e: {  	_ =	swait.ge [sflag:s22], s20  }
0x9f: {  	s3 =	ssub.s32 $0x0, s20;
	[sflag:s22] =	ssyncset.done $0x0  }
0xa0: {  	[sflag:s22] =	ssyncadd.s32 s3;
	_ =	sdelay $0x1  }
0xa1: {  	s23 =	simm.s32 $0x1B8B  }
0xa2: {  	_ =	swait.ge [sflag:s23], $0x1  }
0xa3: {  	[sflag:s23] =	ssyncset.done $0x0  }
0xa4: {  	s25 =	simm.s32 $0x1B8E;
	s24 =	sld [smem:$0x3FFE];
	[sflag:s23] =	ssyncadd.s32 $0xFFFFFFFF  }
0xa5: {  	s26 =	simm.s32 $execute0_lowered;
	[smem:$0x3FD2] =	sst s25  }
0xa6: {  	s4 =	sshll.u32 s26, $0x1;
	_ =	strace $0x8000004C;
	[dreg:$0x1] =	wrdreg $0xFFFFFFFF  }
0xa7: {  	s28 =	simm.s32 $_size_execute0_lowered;
	s2 =	sadd.s32 s2, s4;
	[dreg:$0x0] =	wrdreg $0x0  }
0xa8: {  	s4 =	sshll.u32 s28, $0x1;
	[dreg:$0x2] =	wrdreg s2  }
0xa9: {  	[dreg:$0x3] =	wrdreg s4  }
0xaa: {  	[dreg:$0x4] =	wrdreg $0xC0  }
0xab: {  	_ =	task [dreg:s6], $0x5FFFF  }
0xac: {  	[dreg:$0x1] =	wrdreg $0xFFFFFFFF  }
0xad: {  	[dreg:$0x0] =	wrdreg $0x60  }
0xae: {  	[dreg:$0x2] =	wrdreg s24  }
0xaf: {  	[dreg:$0x3] =	wrdreg $0x80000  }
0xb0: {  	[dreg:$0x4] =	wrdreg $0x9  }
0xb1: {  	_ =	task.clear_ibuf [dreg:s6], $0x5FFFF;
	_ =	strace $0x9000004C  }
0xb2: {  	s29 =	simm.s32 $0x9;
	_ =	strace $0x8000004E  }
0xb3: {  	_ =	swait.ge [sflag:s29], $0x1  }
0xb4: {  	[sflag:s29] =	ssyncadd.s32 $0xFFFFFFFF  }
0xb5: {  	_ =	strace $0x9000004E  }
0xb6: {  	_ =	sfence  }
0xb7: {  	s30 =	sld [smem:$0x0];
	_ =	sdelay $0x2  }
0xb8: {  	s31 =	sshll.u32 s1, $0xD;
	s1 =	sshrl.u32 s1, $0x2  }
0xb9: {  	s3 =	sand.u32 $0x4000, s31;
	s1 =	sadd.s32 s1, s30  }
0xba: {  	s0 =	sor.u32 s3, s0;
	s1 =	sshll.u32 s1, $0x11  }
0xbb: {  	s0 =	sor.u32 s1, s0  }
0xbc: {  	s0 =	sadd.s32 $0x8F2B, s0  }
0xbd: {  	[sflag:s0] =	ssyncadd.remote.s32 $0x1  }
0xbe: {  	_ =	sfence.sel $0xFFFF  }
0xbf: {  	[dreg:$0x0] =	wrdreg $0xFFFFFFFF;
	(pc) =	sbr.abs _section_cstart, $3  }
0xc0: {  	[dreg:$0x1] =	wrdreg $0xFFFFFFFF  }
0xc1: {  	_ =	task.clear_ibuf [dreg:s6], $0x2FFFF;
	_ =	strace $0x9FFFFFFF  }
0xc2: {  	(tm) =	ssettm $0x7FFFFFFF  }
0xc3: {  	_ =	shalt  }
tec
execute0_lowered:
.L_overlay_start_1:
0x0: {  	(tag) =	ssettag $0x1  }
0x1: {  	s8 =	rddreg [dreg:$0x0]  }
0x2: {  	s1 =	rddreg [dreg:$0x1];
	s3 =	simm.s32 $0x0;
	s2 =	srdreg.scid  }
0x3: {  	s0 =	stileid.u32;
	s18 =	simm.s32 $0x4;
	s22 =	simm.s32 $0x78  }
0x4: {  	s23 =	simm.s32 $0x800;
	s28 =	simm.s32 $0x1;
	s29 =	simm.s32 $0x0  }
0x5: {  	[smem:$0x7FF] =	sst s3;
	s9 =	sand.u32 $0x1, s2;
	s11 =	smul.u32 $0x13C00, s0  }
0x6: {  	s4 =	sadd.s32 $0x1B600, s8;
	s5 =	sadd.s32 $0x3E00, s8;
	s6 =	sadd.s32 $0xE600, s8  }
0x7: {  	s7 =	sadd.s32 $0x18E00, s8;
	s24 =	sshll.u32 s0, $0x1;
	s25 =	smul.u32 $0x4F000, s0  }
0x8: {  	s10 =	smul.u32 $0x13C000, s9;
	s12 =	ssub.s32 $0x2, s9;
	s9 =	sor.u32 s9, s24  }
0x9: {  	_ =	strace $0x8000004D;
	s13 =	sshrl.u32 s12, $0x1;
	s14 =	smul.u32 $0x2A00, s9  }
0xa: {  	s26 =	sshrl.u32 s25, $0x2;
	s25 =	simm.s32 $0x4400;
	s10 =	sadd.s32 s11, s10  }
0xb: {  	s16 =	ssub.s32 s12, s13;
	s17 =	sadd.s32 s26, s1;
	s26 =	simm.s32 $0x2  }
.Ltmp0:
0xc: {  	s10 =	sshrl.u32 s10, $0x3;
	s30 =	sshrl.u32 s14, $0x3;
	(pc) =	sbr.rel .LBB2_1-.Ltmp0, $4  }
0xd: {  	s14 =	sadd.s32 $0x400, s14;
	s16 =	smax.u32 s16, $0x1;
	s17 =	sshrl.u32 s17, $0x3  }
0xe: {  	s15 =	sadd.s32 s10, s8;
	s8 =	sshll.u32 s0, $0x6;
	s10 =	sadd.s32 s5, s30  }
0xf: {  	s31 =	sadd.s32 $0x40, s30;
	s11 =	sadd.s32 s6, s30;
	s9 =	sor.u32 $0x1C02, s8  }
0x10: {  	s12 =	sadd.s32 s5, s31;
	s13 =	sadd.s32 s6, s31;
	s15 =	sadd.s32 $0x42800, s15  }
.LBB2_3:
0x11: {  	_ =	swait.ge [sflag:s26], $0x3C00  }
0x12: {  	[sflag:s26] =	ssyncset.done $0x0  }
0x13: {  	[sflag:s26] =	ssyncadd.s32 $0xFFFFC400  }
0x14: {  	_ =	swait.ge [sflag:s26], $0x3C00  }
0x15: {  	[sflag:s26] =	ssyncset.done $0x0  }
0x16: {  	[sflag:s26] =	ssyncadd.s32 $0xFFFFC400  }
.LBB2_5:
0x17: {  	s29 =	sadd.s32 $0x1, s29  }
0x18: {  	p0 =	sne.s32 s29, s16  }
.Ltmp1:
0x19: {  	[bflag:$0x0] =	sbarrier.arrive $0xFFFF;
	s0 =	sor.u32 $0x1C04, s8;
	(pc) =	sbr.rel @!p0 .LBB2_6-.Ltmp1, $4  }
0x1a: {  	[hbm:s15], [sflag:s0] =	dma.local [spmem:s17], $0x2780  }
0x1b: {  	_ =	swait.ge [sflag:s18], $0x2780  }
0x1c: {  	[sflag:s18] =	ssyncset.done $0x0  }
0x1d: {  	[sflag:s18] =	ssyncadd.s32 $0xFFFFD880  }
.LBB2_1:
0x1e: {  	[spmem:s17], [sflag:s9] =	dma.local [hbm:s7], $0x2780  }
0x1f: {  	[tilespmem:s3], [sflag:$0x4] =	stream.linear.gather [hbm4b:s10+s3], $0x200, $0x38;
	[tilespmem:$0x1BC00] =	vst v63  }
0x20: {  	_ =	swait.ge [sflag:s18], $0x200  }
0x21: {  	[sflag:s18] =	ssyncset.done $0x0  }
0x22: {  	s0 =	simm.s32 $0x400;
	[sflag:s18] =	ssyncadd.s32 $0xFFFFFE00  }
0x23: {  	[tilespmem:s0], [sflag:$0x4] =	stream.linear.gather [hbm4b:s11+s3], $0x200, $0x38;
	[tilespmem:$0x1BC00] =	vst v63  }
0x24: {  	_ =	swait.ge [sflag:s18], $0x200  }
0x25: {  	[sflag:s18] =	ssyncset.done $0x0  }
0x26: {  	s20 =	simm.s32 $0x200;
	[sflag:s18] =	ssyncadd.s32 $0xFFFFFE00  }
0x27: {  	[tilespmem:s20], [sflag:$0x3] =	stream.linear.gather [hbm4b:s12+s3], $0x200, $0x38;
	[tilespmem:$0x1BC00] =	vst v63  }
0x28: {  	s21 =	simm.s32 $0x600  }
0x29: {  	[tilespmem:s21], [sflag:$0x3] =	stream.linear.gather [hbm4b:s13+s3], $0x200, $0x38;
	[tilespmem:$0x1BC00] =	vst v63  }
0x2a: {  	_ = 	snop  }
0x2b: {  	[tilespmem:s23], [sflag:$0x1] =	stream.indirect.gather [hbm4b:s4+s22], $0x80, s3, s22, $0xb8;
	[tilespmem:$0x1BC00] =	vst v63  }
0x2c: {  	s24 =	simm.s32 $0x80  }
0x2d: {  	[tilespmem:s25], [sflag:$0x1] =	stream.indirect.gather [hbm4b:s4+s22], $0x80, s24, s22, $0xb8;
	[tilespmem:$0x1BC00] =	vst v63  }
0x2e: {  	_ =	swait.ge [sflag:s26], $0x2780  }
0x2f: {  	[sflag:s26] =	ssyncset.done $0x0  }
0x30: {  	[sflag:s26] =	ssyncadd.s32 $0xFFFFD880  }
0x31: {  	s30 =	simm.s32 $0x0;
	s31 =	simm.s32 $0x0;
	[bflag:$0x0] =	sbarrier.arrive $0xFFFF  }
.LBB2_2:
0x32: {  	s0 =	sand.u32 $0x1, s31;
	_ =	swait.ge [sflag:s28], $0x3C00;
	s2 =	sand.u32 $0x200, s30  }
0x33: {  	[sflag:s28] =	ssyncset.done $0x0;
	s19 =	sor.u32 $0x400, s2;
	s20 =	sshll.u32 s0, $0x8  }
0x34: {  	[sflag:s28] =	ssyncadd.s32 $0xFFFFC400;
	s20 =	sor.u32 s20, s19  }
0x35: {  	[spmem:s1] =	stream.indirect.scatter.add.f32 [tilespmem:s23], [sflag:$0x2], $0x80, s20, s22, $0xb8;
	[tilespmem:$0x1BC00] =	vst v63  }
0x36: {  	_ =	swait.ge [sflag:s28], $0x3C00  }
0x37: {  	p1 =	seq.s32 s0, $0x1;
	[sflag:s28] =	ssyncset.done $0x0  }
0x38: {  	s0 =	simm.s32 @!p1 $0x2;
	s20 =	sor.u32 $0x80, s20;
	[sflag:s28] =	ssyncadd.s32 $0xFFFFC400  }
0x39: {  	[spmem:s1] =	stream.indirect.scatter.add.f32 [tilespmem:s25], [sflag:$0x2], $0x80, s20, s22, $0xb8;
	[tilespmem:$0x1BC00] =	vst v63  }
0x3a: {  	_ =	swait.ge @!p1 [sflag:s0], $0x3C00  }
0x3b: {  	s21 =	simm.s32 @!p1 $0x78;
	[sflag:s0] =	ssyncset.done @!p1 $0x0  }
0x3c: {  	s24 =	simm.s32 @!p1 $0x800;
	s20 =	sadd.s32 @!p1 $0x100, s2;
	[sflag:s0] =	ssyncadd.s32 @!p1 $0xFFFFC400  }
0x3d: {  	[tilespmem:s24], [sflag:$0x1] =	stream.indirect.gather @!p1 [hbm4b:s4+s21], $0x80, s20, s21, $0xb8;
	[tilespmem:$0x1BC00] =	vst v63  }
0x3e: {  	p2 =	seq.s32 s31, $0x29;
	_ =	swait.ge @!p1 [sflag:s0], $0x3C00  }
0x3f: {  	p0 =	por !p1, p2;
	[sflag:s0] =	ssyncset.done @!p1 $0x0  }
0x40: {  	s20 =	simm.s32 @!p1 $0x4400;
	[sflag:s0] =	ssyncadd.s32 @!p1 $0xFFFFC400;
	s0 =	sadd.s32 @!p1 $0x180, s2  }
0x41: {  	[tilespmem:s20], [sflag:$0x1] =	stream.indirect.gather @!p1 [hbm4b:s4+s21], $0x80, s0, s21, $0xb8;
	[tilespmem:$0x1BC00] =	vst v63  }
0x42: {  	s0 =	simm.s32 @!p0 $0x2  }
0x43: {  	p3 =	sgt.u32 @!p0 s31, $0x25;
	_ =	swait.ge @!p0 [sflag:s0], $0x3C00  }
0x44: {  	p1 =	por @!p2 p3, !p1;
	[sflag:s0] =	ssyncset.done @!p0 $0x0  }
0x45: {  	s20 =	sand.u32 $0x3E00, s30;
	p1 =	por p1, p2;
	[sflag:s0] =	ssyncadd.s32 @!p0 $0xFFFFC400  }
0x46: {  	s20 =	sadd.s32 @!p1 s20, s14;
	_ =	swait.ge @!p0 [sflag:s0], $0x3C00  }
0x47: {  	s20 =	sshrl.u32 @!p1 s20, $0x3;
	[sflag:s0] =	ssyncset.done @!p0 $0x0  }
0x48: {  	s21 =	simm.s32 @!p1 $0x0;
	[sflag:s0] =	ssyncadd.s32 @!p0 $0xFFFFC400;
	s0 =	sadd.s32 @!p1 s5, s20  }
0x49: {  	[tilespmem:s2], [sflag:$0x3] =	stream.linear.gather @!p1 [hbm4b:s0+s21], $0x200, $0x38;
	[tilespmem:$0x1BC00] =	vst v63  }
0x4a: {  	s0 =	sadd.s32 @!p1 s6, s20  }
0x4b: {  	[tilespmem:s19], [sflag:$0x3] =	stream.linear.gather @!p1 [hbm4b:s0+s21], $0x200, $0x38;
	[tilespmem:$0x1BC00] =	vst v63  }
0x4c: {  	s0 =	simm.s32 @!p0 $0x3  }
0x4d: {  	_ =	swait.ge @!p0 [sflag:s0], $0x200  }
0x4e: {  	[sflag:s0] =	ssyncset.done @!p0 $0x0  }
0x4f: {  	[sflag:s0] =	ssyncadd.s32 @!p0 $0xFFFFFE00  }
0x50: {  	_ =	swait.ge @!p0 [sflag:s0], $0x200  }
0x51: {  	s20 =	simm.s32 @!p0 $0x800;
	[sflag:s0] =	ssyncset.done @!p0 $0x0  }
0x52: {  	s19 =	simm.s32 @!p0 $0x78;
	[sflag:s0] =	ssyncadd.s32 @!p0 $0xFFFFFE00;
	s0 =	ssub.s32 @!p0 $0x200, s2  }
0x53: {  	[tilespmem:s20], [sflag:$0x1] =	stream.indirect.gather @!p0 [hbm4b:s4+s19], $0x80, s0, s19, $0xb8;
	[tilespmem:$0x1BC00] =	vst v63  }
0x54: {  	s0 =	ssub.s32 @!p0 $0x280, s2;
	s2 =	simm.s32 @!p0 $0x4400  }
0x55: {  	[tilespmem:s2], [sflag:$0x1] =	stream.indirect.gather @!p0 [hbm4b:s4+s19], $0x80, s0, s19, $0xb8;
	[tilespmem:$0x1BC00] =	vst v63  }
0x56: {  	p0 =	sne.s32 s31, $0x29  }
.Ltmp2:
0x57: {  	_ = 	snop;
	(pc) =	sbr.rel @!p0 .LBB2_3-.Ltmp2, $1  }
0x58: {  	_ =	sdelay $0x3  }
0x59: {  	s31 =	sadd.s32 $0x1, s31  }
0x5a: {  	p0 =	sne.s32 s31, $0x2A  }
.Ltmp3:
0x5b: {  	_ = 	snop;
	(pc) =	sbr.rel @p0 .LBB2_2-.Ltmp3, $4  }
.Ltmp4:
0x5c: {  	_ = 	snop;
	(pc) =	sbr.rel @!p0 .LBB2_5-.Ltmp4, $4  }
0x5d: {  	_ = 	snop  }
0x5e: {  	_ = 	snop  }
0x5f: {  	s30 =	sadd.s32 $0x100, s30  }
0x60: {  	_ = 	snop  }
.LBB2_6:
0x61: {  	_ =	sfence.sel $0x180000  }
0x62: {  	[bflag:$0x0] =	sbarrier.arrive $0xFFFF  }
0x63: {  	_ =	strace $0x9000004D  }
0x64: {  	s0 =	stileid.u32;
	[bflag:$0x2] =	sbarrier.arrive $0xFFFF  }
0x65: {  	p0 =	sne.s32 s0, $0x0;
	s0 =	rddreg [dreg:$0x2]  }
0x66: {  	s0 =	sadd.s32 @!p0 $0x100000, s0  }
0x67: {  	[sflag:s0] =	ssyncadd.tile.s32 @!p0 $0x1;
	_ =	shalt  }
.Lfunc_end2:
_tile_overlayer_lowered:
.L_overlay_start_2:
0x68: {  	(tag) =	ssettag $0x2  }
0x69: {  	s0 =	rddreg [dreg:$0x0];
	s2 =	stileid.u32  }
0x6a: {  	s1 =	rddreg [dreg:$0x1];
	p0 =	sne.s32 s2, $0x0  }
0x6b: {  	s3 =	rddreg [dreg:$0x2];
	[bflag:$0x3] =	sbarrier.arrive $0xFFFF;
	s2 =	simm.s32 @!p0 $0x1C04  }
0x6c: {  	[timem:s3], [sflag:s2] =	dma.local @!p0 [hbm:s0], s1  }
0x6d: {  	s0 =	simm.s32 @!p0 $0x4  }
0x6e: {  	_ =	swait.ge @!p0 [sflag:s0], s1  }
0x6f: {  	s1 =	ssub.s32 @!p0 $0x0, s1;
	[sflag:s0] =	ssyncset.done @!p0 $0x0  }
0x70: {  	[sflag:s0] =	ssyncadd.s32 @!p0 s1  }
0x71: {  	[bflag:$0x3] =	sbarrier.arrive $0xFFFF  }
0x72: {  	_ =	shalt  }

// kernel: kernel.8.cloned.1.call-start
scs
__scs_entry_jumppad:
0x0: {  	(pc) =	sbr.rel $0x88, $3  }
0x1: {  	(tag) =	ssettag $0x0;
	lr =	simm.s32 $0x1  }
0x2: {  	[smem:$0x3F8B] =	sst lr;
	_ =	strace $0xD0000000  }
0x3: {  	_ = 	snop  }
0x4: {  	_ = 	snop  }
0x5: {  	_ = 	snop  }
0x6: {  	_ = 	snop  }
0x7: {  	_ = 	snop  }
__scs_overlays_trampoline_lowered:
0x8: {  	[smem:$0x3F9A] =	sst s0  }
0x9: {  	[smem:$0x3F9B] =	sst s1  }
0xa: {  	[smem:$0x3F9C] =	sst s2  }
0xb: {  	[smem:$0x3F9D] =	sst s3  }
0xc: {  	[smem:$0x3F9E] =	sst s4  }
0xd: {  	[smem:$0x3F9F] =	sst s5  }
0xe: {  	[smem:$0x3FA0] =	sst s6  }
0xf: {  	[smem:$0x3FA1] =	sst s7  }
0x10: {  	[smem:$0x3FA2] =	sst s8  }
0x11: {  	[smem:$0x3FA3] =	sst s9;
	s0 =	simm.s32 @!p0 $0x0  }
0x12: {  	s1 =	sld [smem:$0x3F89];
	s0 =	simm.s32 @p0 $0x1  }
0x13: {  	[smem:$0x3FA4] =	sst s0;
	s0 =	simm.s32 @!p1 $0x0  }
0x14: {  	s2 =	sld [smem:$0x3F88];
	s0 =	simm.s32 @p1 $0x1  }
0x15: {  	[smem:$0x3FA5] =	sst s0;
	s0 =	simm.s32 @!p2 $0x0  }
0x16: {  	s3 =	sld [smem:$0x3FDB];
	s0 =	simm.s32 @p2 $0x1  }
0x17: {  	s4 =	simm.s32 $0x1BF5;
	[smem:$0x3FA7] =	sst s0  }
0x18: {  	s0 =	sld [smem:$0x3F8A];
	_ =	swait.ge [sflag:s4], $0x0  }
0x19: {  	s7 =	sld [smem:$0x3F8B]  }
0x1a: {  	s8 =	sadd.s32 $0xFFFFE003, lr  }
0x1b: {  	s9 =	sadd.s32 $0xFFFFFEF7, lr;
	s5 =	simm.s32 $0xFFFFFFFF;
	p2 =	slt.u32 s8, $0xFFFFF086  }
0x1c: {  	p1 =	slt.u32 s9, $0xF7A;
	s5 =	simm.s32 @!p2 $0x0  }
0x1d: {  	s5 =	simm.s32 @p1 $0x1;
	p0 =	seq.s32 s7, s2  }
0x1e: {  	s7 =	smul.u32 @!p0 $0xF7A, s2;
	p2 =	seq.s32 @!p0 s5, $0x0  }
0x1f: {  	s9 =	smul.u32 $0xF7A, s1;
	s8 =	simm.s32 @!p0 $0x1BF5;
	p2 =	por !p2, p0  }
0x20: {  	[sflag:s8] =	ssyncset.s32 @!p0 $0xFFFFF086;
	s6 =	sadd.s32 @!p0 s3, s7;
	s7 =	simm.s32 @!p0 $0x108  }
0x21: {  	s3 =	sadd.s32 s3, s9;
	s6 =	sadd.s32 @!p0 $0x88, s6;
	s7 =	simm.s32 @p2 $0x1082  }
0x22: {  	[simem:s7], [sflag:s8] =	dma.local @!p0 [hbm:s6], $0xF7A  }
0x23: {  	s9 =	sor.u32 $0xD0000000, s2;
	s6 =	simm.s32 $0x108;
	_ =	swait.ge @!p0 [sflag:s8], $0x0  }
0x24: {  	s3 =	sadd.s32 $0x88, s3;
	s6 =	simm.s32 @!p1 $0x1082;
	[sflag:s4] =	ssyncset.s32 $0xFFFFF086  }
0x25: {  	[simem:s6], [sflag:s4] =	dma.local [hbm:s3], $0xF7A  }
0x26: {  	[smem:$0x3F8B] =	sst s1;
	(tag) =	ssettag s2;
	_ =	strace s9  }
0x27: {  	s1 =	sld [smem:$0x3F9B]  }
0x28: {  	s2 =	sld [smem:$0x3F9C]  }
0x29: {  	s4 =	sld [smem:$0x3F9E]  }
0x2a: {  	p0 =	seq.s32 s5, $0x0;
	s5 =	sld [smem:$0x3F9F]  }
0x2b: {  	s6 =	sld [smem:$0x3FA0]  }
0x2c: {  	s7 =	sld [smem:$0x3FA1]  }
0x2d: {  	s3 =	simm.s32 $0x108;
	s8 =	sld [smem:$0x3FA2]  }
0x2e: {  	s3 =	simm.s32 @!p0 $0x1082;
	s9 =	sld [smem:$0x3FA3]  }
0x2f: {  	lr =	sadd.s32 s0, s3;
	s0 =	sld [smem:$0x3F9A]  }
0x30: {  	s3 =	sld [smem:$0x3F9D]  }
0x31: {  	[smem:$0x3FA6] =	sst s10  }
0x32: {  	s10 =	sld [smem:$0x3FA4];
	_ =	sdelay $0x3  }
0x33: {  	p0 =	seq.s32 s10, $0x1;
	s10 =	sld [smem:$0x3FA6];
	_ =	sdelay $0x3  }
0x34: {  	[smem:$0x3FA6] =	sst s10  }
0x35: {  	s10 =	sld [smem:$0x3FA5];
	_ =	sdelay $0x3  }
0x36: {  	p1 =	seq.s32 s10, $0x1;
	s10 =	sld [smem:$0x3FA6];
	_ =	sdelay $0x3  }
0x37: {  	[smem:$0x3FA6] =	sst s10  }
0x38: {  	s10 =	sld [smem:$0x3FA7]  }
0x39: {  	_ = 	snop;
	(pc) =	sbr.ind lr, $3  }
0x3a: {  	_ = 	snop  }
0x3b: {  	_ = 	snop  }
0x3c: {  	p2 =	seq.s32 s10, $0x1;
	s10 =	sld [smem:$0x3FA6]  }
0x3d: {  	_ =	shalt  }
0x3e: {  	_ =	shalt  }
0x3f: {  	_ =	shalt  }
0x40: {  	_ =	shalt  }
0x41: {  	_ =	shalt  }
0x42: {  	_ =	shalt  }
0x43: {  	_ =	shalt  }
0x44: {  	_ =	shalt  }
0x45: {  	_ =	shalt  }
0x46: {  	_ =	shalt  }
0x47: {  	_ =	shalt  }
0x48: {  	_ =	shalt  }
0x49: {  	_ =	shalt  }
0x4a: {  	_ =	shalt  }
0x4b: {  	_ =	shalt  }
0x4c: {  	_ =	shalt  }
0x4d: {  	_ =	shalt  }
0x4e: {  	_ =	shalt  }
0x4f: {  	_ =	shalt  }
0x50: {  	_ =	shalt  }
0x51: {  	_ =	shalt  }
0x52: {  	_ =	shalt  }
0x53: {  	_ =	shalt  }
0x54: {  	_ =	shalt  }
0x55: {  	_ =	shalt  }
0x56: {  	_ =	shalt  }
0x57: {  	_ =	shalt  }
0x58: {  	_ =	shalt  }
0x59: {  	_ =	shalt  }
0x5a: {  	_ =	shalt  }
0x5b: {  	_ =	shalt  }
0x5c: {  	_ =	shalt  }
0x5d: {  	_ =	shalt  }
0x5e: {  	_ =	shalt  }
0x5f: {  	_ =	shalt  }
0x60: {  	_ =	shalt  }
0x61: {  	_ =	shalt  }
0x62: {  	_ =	shalt  }
0x63: {  	_ =	shalt  }
0x64: {  	_ =	shalt  }
0x65: {  	_ =	shalt  }
0x66: {  	_ =	shalt  }
0x67: {  	_ =	shalt  }
0x68: {  	_ =	shalt  }
0x69: {  	_ =	shalt  }
0x6a: {  	_ =	shalt  }
0x6b: {  	_ =	shalt  }
0x6c: {  	_ =	shalt  }
0x6d: {  	_ =	shalt  }
0x6e: {  	_ =	shalt  }
0x6f: {  	_ =	shalt  }
0x70: {  	_ =	shalt  }
0x71: {  	_ =	shalt  }
0x72: {  	_ =	shalt  }
0x73: {  	_ =	shalt  }
0x74: {  	_ =	shalt  }
0x75: {  	_ =	shalt  }
0x76: {  	_ =	shalt  }
0x77: {  	_ =	shalt  }
0x78: {  	_ =	shalt  }
0x79: {  	_ =	shalt  }
0x7a: {  	_ =	shalt  }
0x7b: {  	_ =	shalt  }
0x7c: {  	_ =	shalt  }
0x7d: {  	_ =	shalt  }
0x7e: {  	_ =	shalt  }
0x7f: {  	_ =	shalt  }
0x80: {  	_ =	shalt  }
0x81: {  	_ =	shalt  }
0x82: {  	_ =	shalt  }
0x83: {  	_ =	shalt  }
0x84: {  	_ =	shalt  }
0x85: {  	_ =	shalt  }
0x86: {  	_ =	shalt  }
0x87: {  	_ =	shalt  }
.Lfunc_end0:
.L_simem_size_0:
called_computation_lowered:
.L_overlay_start_0:
0x88: {  	s2 =	sld [smem:$0x3FD9]  }
0x89: {  	s3 =	sld [smem:$0x3FFE];
	_ =	sdelay $0x1  }
0x8a: {  	s1 =	srdreg.scid  }
0x8b: {  	s0 =	sand.u32 $0x1, s1  }
0x8c: {  	s17 =	sshll.u32 s0, $0xA;
	s2 =	sadd.s32 s3, s2  }
0x8d: {  	s2 =	sadd.s32 s2, s17  }
0x8e: {  	[smem:$0x3FB2] =	sst s2  }
0x8f: {  	_ = 	snop  }
0x90: {  	s2 =	sld [smem:$0x3FC9];
	(tm) =	ssettm $0x1  }
0x91: {  	s18 =	sld [smem:$0x3FFB];
	_ =	sdelay $0x3  }
0x92: {  	_ =	strace s18  }
0x93: {  	s3 =	sld [smem:$0x3FFC];
	_ =	sdelay $0x3  }
0x94: {  	_ =	strace s3  }
0x95: {  	s3 =	sld [smem:$0x3FFD];
	_ =	sdelay $0x3  }
0x96: {  	_ =	strace s3  }
0x97: {  	_ =	strace $0x8FFFFFFF  }
0x98: {  	s19 =	sld [smem:$0x3FDB];
	_ =	sdelay $0x1  }
0x99: {  	s4 =	simm.s32 $_scs_section_size  }
0x9a: {  	s5 =	simm.s32 $_size__tile_overlayer_lowered;
	s6 =	simm.s32 $_tile_overlayer_lowered  }
0x9b: {  	s22 =	simm.s32 $0x1BFF;
	s21 =	sshll.u32 s6, $0x1;
	s3 =	sadd.s32 s4, s19  }
0x9c: {  	s7 =	simm.s32 $0x0;
	s20 =	sshll.u32 s5, $0x1;
	s5 =	sadd.s32 s21, s3  }
0x9d: {  	[timem:s7], [sflag:s22] =	dma.local [hbm:s5], s20  }
0x9e: {  	_ =	swait.ge [sflag:s22], s20  }
0x9f: {  	s4 =	ssub.s32 $0x0, s20;
	[sflag:s22] =	ssyncset.done $0x0  }
0xa0: {  	[sflag:s22] =	ssyncadd.s32 s4;
	_ =	sdelay $0x1  }
0xa1: {  	s23 =	simm.s32 $0x1B8B  }
0xa2: {  	_ =	swait.ge [sflag:s23], $0x1  }
0xa3: {  	[sflag:s23] =	ssyncset.done $0x0  }
0xa4: {  	s25 =	simm.s32 $0x1B8E;
	s24 =	sld [smem:$0x3FFE];
	[sflag:s23] =	ssyncadd.s32 $0xFFFFFFFF  }
0xa5: {  	s26 =	simm.s32 $execute0_lowered;
	[smem:$0x3FD2] =	sst s25  }
0xa6: {  	s5 =	sshll.u32 s26, $0x1;
	_ =	strace $0x80000046;
	[dreg:$0x1] =	wrdreg $0xFFFFFFFF  }
0xa7: {  	s28 =	simm.s32 $_size_execute0_lowered;
	s3 =	sadd.s32 s3, s5;
	[dreg:$0x0] =	wrdreg $0x0  }
0xa8: {  	s5 =	sshll.u32 s28, $0x1;
	[dreg:$0x2] =	wrdreg s3  }
0xa9: {  	[dreg:$0x3] =	wrdreg s5  }
0xaa: {  	[dreg:$0x4] =	wrdreg $0xC0  }
0xab: {  	_ =	task [dreg:s7], $0x5FFFF  }
0xac: {  	[dreg:$0x1] =	wrdreg $0xFFFFFFFF  }
0xad: {  	[dreg:$0x0] =	wrdreg $0x60  }
0xae: {  	[dreg:$0x2] =	wrdreg s2  }
0xaf: {  	[dreg:$0x3] =	wrdreg s24  }
0xb0: {  	[dreg:$0x4] =	wrdreg $0x80000  }
0xb1: {  	[dreg:$0x5] =	wrdreg $0x9  }
0xb2: {  	_ =	task.clear_ibuf [dreg:s7], $0x6FFFF;
	_ =	strace $0x90000046  }
0xb3: {  	s29 =	simm.s32 $0x9;
	_ =	strace $0x80000048  }
0xb4: {  	_ =	swait.ge [sflag:s29], $0x1  }
0xb5: {  	[sflag:s29] =	ssyncadd.s32 $0xFFFFFFFF  }
0xb6: {  	_ =	strace $0x90000048  }
0xb7: {  	_ =	sfence  }
0xb8: {  	s30 =	sld [smem:$0x0];
	_ =	sdelay $0x2  }
0xb9: {  	s31 =	sshll.u32 s1, $0xD;
	s1 =	sshrl.u32 s1, $0x2  }
0xba: {  	s3 =	sand.u32 $0x4000, s31;
	s1 =	sadd.s32 s1, s30  }
0xbb: {  	s0 =	sor.u32 s3, s0;
	s1 =	sshll.u32 s1, $0x11  }
0xbc: {  	s0 =	sor.u32 s1, s0  }
0xbd: {  	s0 =	sadd.s32 $0x8F2B, s0  }
0xbe: {  	[sflag:s0] =	ssyncadd.remote.s32 $0x1  }
0xbf: {  	_ =	sfence.sel $0xFFFF  }
0xc0: {  	[dreg:$0x0] =	wrdreg $0xFFFFFFFF;
	(pc) =	sbr.abs _section_cstart, $3  }
0xc1: {  	[dreg:$0x1] =	wrdreg $0xFFFFFFFF  }
0xc2: {  	_ =	task.clear_ibuf [dreg:s7], $0x2FFFF;
	_ =	strace $0x9FFFFFFF  }
0xc3: {  	(tm) =	ssettm $0x7FFFFFFF  }
tec
execute0_lowered:
.L_overlay_start_1:
0x0: {  	(tag) =	ssettag $0x1  }
0x1: {  	s1 =	rddreg [dreg:$0x0]  }
0x2: {  	s8 =	rddreg [dreg:$0x1]  }
0x3: {  	s2 =	rddreg [dreg:$0x2];
	s3 =	srdreg.scid  }
0x4: {  	s4 =	simm.s32 $0x0;
	s0 =	stileid.u32;
	s18 =	simm.s32 $0x4  }
0x5: {  	s22 =	simm.s32 $0x78;
	s23 =	simm.s32 $0x800;
	s28 =	simm.s32 $0x1  }
0x6: {  	s29 =	simm.s32 $0x0;
	s9 =	sand.u32 $0x1, s3;
	[smem:$0x7FF] =	sst s4  }
0x7: {  	s11 =	smul.u32 $0x13C00, s0;
	s5 =	sadd.s32 $0x3E00, s8;
	s6 =	sadd.s32 $0xE600, s8  }
0x8: {  	s7 =	sadd.s32 $0x18E00, s8;
	s24 =	sshll.u32 s0, $0x1;
	s25 =	smul.u32 $0x4F000, s0  }
0x9: {  	s10 =	smul.u32 $0x13C000, s9;
	s12 =	ssub.s32 $0x2, s9;
	s9 =	sor.u32 s9, s24  }
0xa: {  	_ =	strace $0x80000047;
	s13 =	sshrl.u32 s12, $0x1;
	s14 =	smul.u32 $0x2A00, s9  }
0xb: {  	s26 =	sshrl.u32 s25, $0x2;
	s25 =	simm.s32 $0x4400;
	s10 =	sadd.s32 s11, s10  }
0xc: {  	s16 =	ssub.s32 s12, s13;
	s17 =	sadd.s32 s26, s2;
	s26 =	simm.s32 $0x2  }
.Ltmp0:
0xd: {  	s10 =	sshrl.u32 s10, $0x3;
	s30 =	sshrl.u32 s14, $0x3;
	(pc) =	sbr.rel .LBB2_1-.Ltmp0, $4  }
0xe: {  	s14 =	sadd.s32 $0x400, s14;
	s16 =	smax.u32 s16, $0x1;
	s17 =	sshrl.u32 s17, $0x3  }
0xf: {  	s15 =	sadd.s32 s10, s8;
	s8 =	sshll.u32 s0, $0x6;
	s10 =	sadd.s32 s5, s30  }
0x10: {  	s31 =	sadd.s32 $0x40, s30;
	s11 =	sadd.s32 s6, s30;
	s9 =	sor.u32 $0x1C02, s8  }
0x11: {  	s12 =	sadd.s32 s5, s31;
	s13 =	sadd.s32 s6, s31;
	s15 =	sadd.s32 $0x1B600, s15  }
.LBB2_3:
0x12: {  	_ =	swait.ge [sflag:s26], $0x3C00  }
0x13: {  	[sflag:s26] =	ssyncset.done $0x0  }
0x14: {  	[sflag:s26] =	ssyncadd.s32 $0xFFFFC400  }
0x15: {  	_ =	swait.ge [sflag:s26], $0x3C00  }
0x16: {  	[sflag:s26] =	ssyncset.done $0x0  }
0x17: {  	[sflag:s26] =	ssyncadd.s32 $0xFFFFC400  }
.LBB2_5:
0x18: {  	s29 =	sadd.s32 $0x1, s29  }
0x19: {  	p0 =	sne.s32 s29, s16  }
.Ltmp1:
0x1a: {  	[bflag:$0x0] =	sbarrier.arrive $0xFFFF;
	s0 =	sor.u32 $0x1C04, s8;
	(pc) =	sbr.rel @!p0 .LBB2_6-.Ltmp1, $4  }
0x1b: {  	[hbm:s15], [sflag:s0] =	dma.local [spmem:s17], $0x2780  }
0x1c: {  	_ =	swait.ge [sflag:s18], $0x2780  }
0x1d: {  	[sflag:s18] =	ssyncset.done $0x0  }
0x1e: {  	[sflag:s18] =	ssyncadd.s32 $0xFFFFD880  }
.LBB2_1:
0x1f: {  	[spmem:s17], [sflag:s9] =	dma.local [hbm:s7], $0x2780  }
0x20: {  	[tilespmem:s4], [sflag:$0x4] =	stream.linear.gather [hbm4b:s10+s4], $0x200, $0x38;
	[tilespmem:$0x1BC00] =	vst v63  }
0x21: {  	_ =	swait.ge [sflag:s18], $0x200  }
0x22: {  	[sflag:s18] =	ssyncset.done $0x0  }
0x23: {  	s0 =	simm.s32 $0x400;
	[sflag:s18] =	ssyncadd.s32 $0xFFFFFE00  }
0x24: {  	[tilespmem:s0], [sflag:$0x4] =	stream.linear.gather [hbm4b:s11+s4], $0x200, $0x38;
	[tilespmem:$0x1BC00] =	vst v63  }
0x25: {  	_ =	swait.ge [sflag:s18], $0x200  }
0x26: {  	[sflag:s18] =	ssyncset.done $0x0  }
0x27: {  	s20 =	simm.s32 $0x200;
	[sflag:s18] =	ssyncadd.s32 $0xFFFFFE00  }
0x28: {  	[tilespmem:s20], [sflag:$0x3] =	stream.linear.gather [hbm4b:s12+s4], $0x200, $0x38;
	[tilespmem:$0x1BC00] =	vst v63  }
0x29: {  	s21 =	simm.s32 $0x600  }
0x2a: {  	[tilespmem:s21], [sflag:$0x3] =	stream.linear.gather [hbm4b:s13+s4], $0x200, $0x38;
	[tilespmem:$0x1BC00] =	vst v63  }
0x2b: {  	_ = 	snop  }
0x2c: {  	[tilespmem:s23], [sflag:$0x1] =	stream.indirect.gather [hbm4b:s1+s22], $0x80, s4, s22, $0xb8;
	[tilespmem:$0x1BC00] =	vst v63  }
0x2d: {  	s24 =	simm.s32 $0x80  }
0x2e: {  	[tilespmem:s25], [sflag:$0x1] =	stream.indirect.gather [hbm4b:s1+s22], $0x80, s24, s22, $0xb8;
	[tilespmem:$0x1BC00] =	vst v63  }
0x2f: {  	_ =	swait.ge [sflag:s26], $0x2780  }
0x30: {  	[sflag:s26] =	ssyncset.done $0x0  }
0x31: {  	[sflag:s26] =	ssyncadd.s32 $0xFFFFD880  }
0x32: {  	s30 =	simm.s32 $0x0;
	s31 =	simm.s32 $0x0;
	[bflag:$0x0] =	sbarrier.arrive $0xFFFF  }
.LBB2_2:
0x33: {  	s0 =	sand.u32 $0x1, s31;
	_ =	swait.ge [sflag:s28], $0x3C00;
	s3 =	sand.u32 $0x200, s30  }
0x34: {  	[sflag:s28] =	ssyncset.done $0x0;
	s19 =	sor.u32 $0x400, s3;
	s20 =	sshll.u32 s0, $0x8  }
0x35: {  	[sflag:s28] =	ssyncadd.s32 $0xFFFFC400;
	s20 =	sor.u32 s20, s19  }
0x36: {  	[spmem:s2] =	stream.indirect.scatter.add.f32 [tilespmem:s23], [sflag:$0x2], $0x80, s20, s22, $0xb8;
	[tilespmem:$0x1BC00] =	vst v63  }
0x37: {  	_ =	swait.ge [sflag:s28], $0x3C00  }
0x38: {  	p1 =	seq.s32 s0, $0x1;
	[sflag:s28] =	ssyncset.done $0x0  }
0x39: {  	s0 =	simm.s32 @!p1 $0x2;
	s20 =	sor.u32 $0x80, s20;
	[sflag:s28] =	ssyncadd.s32 $0xFFFFC400  }
0x3a: {  	[spmem:s2] =	stream.indirect.scatter.add.f32 [tilespmem:s25], [sflag:$0x2], $0x80, s20, s22, $0xb8;
	[tilespmem:$0x1BC00] =	vst v63  }
0x3b: {  	_ =	swait.ge @!p1 [sflag:s0], $0x3C00  }
0x3c: {  	s21 =	simm.s32 @!p1 $0x78;
	[sflag:s0] =	ssyncset.done @!p1 $0x0  }
0x3d: {  	s24 =	simm.s32 @!p1 $0x800;
	s20 =	sadd.s32 @!p1 $0x100, s3;
	[sflag:s0] =	ssyncadd.s32 @!p1 $0xFFFFC400  }
0x3e: {  	[tilespmem:s24], [sflag:$0x1] =	stream.indirect.gather @!p1 [hbm4b:s1+s21], $0x80, s20, s21, $0xb8;
	[tilespmem:$0x1BC00] =	vst v63  }
0x3f: {  	p2 =	seq.s32 s31, $0x29;
	_ =	swait.ge @!p1 [sflag:s0], $0x3C00  }
0x40: {  	p0 =	por !p1, p2;
	[sflag:s0] =	ssyncset.done @!p1 $0x0  }
0x41: {  	s20 =	simm.s32 @!p1 $0x4400;
	[sflag:s0] =	ssyncadd.s32 @!p1 $0xFFFFC400;
	s0 =	sadd.s32 @!p1 $0x180, s3  }
0x42: {  	[tilespmem:s20], [sflag:$0x1] =	stream.indirect.gather @!p1 [hbm4b:s1+s21], $0x80, s0, s21, $0xb8;
	[tilespmem:$0x1BC00] =	vst v63  }
0x43: {  	s0 =	simm.s32 @!p0 $0x2  }
0x44: {  	p3 =	sgt.u32 @!p0 s31, $0x25;
	_ =	swait.ge @!p0 [sflag:s0], $0x3C00  }
0x45: {  	p1 =	por @!p2 p3, !p1;
	[sflag:s0] =	ssyncset.done @!p0 $0x0  }
0x46: {  	s20 =	sand.u32 $0x3E00, s30;
	p1 =	por p1, p2;
	[sflag:s0] =	ssyncadd.s32 @!p0 $0xFFFFC400  }
0x47: {  	s20 =	sadd.s32 @!p1 s20, s14;
	_ =	swait.ge @!p0 [sflag:s0], $0x3C00  }
0x48: {  	s20 =	sshrl.u32 @!p1 s20, $0x3;
	[sflag:s0] =	ssyncset.done @!p0 $0x0  }
0x49: {  	s21 =	simm.s32 @!p1 $0x0;
	[sflag:s0] =	ssyncadd.s32 @!p0 $0xFFFFC400;
	s0 =	sadd.s32 @!p1 s5, s20  }
0x4a: {  	[tilespmem:s3], [sflag:$0x3] =	stream.linear.gather @!p1 [hbm4b:s0+s21], $0x200, $0x38;
	[tilespmem:$0x1BC00] =	vst v63  }
0x4b: {  	s0 =	sadd.s32 @!p1 s6, s20  }
0x4c: {  	[tilespmem:s19], [sflag:$0x3] =	stream.linear.gather @!p1 [hbm4b:s0+s21], $0x200, $0x38;
	[tilespmem:$0x1BC00] =	vst v63  }
0x4d: {  	s0 =	simm.s32 @!p0 $0x3  }
0x4e: {  	_ =	swait.ge @!p0 [sflag:s0], $0x200  }
0x4f: {  	[sflag:s0] =	ssyncset.done @!p0 $0x0  }
0x50: {  	[sflag:s0] =	ssyncadd.s32 @!p0 $0xFFFFFE00  }
0x51: {  	_ =	swait.ge @!p0 [sflag:s0], $0x200  }
0x52: {  	s20 =	simm.s32 @!p0 $0x800;
	[sflag:s0] =	ssyncset.done @!p0 $0x0  }
0x53: {  	s19 =	simm.s32 @!p0 $0x78;
	[sflag:s0] =	ssyncadd.s32 @!p0 $0xFFFFFE00;
	s0 =	ssub.s32 @!p0 $0x200, s3  }
0x54: {  	[tilespmem:s20], [sflag:$0x1] =	stream.indirect.gather @!p0 [hbm4b:s1+s19], $0x80, s0, s19, $0xb8;
	[tilespmem:$0x1BC00] =	vst v63  }
0x55: {  	s0 =	ssub.s32 @!p0 $0x280, s3;
	s3 =	simm.s32 @!p0 $0x4400  }
0x56: {  	[tilespmem:s3], [sflag:$0x1] =	stream.indirect.gather @!p0 [hbm4b:s1+s19], $0x80, s0, s19, $0xb8;
	[tilespmem:$0x1BC00] =	vst v63  }
0x57: {  	p0 =	sne.s32 s31, $0x29  }
.Ltmp2:
0x58: {  	_ = 	snop;
	(pc) =	sbr.rel @!p0 .LBB2_3-.Ltmp2, $1  }
0x59: {  	_ =	sdelay $0x3  }
0x5a: {  	s31 =	sadd.s32 $0x1, s31  }
0x5b: {  	p0 =	sne.s32 s31, $0x2A  }
.Ltmp3:
0x5c: {  	_ = 	snop;
	(pc) =	sbr.rel @p0 .LBB2_2-.Ltmp3, $4  }
.Ltmp4:
0x5d: {  	_ = 	snop;
	(pc) =	sbr.rel @!p0 .LBB2_5-.Ltmp4, $4  }
0x5e: {  	_ = 	snop  }
0x5f: {  	_ = 	snop  }
0x60: {  	s30 =	sadd.s32 $0x100, s30  }
0x61: {  	_ = 	snop  }
.LBB2_6:
0x62: {  	_ =	sfence.sel $0x180000  }
0x63: {  	[bflag:$0x0] =	sbarrier.arrive $0xFFFF  }
0x64: {  	_ =	strace $0x90000047  }
0x65: {  	s0 =	stileid.u32;
	[bflag:$0x2] =	sbarrier.arrive $0xFFFF  }
0x66: {  	p0 =	sne.s32 s0, $0x0;
	s0 =	rddreg [dreg:$0x3]  }
0x67: {  	s0 =	sadd.s32 @!p0 $0x100000, s0  }
0x68: {  	[sflag:s0] =	ssyncadd.tile.s32 @!p0 $0x1;
	_ =	shalt  }
.Lfunc_end2:
_tile_overlayer_lowered:
.L_overlay_start_2:
0x69: {  	(tag) =	ssettag $0x2  }
0x6a: {  	s0 =	rddreg [dreg:$0x0];
	s2 =	stileid.u32  }
0x6b: {  	s1 =	rddreg [dreg:$0x1];
	p0 =	sne.s32 s2, $0x0  }
0x6c: {  	s3 =	rddreg [dreg:$0x2];
	[bflag:$0x3] =	sbarrier.arrive $0xFFFF;
	s2 =	simm.s32 @!p0 $0x1C04  }
0x6d: {  	[timem:s3], [sflag:s2] =	dma.local @!p0 [hbm:s0], s1  }
0x6e: {  	s0 =	simm.s32 @!p0 $0x4  }
0x6f: {  	_ =	swait.ge @!p0 [sflag:s0], s1  }
0x70: {  	s1 =	ssub.s32 @!p0 $0x0, s1;
	[sflag:s0] =	ssyncset.done @!p0 $0x0  }
0x71: {  	[sflag:s0] =	ssyncadd.s32 @!p0 s1  }
0x72: {  	[bflag:$0x3] =	sbarrier.arrive $0xFFFF  }
0x73: {  	_ =	shalt  }

</sc_bundles>
